<compile_context>
chip_gen: v7x
topology: tpu7x:2x2x1
jax: 0.10.2.dev20260603
libtpu: 0.0.44.dev20260713+nightly
codegen_flags: <defaults>
</compile_context>

<pallas_src>
import jax
import jax.numpy as jnp
from jax import lax
from jax.experimental import pallas as pl
from jax.experimental.pallas import tpu as pltpu
from jax.experimental.pallas import tpu_sc as plsc

_NC = 2
_NS = 16
_NW = _NC * _NS
_L = 16
_B = 4096 * 50
_D = 128
_NQ = 257
_CHUNK = 128
_NBUF = 2
_PER_W = _B // _NW
_NCHUNK = _PER_W // _CHUNK


def _sc_body(x_hbm, q_hbm, w_hbm, out_hbm, qbuf, xall, wbuf, rows0, rows1, wsem):
    rows = (rows0, rows1)
    wid = lax.axis_index("s") * _NC + lax.axis_index("c")
    base = wid * _PER_W

    pltpu.sync_copy(q_hbm, qbuf)
    pltpu.sync_copy(w_hbm, wbuf)
    pltpu.sync_copy(x_hbm.at[pl.ds(base, _PER_W)], xall)

    lane = lax.iota(jnp.int32, _L)
    lane128 = lane * _D

    def fill_chunk(c, b):
        rowsb = rows[b]

        @plsc.parallel_loop(0, _CHUNK // _L, unroll=2)
        def group_block(g):
            xv = xall[pl.ds(c * _CHUNK + g * _L, _L)]
            lo = jnp.zeros((_L,), jnp.int32)
            hi = jnp.full((_L,), 255, jnp.int32)
            for _ in range(8):
                mid = lax.shift_right_arithmetic(lo + hi, 1)
                edge = plsc.load_gather(qbuf, [mid + 1])
                go_right = edge < xv
                lo = jnp.where(go_right, mid + 1, lo)
                hi = jnp.where(go_right, hi, mid)
            src = lo * _D
            dst = lane128 + g * (_L * _D)

            @plsc.parallel_loop(0, _D, unroll=16)
            def dim_block(d):
                dj = (lane + d) & (_D - 1)
                val = plsc.load_gather(wbuf, [src + dj])
                plsc.store_scatter(rowsb, [dst + dj], val)

    def start_write(c, b):
        pltpu.make_async_copy(
            rows[b],
            out_hbm.at[pl.ds((base + c * _CHUNK) * _D, _CHUNK * _D)],
            wsem.at[b],
        ).start()

    def wait_write(c, b):
        pltpu.make_async_copy(
            rows[b],
            out_hbm.at[pl.ds((base + c * _CHUNK) * _D, _CHUNK * _D)],
            wsem.at[b],
        ).wait()

    for b in range(_NBUF):
        fill_chunk(b, b)
        start_write(b, b)

    def ring_block(k, carry):
        c0 = k * _NBUF
        for b in range(_NBUF):
            c = c0 + b
            wait_write(c, b)
            fill_chunk(c + _NBUF, b)
            start_write(c + _NBUF, b)
        return carry

    lax.fori_loop(0, _NCHUNK // _NBUF - 1, ring_block, 0)

    c0 = _NCHUNK - _NBUF
    for b in range(_NBUF):
        wait_write(c0 + b, b)


@jax.jit
def _run(x_flat, q, w_flat):
    mesh = plsc.VectorSubcoreMesh(core_axis_name="c", subcore_axis_name="s")
    return pl.kernel(
        _sc_body,
        out_type=jax.ShapeDtypeStruct((_B * _D,), jnp.float32),
        mesh=mesh,
        scratch_types=[
            pltpu.VMEM((_NQ,), jnp.float32),
            pltpu.VMEM((_PER_W,), jnp.float32),
            pltpu.VMEM((256 * _D,), jnp.float32),
            pltpu.VMEM((_CHUNK * _D,), jnp.float32),
            pltpu.VMEM((_CHUNK * _D,), jnp.float32),
            pltpu.SemaphoreType.DMA((_NBUF,)),
        ],
        compiler_params=pltpu.CompilerParams(needs_layout_passes=False),
    )(x_flat, q, w_flat)


def kernel(x, quantiles, W):
    x_flat = x.reshape(_B)
    out = _run(x_flat, quantiles, W.reshape(-1))
    return out.reshape(x.shape[0], x.shape[1], _D)

# --- scband reference (transcript-rebuilt; emitter-appended) ---
"""Pipeline reference for scband-percentile-encoder-38500086842130 (READ-ONLY COPY).

The authoritative reference and input builder live on the scoring server;
editing this copy changes nothing except your own understanding.
"""

import jax, jax.numpy as jnp
import numpy as np


def setup_inputs(seed: int = 0) -> dict:
    key = jax.random.key(seed)
    k1, k2 = jax.random.split(key)
    # x: continuous values, trailing singleton dim (module squeezes it)
    x = jax.random.normal(k1, (4096, 50, 1), dtype=jnp.float32)
    # quantiles: must be strictly monotonically increasing for np.digitize semantics
    quantiles = jnp.arange(257, dtype=jnp.float32)
    # embedding table parameter: nn.Embedding(quant_bins=256, embed_dim=128)
    W = jax.random.normal(k2, (256, 128), dtype=jnp.float32) * 0.02
    return {"x": x, "quantiles": quantiles, "W": W}


def reference(x, quantiles, W):
    # np.digitize(x, bins, right=True) with increasing bins is equivalent to
    # searchsorted(bins, x, side='left'). bins = quantiles[1:-1] (255 inner edges),
    # so tokens lie in [0, 255] = [0, quant_bins-1].
    inner = quantiles[1:-1]
    tokens = jnp.searchsorted(inner, x, side='left')
    tokens = jnp.squeeze(tokens, axis=-1)  # [4096, 50, 1] -> [4096, 50]
    # embedding lookup -> [4096, 50, 128]
    return jnp.take(W, tokens, axis=0)

if __name__ == "__main__":
    import jax
    _d = setup_inputs()
    print(jax.jit(kernel)(*tuple(_d.values())))

</pallas_src>

<mosaic_0001>
#map = affine_map<(d0, d1) -> (0)>
module attributes {stable_mosaic.version = 14 : i64} {
  func.func @_sc_body(%arg0: i32, %arg1: i32, %arg2: memref<204800xf32, #tpu.memory_space<hbm>>, %arg3: memref<257xf32, #tpu.memory_space<hbm>>, %arg4: memref<32768xf32, #tpu.memory_space<hbm>>, %arg5: memref<26214400xf32, #tpu.memory_space<hbm>>, %arg6: memref<257xf32, #tpu.memory_space<vmem>>, %arg7: memref<6400xf32, #tpu.memory_space<vmem>>, %arg8: memref<32768xf32, #tpu.memory_space<vmem>>, %arg9: memref<16384xf32, #tpu.memory_space<vmem>>, %arg10: memref<16384xf32, #tpu.memory_space<vmem>>, %arg11: memref<2x!tpu.dma_semaphore, #tpu.memory_space<semaphore_mem>>) attributes {dimension_semantics = [#tpu.dimension_semantics<core_parallel>, #tpu.dimension_semantics<subcore_parallel>], iteration_bounds = array<i64: 2, 16>, scalar_prefetch = 0 : i64, scratch_operands = 6 : i64, tpu.core_type = #tpu.core_type<sc_vector_subcore>, window_params = [{transform_indices = #map}, {transform_indices = #map}, {transform_indices = #map}, {transform_indices = #map}]} {
    %mul3A = arith.constant 2 : i32
    %mul3A_0 = arith.muli %arg1, %mul3A : i32
    %add3A = arith.addi %mul3A_0, %arg0 : i32
    %mul3A_1 = arith.constant 6400 : i32
    %mul3A_2 = arith.muli %add3A, %mul3A_1 : i32
    "tpu.region"() ({
      %run_scoped3A = tpu.sem_alloc : memref<!tpu.dma_semaphore, #tpu.memory_space<semaphore_mem>>
      tpu.enqueue_dma source(%arg3 : memref<257xf32, #tpu.memory_space<hbm>>) target(%arg6 : memref<257xf32, #tpu.memory_space<vmem>>) target_semaphore(%run_scoped3A : memref<!tpu.dma_semaphore, #tpu.memory_space<semaphore_mem>>)
      tpu.wait_dma2 semaphore(%run_scoped3A : memref<!tpu.dma_semaphore, #tpu.memory_space<semaphore_mem>>) src(%arg3 : memref<257xf32, #tpu.memory_space<hbm>>) dst(%arg6 : memref<257xf32, #tpu.memory_space<vmem>>)
      tpu.yield
    }) : () -> ()
    "tpu.region"() ({
      %run_scoped3A = tpu.sem_alloc : memref<!tpu.dma_semaphore, #tpu.memory_space<semaphore_mem>>
      tpu.enqueue_dma source(%arg4 : memref<32768xf32, #tpu.memory_space<hbm>>) target(%arg8 : memref<32768xf32, #tpu.memory_space<vmem>>) target_semaphore(%run_scoped3A : memref<!tpu.dma_semaphore, #tpu.memory_space<semaphore_mem>>)
      tpu.wait_dma2 semaphore(%run_scoped3A : memref<!tpu.dma_semaphore, #tpu.memory_space<semaphore_mem>>) src(%arg4 : memref<32768xf32, #tpu.memory_space<hbm>>) dst(%arg8 : memref<32768xf32, #tpu.memory_space<vmem>>)
      tpu.yield
    }) : () -> ()
    "tpu.region"() ({
      %run_scoped3A = tpu.sem_alloc : memref<!tpu.dma_semaphore, #tpu.memory_space<semaphore_mem>>
      %dma_start3A_50 = tpu.memref_slice %arg2[%mul3A_2] : memref<204800xf32, #tpu.memory_space<hbm>> -> memref<6400xf32, #tpu.memory_space<hbm>>
      %dma_start3A_51 = tpu.memref_slice %arg2[%mul3A_2] : memref<204800xf32, #tpu.memory_space<hbm>> -> memref<6400xf32, #tpu.memory_space<hbm>>
      tpu.enqueue_dma source(%dma_start3A_51 : memref<6400xf32, #tpu.memory_space<hbm>>) target(%arg7 : memref<6400xf32, #tpu.memory_space<vmem>>) target_semaphore(%run_scoped3A : memref<!tpu.dma_semaphore, #tpu.memory_space<semaphore_mem>>)
      %dma_wait3A_52 = tpu.memref_slice %arg2[%mul3A_2] : memref<204800xf32, #tpu.memory_space<hbm>> -> memref<6400xf32, #tpu.memory_space<hbm>>
      %dma_wait3A_53 = tpu.memref_slice %arg2[%mul3A_2] : memref<204800xf32, #tpu.memory_space<hbm>> -> memref<6400xf32, #tpu.memory_space<hbm>>
      tpu.wait_dma2 semaphore(%run_scoped3A : memref<!tpu.dma_semaphore, #tpu.memory_space<semaphore_mem>>) src(%dma_wait3A_53 : memref<6400xf32, #tpu.memory_space<hbm>>) dst(%arg7 : memref<6400xf32, #tpu.memory_space<vmem>>)
      tpu.yield
    }) : () -> ()
    %iota3A = tpu.iota {dimensions = array<i32: 0>} : vector<16xi32>
    %mul3A_3 = arith.constant 128 : i32
    %mul3A_4 = vector.broadcast %mul3A_3 : i32 to vector<16xi32>
    %mul3A_5 = arith.muli %iota3A, %mul3A_4 : vector<16xi32>
    %parallel_loop3A = arith.constant 0 : i32
    %parallel_loop3A_6 = arith.constant 8 : i32
    %parallel_loop3A_7 = arith.constant 1 : i32
    scf.for %parallel_loop3A_50 = %parallel_loop3A to %parallel_loop3A_6 step %parallel_loop3A_7  : i32 {
      %parallel_loop3A_51 = arith.constant 16 : i32
      %parallel_loop3A_52 = arith.muli %parallel_loop3A_50, %parallel_loop3A_51 : i32
      %parallel_loop3A_53 = arith.constant 0 : i32
      %parallel_loop3A_54 = arith.addi %parallel_loop3A_53, %parallel_loop3A_52 : i32
      %parallel_loop3A_55 = arith.index_cast %parallel_loop3A_54 : i32 to index
      %parallel_loop3A_56 = tpu.vector_load %arg7[%parallel_loop3A_55] {strides = array<i32>} : memref<6400xf32, #tpu.memory_space<vmem>>, vector<16xf32>,
      %parallel_loop3A_57 = arith.constant 0 : i32
      %parallel_loop3A_58 = vector.broadcast %parallel_loop3A_57 : i32 to vector<16xi32>
      %parallel_loop3A_59 = arith.constant 255 : i32
      %parallel_loop3A_60 = vector.broadcast %parallel_loop3A_59 : i32 to vector<16xi32>
      %parallel_loop3A_61 = arith.addi %parallel_loop3A_58, %parallel_loop3A_60 : vector<16xi32>
      %parallel_loop3A_62 = arith.constant 1 : i32
      %parallel_loop3A_63 = vector.broadcast %parallel_loop3A_62 : i32 to vector<16xi32>
      %parallel_loop3A_64 = arith.shrsi %parallel_loop3A_61, %parallel_loop3A_63 : vector<16xi32>
      %parallel_loop3A_65 = arith.constant 1 : i32
      %parallel_loop3A_66 = vector.broadcast %parallel_loop3A_65 : i32 to vector<16xi32>
      %parallel_loop3A_67 = arith.addi %parallel_loop3A_64, %parallel_loop3A_66 : vector<16xi32>
      %parallel_loop3A_68 = tpu.vector_load_idx %arg6[%parallel_loop3A_67] : memref<257xf32, #tpu.memory_space<vmem>>[vector<16xi32>], vector<16xf32>,
      %parallel_loop3A_69 = arith.cmpf olt, %parallel_loop3A_68, %parallel_loop3A_56 : vector<16xf32>
      %parallel_loop3A_70 = arith.constant 1 : i32
      %parallel_loop3A_71 = vector.broadcast %parallel_loop3A_70 : i32 to vector<16xi32>
      %parallel_loop3A_72 = arith.addi %parallel_loop3A_64, %parallel_loop3A_71 : vector<16xi32>
      %parallel_loop3A_73 = arith.select %parallel_loop3A_69, %parallel_loop3A_72, %parallel_loop3A_58 : vector<16xi1>, vector<16xi32>
      %parallel_loop3A_74 = arith.select %parallel_loop3A_69, %parallel_loop3A_60, %parallel_loop3A_64 : vector<16xi1>, vector<16xi32>
      %parallel_loop3A_75 = arith.addi %parallel_loop3A_73, %parallel_loop3A_74 : vector<16xi32>
      %parallel_loop3A_76 = arith.constant 1 : i32
      %parallel_loop3A_77 = vector.broadcast %parallel_loop3A_76 : i32 to vector<16xi32>
      %parallel_loop3A_78 = arith.shrsi %parallel_loop3A_75, %parallel_loop3A_77 : vector<16xi32>
      %parallel_loop3A_79 = arith.constant 1 : i32
      %parallel_loop3A_80 = vector.broadcast %parallel_loop3A_79 : i32 to vector<16xi32>
      %parallel_loop3A_81 = arith.addi %parallel_loop3A_78, %parallel_loop3A_80 : vector<16xi32>
      %parallel_loop3A_82 = tpu.vector_load_idx %arg6[%parallel_loop3A_81] : memref<257xf32, #tpu.memory_space<vmem>>[vector<16xi32>], vector<16xf32>,
      %parallel_loop3A_83 = arith.cmpf olt, %parallel_loop3A_82, %parallel_loop3A_56 : vector<16xf32>
      %parallel_loop3A_84 = arith.constant 1 : i32
      %parallel_loop3A_85 = vector.broadcast %parallel_loop3A_84 : i32 to vector<16xi32>
      %parallel_loop3A_86 = arith.addi %parallel_loop3A_78, %parallel_loop3A_85 : vector<16xi32>
      %parallel_loop3A_87 = arith.select %parallel_loop3A_83, %parallel_loop3A_86, %parallel_loop3A_73 : vector<16xi1>, vector<16xi32>
      %parallel_loop3A_88 = arith.select %parallel_loop3A_83, %parallel_loop3A_74, %parallel_loop3A_78 : vector<16xi1>, vector<16xi32>
      %parallel_loop3A_89 = arith.addi %parallel_loop3A_87, %parallel_loop3A_88 : vector<16xi32>
      %parallel_loop3A_90 = arith.constant 1 : i32
      %parallel_loop3A_91 = vector.broadcast %parallel_loop3A_90 : i32 to vector<16xi32>
      %parallel_loop3A_92 = arith.shrsi %parallel_loop3A_89, %parallel_loop3A_91 : vector<16xi32>
      %parallel_loop3A_93 = arith.constant 1 : i32
      %parallel_loop3A_94 = vector.broadcast %parallel_loop3A_93 : i32 to vector<16xi32>
      %parallel_loop3A_95 = arith.addi %parallel_loop3A_92, %parallel_loop3A_94 : vector<16xi32>
      %parallel_loop3A_96 = tpu.vector_load_idx %arg6[%parallel_loop3A_95] : memref<257xf32, #tpu.memory_space<vmem>>[vector<16xi32>], vector<16xf32>,
      %parallel_loop3A_97 = arith.cmpf olt, %parallel_loop3A_96, %parallel_loop3A_56 : vector<16xf32>
      %parallel_loop3A_98 = arith.constant 1 : i32
      %parallel_loop3A_99 = vector.broadcast %parallel_loop3A_98 : i32 to vector<16xi32>
      %parallel_loop3A_100 = arith.addi %parallel_loop3A_92, %parallel_loop3A_99 : vector<16xi32>
      %parallel_loop3A_101 = arith.select %parallel_loop3A_97, %parallel_loop3A_100, %parallel_loop3A_87 : vector<16xi1>, vector<16xi32>
      %parallel_loop3A_102 = arith.select %parallel_loop3A_97, %parallel_loop3A_88, %parallel_loop3A_92 : vector<16xi1>, vector<16xi32>
      %parallel_loop3A_103 = arith.addi %parallel_loop3A_101, %parallel_loop3A_102 : vector<16xi32>
      %parallel_loop3A_104 = arith.constant 1 : i32
      %parallel_loop3A_105 = vector.broadcast %parallel_loop3A_104 : i32 to vector<16xi32>
      %parallel_loop3A_106 = arith.shrsi %parallel_loop3A_103, %parallel_loop3A_105 : vector<16xi32>
      %parallel_loop3A_107 = arith.constant 1 : i32
      %parallel_loop3A_108 = vector.broadcast %parallel_loop3A_107 : i32 to vector<16xi32>
      %parallel_loop3A_109 = arith.addi %parallel_loop3A_106, %parallel_loop3A_108 : vector<16xi32>
      %parallel_loop3A_110 = tpu.vector_load_idx %arg6[%parallel_loop3A_109] : memref<257xf32, #tpu.memory_space<vmem>>[vector<16xi32>], vector<16xf32>,
      %parallel_loop3A_111 = arith.cmpf olt, %parallel_loop3A_110, %parallel_loop3A_56 : vector<16xf32>
      %parallel_loop3A_112 = arith.constant 1 : i32
      %parallel_loop3A_113 = vector.broadcast %parallel_loop3A_112 : i32 to vector<16xi32>
      %parallel_loop3A_114 = arith.addi %parallel_loop3A_106, %parallel_loop3A_113 : vector<16xi32>
      %parallel_loop3A_115 = arith.select %parallel_loop3A_111, %parallel_loop3A_114, %parallel_loop3A_101 : vector<16xi1>, vector<16xi32>
      %parallel_loop3A_116 = arith.select %parallel_loop3A_111, %parallel_loop3A_102, %parallel_loop3A_106 : vector<16xi1>, vector<16xi32>
      %parallel_loop3A_117 = arith.addi %parallel_loop3A_115, %parallel_loop3A_116 : vector<16xi32>
      %parallel_loop3A_118 = arith.constant 1 : i32
      %parallel_loop3A_119 = vector.broadcast %parallel_loop3A_118 : i32 to vector<16xi32>
      %parallel_loop3A_120 = arith.shrsi %parallel_loop3A_117, %parallel_loop3A_119 : vector<16xi32>
      %parallel_loop3A_121 = arith.constant 1 : i32
      %parallel_loop3A_122 = vector.broadcast %parallel_loop3A_121 : i32 to vector<16xi32>
      %parallel_loop3A_123 = arith.addi %parallel_loop3A_120, %parallel_loop3A_122 : vector<16xi32>
      %parallel_loop3A_124 = tpu.vector_load_idx %arg6[%parallel_loop3A_123] : memref<257xf32, #tpu.memory_space<vmem>>[vector<16xi32>], vector<16xf32>,
      %parallel_loop3A_125 = arith.cmpf olt, %parallel_loop3A_124, %parallel_loop3A_56 : vector<16xf32>
      %parallel_loop3A_126 = arith.constant 1 : i32
      %parallel_loop3A_127 = vector.broadcast %parallel_loop3A_126 : i32 to vector<16xi32>
      %parallel_loop3A_128 = arith.addi %parallel_loop3A_120, %parallel_loop3A_127 : vector<16xi32>
      %parallel_loop3A_129 = arith.select %parallel_loop3A_125, %parallel_loop3A_128, %parallel_loop3A_115 : vector<16xi1>, vector<16xi32>
      %parallel_loop3A_130 = arith.select %parallel_loop3A_125, %parallel_loop3A_116, %parallel_loop3A_120 : vector<16xi1>, vector<16xi32>
      %parallel_loop3A_131 = arith.addi %parallel_loop3A_129, %parallel_loop3A_130 : vector<16xi32>
      %parallel_loop3A_132 = arith.constant 1 : i32
      %parallel_loop3A_133 = vector.broadcast %parallel_loop3A_132 : i32 to vector<16xi32>
      %parallel_loop3A_134 = arith.shrsi %parallel_loop3A_131, %parallel_loop3A_133 : vector<16xi32>
      %parallel_loop3A_135 = arith.constant 1 : i32
      %parallel_loop3A_136 = vector.broadcast %parallel_loop3A_135 : i32 to vector<16xi32>
      %parallel_loop3A_137 = arith.addi %parallel_loop3A_134, %parallel_loop3A_136 : vector<16xi32>
      %parallel_loop3A_138 = tpu.vector_load_idx %arg6[%parallel_loop3A_137] : memref<257xf32, #tpu.memory_space<vmem>>[vector<16xi32>], vector<16xf32>,
      %parallel_loop3A_139 = arith.cmpf olt, %parallel_loop3A_138, %parallel_loop3A_56 : vector<16xf32>
      %parallel_loop3A_140 = arith.constant 1 : i32
      %parallel_loop3A_141 = vector.broadcast %parallel_loop3A_140 : i32 to vector<16xi32>
      %parallel_loop3A_142 = arith.addi %parallel_loop3A_134, %parallel_loop3A_141 : vector<16xi32>
      %parallel_loop3A_143 = arith.select %parallel_loop3A_139, %parallel_loop3A_142, %parallel_loop3A_129 : vector<16xi1>, vector<16xi32>
      %parallel_loop3A_144 = arith.select %parallel_loop3A_139, %parallel_loop3A_130, %parallel_loop3A_134 : vector<16xi1>, vector<16xi32>
      %parallel_loop3A_145 = arith.addi %parallel_loop3A_143, %parallel_loop3A_144 : vector<16xi32>
      %parallel_loop3A_146 = arith.constant 1 : i32
      %parallel_loop3A_147 = vector.broadcast %parallel_loop3A_146 : i32 to vector<16xi32>
      %parallel_loop3A_148 = arith.shrsi %parallel_loop3A_145, %parallel_loop3A_147 : vector<16xi32>
      %parallel_loop3A_149 = arith.constant 1 : i32
      %parallel_loop3A_150 = vector.broadcast %parallel_loop3A_149 : i32 to vector<16xi32>
      %parallel_loop3A_151 = arith.addi %parallel_loop3A_148, %parallel_loop3A_150 : vector<16xi32>
      %parallel_loop3A_152 = tpu.vector_load_idx %arg6[%parallel_loop3A_151] : memref<257xf32, #tpu.memory_space<vmem>>[vector<16xi32>], vector<16xf32>,
      %parallel_loop3A_153 = arith.cmpf olt, %parallel_loop3A_152, %parallel_loop3A_56 : vector<16xf32>
      %parallel_loop3A_154 = arith.constant 1 : i32
      %parallel_loop3A_155 = vector.broadcast %parallel_loop3A_154 : i32 to vector<16xi32>
      %parallel_loop3A_156 = arith.addi %parallel_loop3A_148, %parallel_loop3A_155 : vector<16xi32>
      %parallel_loop3A_157 = arith.select %parallel_loop3A_153, %parallel_loop3A_156, %parallel_loop3A_143 : vector<16xi1>, vector<16xi32>
      %parallel_loop3A_158 = arith.select %parallel_loop3A_153, %parallel_loop3A_144, %parallel_loop3A_148 : vector<16xi1>, vector<16xi32>
      %parallel_loop3A_159 = arith.addi %parallel_loop3A_157, %parallel_loop3A_158 : vector<16xi32>
      %parallel_loop3A_160 = arith.constant 1 : i32
      %parallel_loop3A_161 = vector.broadcast %parallel_loop3A_160 : i32 to vector<16xi32>
      %parallel_loop3A_162 = arith.shrsi %parallel_loop3A_159, %parallel_loop3A_161 : vector<16xi32>
      %parallel_loop3A_163 = arith.constant 1 : i32
      %parallel_loop3A_164 = vector.broadcast %parallel_loop3A_163 : i32 to vector<16xi32>
      %parallel_loop3A_165 = arith.addi %parallel_loop3A_162, %parallel_loop3A_164 : vector<16xi32>
      %parallel_loop3A_166 = tpu.vector_load_idx %arg6[%parallel_loop3A_165] : memref<257xf32, #tpu.memory_space<vmem>>[vector<16xi32>], vector<16xf32>,
      %parallel_loop3A_167 = arith.cmpf olt, %parallel_loop3A_166, %parallel_loop3A_56 : vector<16xf32>
      %parallel_loop3A_168 = arith.constant 1 : i32
      %parallel_loop3A_169 = vector.broadcast %parallel_loop3A_168 : i32 to vector<16xi32>
      %parallel_loop3A_170 = arith.addi %parallel_loop3A_162, %parallel_loop3A_169 : vector<16xi32>
      %parallel_loop3A_171 = arith.select %parallel_loop3A_167, %parallel_loop3A_170, %parallel_loop3A_157 : vector<16xi1>, vector<16xi32>
      %parallel_loop3A_172 = arith.select %parallel_loop3A_167, %parallel_loop3A_158, %parallel_loop3A_162 : vector<16xi1>, vector<16xi32>
      %parallel_loop3A_173 = arith.constant 128 : i32
      %parallel_loop3A_174 = vector.broadcast %parallel_loop3A_173 : i32 to vector<16xi32>
      %parallel_loop3A_175 = arith.muli %parallel_loop3A_171, %parallel_loop3A_174 : vector<16xi32>
      %parallel_loop3A_176 = arith.constant 2048 : i32
      %parallel_loop3A_177 = arith.muli %parallel_loop3A_50, %parallel_loop3A_176 : i32
      %parallel_loop3A_178 = vector.broadcast %parallel_loop3A_177 : i32 to vector<16xi32>
      %parallel_loop3A_179 = arith.addi %mul3A_5, %parallel_loop3A_178 : vector<16xi32>
      %parallel_loop3A_180 = arith.constant 0 : i32
      %parallel_loop3A_181 = arith.constant 128 : i32
      %parallel_loop3A_182 = arith.constant 1 : i32
      scf.for %parallel_loop3A_183 = %parallel_loop3A_180 to %parallel_loop3A_181 step %parallel_loop3A_182  : i32 {
        %parallel_loop3A_184 = vector.broadcast %parallel_loop3A_183 : i32 to vector<16xi32>
        %parallel_loop3A_185 = arith.addi %iota3A, %parallel_loop3A_184 : vector<16xi32>
        %parallel_loop3A_186 = arith.constant 127 : i32
        %parallel_loop3A_187 = vector.broadcast %parallel_loop3A_186 : i32 to vector<16xi32>
        %parallel_loop3A_188 = arith.andi %parallel_loop3A_185, %parallel_loop3A_187 : vector<16xi32>
        %parallel_loop3A_189 = arith.addi %parallel_loop3A_175, %parallel_loop3A_188 : vector<16xi32>
        %parallel_loop3A_190 = tpu.vector_load_idx %arg8[%parallel_loop3A_189] : memref<32768xf32, #tpu.memory_space<vmem>>[vector<16xi32>], vector<16xf32>,
        %parallel_loop3A_191 = arith.addi %parallel_loop3A_179, %parallel_loop3A_188 : vector<16xi32>
        tpu.vector_store_idx %arg9[%parallel_loop3A_191], %parallel_loop3A_190 : memref<16384xf32, #tpu.memory_space<vmem>>[vector<16xi32>], vector<16xf32>,
      } {sc.loop_unroll_factor = 16 : i64, sc.parallel_access}
    } {sc.loop_unroll_factor = 2 : i64, sc.parallel_access}
    %add3A_8 = arith.constant 0 : i32
    %add3A_9 = arith.addi %mul3A_2, %add3A_8 : i32
    %mul3A_10 = arith.constant 128 : i32
    %mul3A_11 = arith.muli %add3A_9, %mul3A_10 : i32
    %dma_start3A = arith.constant 0 : i32
    %dma_start3A_12 = tpu.memref_slice %arg5[%mul3A_11] : memref<26214400xf32, #tpu.memory_space<hbm>> -> memref<16384xf32, #tpu.memory_space<hbm>>
    %dma_start3A_13 = tpu.memref_slice %arg11[%dma_start3A] : memref<2x!tpu.dma_semaphore, #tpu.memory_space<semaphore_mem>> -> memref<1x!tpu.dma_semaphore, #tpu.memory_space<semaphore_mem>>
    %dma_start3A_14 = tpu.memref_squeeze %dma_start3A_13 : memref<1x!tpu.dma_semaphore, #tpu.memory_space<semaphore_mem>> -> memref<!tpu.dma_semaphore, #tpu.memory_space<semaphore_mem>>
    %dma_start3A_15 = tpu.memref_slice %arg5[%mul3A_11] : memref<26214400xf32, #tpu.memory_space<hbm>> -> memref<16384xf32, #tpu.memory_space<hbm>>
    tpu.enqueue_dma source(%arg9 : memref<16384xf32, #tpu.memory_space<vmem>>) target(%dma_start3A_15 : memref<16384xf32, #tpu.memory_space<hbm>>) target_semaphore(%dma_start3A_14 : memref<!tpu.dma_semaphore, #tpu.memory_space<semaphore_mem>>)
    %parallel_loop3A_16 = arith.constant 0 : i32
    %parallel_loop3A_17 = arith.constant 8 : i32
    %parallel_loop3A_18 = arith.constant 1 : i32
    scf.for %parallel_loop3A_50 = %parallel_loop3A_16 to %parallel_loop3A_17 step %parallel_loop3A_18  : i32 {
      %parallel_loop3A_51 = arith.constant 16 : i32
      %parallel_loop3A_52 = arith.muli %parallel_loop3A_50, %parallel_loop3A_51 : i32
      %parallel_loop3A_53 = arith.constant 128 : i32
      %parallel_loop3A_54 = arith.addi %parallel_loop3A_53, %parallel_loop3A_52 : i32
      %parallel_loop3A_55 = arith.index_cast %parallel_loop3A_54 : i32 to index
      %parallel_loop3A_56 = tpu.vector_load %arg7[%parallel_loop3A_55] {strides = array<i32>} : memref<6400xf32, #tpu.memory_space<vmem>>, vector<16xf32>,
      %parallel_loop3A_57 = arith.constant 0 : i32
      %parallel_loop3A_58 = vector.broadcast %parallel_loop3A_57 : i32 to vector<16xi32>
      %parallel_loop3A_59 = arith.constant 255 : i32
      %parallel_loop3A_60 = vector.broadcast %parallel_loop3A_59 : i32 to vector<16xi32>
      %parallel_loop3A_61 = arith.addi %parallel_loop3A_58, %parallel_loop3A_60 : vector<16xi32>
      %parallel_loop3A_62 = arith.constant 1 : i32
      %parallel_loop3A_63 = vector.broadcast %parallel_loop3A_62 : i32 to vector<16xi32>
      %parallel_loop3A_64 = arith.shrsi %parallel_loop3A_61, %parallel_loop3A_63 : vector<16xi32>
      %parallel_loop3A_65 = arith.constant 1 : i32
      %parallel_loop3A_66 = vector.broadcast %parallel_loop3A_65 : i32 to vector<16xi32>
      %parallel_loop3A_67 = arith.addi %parallel_loop3A_64, %parallel_loop3A_66 : vector<16xi32>
      %parallel_loop3A_68 = tpu.vector_load_idx %arg6[%parallel_loop3A_67] : memref<257xf32, #tpu.memory_space<vmem>>[vector<16xi32>], vector<16xf32>,
      %parallel_loop3A_69 = arith.cmpf olt, %parallel_loop3A_68, %parallel_loop3A_56 : vector<16xf32>
      %parallel_loop3A_70 = arith.constant 1 : i32
      %parallel_loop3A_71 = vector.broadcast %parallel_loop3A_70 : i32 to vector<16xi32>
      %parallel_loop3A_72 = arith.addi %parallel_loop3A_64, %parallel_loop3A_71 : vector<16xi32>
      %parallel_loop3A_73 = arith.select %parallel_loop3A_69, %parallel_loop3A_72, %parallel_loop3A_58 : vector<16xi1>, vector<16xi32>
      %parallel_loop3A_74 = arith.select %parallel_loop3A_69, %parallel_loop3A_60, %parallel_loop3A_64 : vector<16xi1>, vector<16xi32>
      %parallel_loop3A_75 = arith.addi %parallel_loop3A_73, %parallel_loop3A_74 : vector<16xi32>
      %parallel_loop3A_76 = arith.constant 1 : i32
      %parallel_loop3A_77 = vector.broadcast %parallel_loop3A_76 : i32 to vector<16xi32>
      %parallel_loop3A_78 = arith.shrsi %parallel_loop3A_75, %parallel_loop3A_77 : vector<16xi32>
      %parallel_loop3A_79 = arith.constant 1 : i32
      %parallel_loop3A_80 = vector.broadcast %parallel_loop3A_79 : i32 to vector<16xi32>
      %parallel_loop3A_81 = arith.addi %parallel_loop3A_78, %parallel_loop3A_80 : vector<16xi32>
      %parallel_loop3A_82 = tpu.vector_load_idx %arg6[%parallel_loop3A_81] : memref<257xf32, #tpu.memory_space<vmem>>[vector<16xi32>], vector<16xf32>,
      %parallel_loop3A_83 = arith.cmpf olt, %parallel_loop3A_82, %parallel_loop3A_56 : vector<16xf32>
      %parallel_loop3A_84 = arith.constant 1 : i32
      %parallel_loop3A_85 = vector.broadcast %parallel_loop3A_84 : i32 to vector<16xi32>
      %parallel_loop3A_86 = arith.addi %parallel_loop3A_78, %parallel_loop3A_85 : vector<16xi32>
      %parallel_loop3A_87 = arith.select %parallel_loop3A_83, %parallel_loop3A_86, %parallel_loop3A_73 : vector<16xi1>, vector<16xi32>
      %parallel_loop3A_88 = arith.select %parallel_loop3A_83, %parallel_loop3A_74, %parallel_loop3A_78 : vector<16xi1>, vector<16xi32>
      %parallel_loop3A_89 = arith.addi %parallel_loop3A_87, %parallel_loop3A_88 : vector<16xi32>
      %parallel_loop3A_90 = arith.constant 1 : i32
      %parallel_loop3A_91 = vector.broadcast %parallel_loop3A_90 : i32 to vector<16xi32>
      %parallel_loop3A_92 = arith.shrsi %parallel_loop3A_89, %parallel_loop3A_91 : vector<16xi32>
      %parallel_loop3A_93 = arith.constant 1 : i32
      %parallel_loop3A_94 = vector.broadcast %parallel_loop3A_93 : i32 to vector<16xi32>
      %parallel_loop3A_95 = arith.addi %parallel_loop3A_92, %parallel_loop3A_94 : vector<16xi32>
      %parallel_loop3A_96 = tpu.vector_load_idx %arg6[%parallel_loop3A_95] : memref<257xf32, #tpu.memory_space<vmem>>[vector<16xi32>], vector<16xf32>,
      %parallel_loop3A_97 = arith.cmpf olt, %parallel_loop3A_96, %parallel_loop3A_56 : vector<16xf32>
      %parallel_loop3A_98 = arith.constant 1 : i32
      %parallel_loop3A_99 = vector.broadcast %parallel_loop3A_98 : i32 to vector<16xi32>
      %parallel_loop3A_100 = arith.addi %parallel_loop3A_92, %parallel_loop3A_99 : vector<16xi32>
      %parallel_loop3A_101 = arith.select %parallel_loop3A_97, %parallel_loop3A_100, %parallel_loop3A_87 : vector<16xi1>, vector<16xi32>
      %parallel_loop3A_102 = arith.select %parallel_loop3A_97, %parallel_loop3A_88, %parallel_loop3A_92 : vector<16xi1>, vector<16xi32>
      %parallel_loop3A_103 = arith.addi %parallel_loop3A_101, %parallel_loop3A_102 : vector<16xi32>
      %parallel_loop3A_104 = arith.constant 1 : i32
      %parallel_loop3A_105 = vector.broadcast %parallel_loop3A_104 : i32 to vector<16xi32>
      %parallel_loop3A_106 = arith.shrsi %parallel_loop3A_103, %parallel_loop3A_105 : vector<16xi32>
      %parallel_loop3A_107 = arith.constant 1 : i32
      %parallel_loop3A_108 = vector.broadcast %parallel_loop3A_107 : i32 to vector<16xi32>
      %parallel_loop3A_109 = arith.addi %parallel_loop3A_106, %parallel_loop3A_108 : vector<16xi32>
      %parallel_loop3A_110 = tpu.vector_load_idx %arg6[%parallel_loop3A_109] : memref<257xf32, #tpu.memory_space<vmem>>[vector<16xi32>], vector<16xf32>,
      %parallel_loop3A_111 = arith.cmpf olt, %parallel_loop3A_110, %parallel_loop3A_56 : vector<16xf32>
      %parallel_loop3A_112 = arith.constant 1 : i32
      %parallel_loop3A_113 = vector.broadcast %parallel_loop3A_112 : i32 to vector<16xi32>
      %parallel_loop3A_114 = arith.addi %parallel_loop3A_106, %parallel_loop3A_113 : vector<16xi32>
      %parallel_loop3A_115 = arith.select %parallel_loop3A_111, %parallel_loop3A_114, %parallel_loop3A_101 : vector<16xi1>, vector<16xi32>
      %parallel_loop3A_116 = arith.select %parallel_loop3A_111, %parallel_loop3A_102, %parallel_loop3A_106 : vector<16xi1>, vector<16xi32>
      %parallel_loop3A_117 = arith.addi %parallel_loop3A_115, %parallel_loop3A_116 : vector<16xi32>
      %parallel_loop3A_118 = arith.constant 1 : i32
      %parallel_loop3A_119 = vector.broadcast %parallel_loop3A_118 : i32 to vector<16xi32>
      %parallel_loop3A_120 = arith.shrsi %parallel_loop3A_117, %parallel_loop3A_119 : vector<16xi32>
      %parallel_loop3A_121 = arith.constant 1 : i32
      %parallel_loop3A_122 = vector.broadcast %parallel_loop3A_121 : i32 to vector<16xi32>
      %parallel_loop3A_123 = arith.addi %parallel_loop3A_120, %parallel_loop3A_122 : vector<16xi32>
      %parallel_loop3A_124 = tpu.vector_load_idx %arg6[%parallel_loop3A_123] : memref<257xf32, #tpu.memory_space<vmem>>[vector<16xi32>], vector<16xf32>,
      %parallel_loop3A_125 = arith.cmpf olt, %parallel_loop3A_124, %parallel_loop3A_56 : vector<16xf32>
      %parallel_loop3A_126 = arith.constant 1 : i32
      %parallel_loop3A_127 = vector.broadcast %parallel_loop3A_126 : i32 to vector<16xi32>
      %parallel_loop3A_128 = arith.addi %parallel_loop3A_120, %parallel_loop3A_127 : vector<16xi32>
      %parallel_loop3A_129 = arith.select %parallel_loop3A_125, %parallel_loop3A_128, %parallel_loop3A_115 : vector<16xi1>, vector<16xi32>
      %parallel_loop3A_130 = arith.select %parallel_loop3A_125, %parallel_loop3A_116, %parallel_loop3A_120 : vector<16xi1>, vector<16xi32>
      %parallel_loop3A_131 = arith.addi %parallel_loop3A_129, %parallel_loop3A_130 : vector<16xi32>
      %parallel_loop3A_132 = arith.constant 1 : i32
      %parallel_loop3A_133 = vector.broadcast %parallel_loop3A_132 : i32 to vector<16xi32>
      %parallel_loop3A_134 = arith.shrsi %parallel_loop3A_131, %parallel_loop3A_133 : vector<16xi32>
      %parallel_loop3A_135 = arith.constant 1 : i32
      %parallel_loop3A_136 = vector.broadcast %parallel_loop3A_135 : i32 to vector<16xi32>
      %parallel_loop3A_137 = arith.addi %parallel_loop3A_134, %parallel_loop3A_136 : vector<16xi32>
      %parallel_loop3A_138 = tpu.vector_load_idx %arg6[%parallel_loop3A_137] : memref<257xf32, #tpu.memory_space<vmem>>[vector<16xi32>], vector<16xf32>,
      %parallel_loop3A_139 = arith.cmpf olt, %parallel_loop3A_138, %parallel_loop3A_56 : vector<16xf32>
      %parallel_loop3A_140 = arith.constant 1 : i32
      %parallel_loop3A_141 = vector.broadcast %parallel_loop3A_140 : i32 to vector<16xi32>
      %parallel_loop3A_142 = arith.addi %parallel_loop3A_134, %parallel_loop3A_141 : vector<16xi32>
      %parallel_loop3A_143 = arith.select %parallel_loop3A_139, %parallel_loop3A_142, %parallel_loop3A_129 : vector<16xi1>, vector<16xi32>
      %parallel_loop3A_144 = arith.select %parallel_loop3A_139, %parallel_loop3A_130, %parallel_loop3A_134 : vector<16xi1>, vector<16xi32>
      %parallel_loop3A_145 = arith.addi %parallel_loop3A_143, %parallel_loop3A_144 : vector<16xi32>
      %parallel_loop3A_146 = arith.constant 1 : i32
      %parallel_loop3A_147 = vector.broadcast %parallel_loop3A_146 : i32 to vector<16xi32>
      %parallel_loop3A_148 = arith.shrsi %parallel_loop3A_145, %parallel_loop3A_147 : vector<16xi32>
      %parallel_loop3A_149 = arith.constant 1 : i32
      %parallel_loop3A_150 = vector.broadcast %parallel_loop3A_149 : i32 to vector<16xi32>
      %parallel_loop3A_151 = arith.addi %parallel_loop3A_148, %parallel_loop3A_150 : vector<16xi32>
      %parallel_loop3A_152 = tpu.vector_load_idx %arg6[%parallel_loop3A_151] : memref<257xf32, #tpu.memory_space<vmem>>[vector<16xi32>], vector<16xf32>,
      %parallel_loop3A_153 = arith.cmpf olt, %parallel_loop3A_152, %parallel_loop3A_56 : vector<16xf32>
      %parallel_loop3A_154 = arith.constant 1 : i32
      %parallel_loop3A_155 = vector.broadcast %parallel_loop3A_154 : i32 to vector<16xi32>
      %parallel_loop3A_156 = arith.addi %parallel_loop3A_148, %parallel_loop3A_155 : vector<16xi32>
      %parallel_loop3A_157 = arith.select %parallel_loop3A_153, %parallel_loop3A_156, %parallel_loop3A_143 : vector<16xi1>, vector<16xi32>
      %parallel_loop3A_158 = arith.select %parallel_loop3A_153, %parallel_loop3A_144, %parallel_loop3A_148 : vector<16xi1>, vector<16xi32>
      %parallel_loop3A_159 = arith.addi %parallel_loop3A_157, %parallel_loop3A_158 : vector<16xi32>
      %parallel_loop3A_160 = arith.constant 1 : i32
      %parallel_loop3A_161 = vector.broadcast %parallel_loop3A_160 : i32 to vector<16xi32>
      %parallel_loop3A_162 = arith.shrsi %parallel_loop3A_159, %parallel_loop3A_161 : vector<16xi32>
      %parallel_loop3A_163 = arith.constant 1 : i32
      %parallel_loop3A_164 = vector.broadcast %parallel_loop3A_163 : i32 to vector<16xi32>
      %parallel_loop3A_165 = arith.addi %parallel_loop3A_162, %parallel_loop3A_164 : vector<16xi32>
      %parallel_loop3A_166 = tpu.vector_load_idx %arg6[%parallel_loop3A_165] : memref<257xf32, #tpu.memory_space<vmem>>[vector<16xi32>], vector<16xf32>,
      %parallel_loop3A_167 = arith.cmpf olt, %parallel_loop3A_166, %parallel_loop3A_56 : vector<16xf32>
      %parallel_loop3A_168 = arith.constant 1 : i32
      %parallel_loop3A_169 = vector.broadcast %parallel_loop3A_168 : i32 to vector<16xi32>
      %parallel_loop3A_170 = arith.addi %parallel_loop3A_162, %parallel_loop3A_169 : vector<16xi32>
      %parallel_loop3A_171 = arith.select %parallel_loop3A_167, %parallel_loop3A_170, %parallel_loop3A_157 : vector<16xi1>, vector<16xi32>
      %parallel_loop3A_172 = arith.select %parallel_loop3A_167, %parallel_loop3A_158, %parallel_loop3A_162 : vector<16xi1>, vector<16xi32>
      %parallel_loop3A_173 = arith.constant 128 : i32
      %parallel_loop3A_174 = vector.broadcast %parallel_loop3A_173 : i32 to vector<16xi32>
      %parallel_loop3A_175 = arith.muli %parallel_loop3A_171, %parallel_loop3A_174 : vector<16xi32>
      %parallel_loop3A_176 = arith.constant 2048 : i32
      %parallel_loop3A_177 = arith.muli %parallel_loop3A_50, %parallel_loop3A_176 : i32
      %parallel_loop3A_178 = vector.broadcast %parallel_loop3A_177 : i32 to vector<16xi32>
      %parallel_loop3A_179 = arith.addi %mul3A_5, %parallel_loop3A_178 : vector<16xi32>
      %parallel_loop3A_180 = arith.constant 0 : i32
      %parallel_loop3A_181 = arith.constant 128 : i32
      %parallel_loop3A_182 = arith.constant 1 : i32
      scf.for %parallel_loop3A_183 = %parallel_loop3A_180 to %parallel_loop3A_181 step %parallel_loop3A_182  : i32 {
        %parallel_loop3A_184 = vector.broadcast %parallel_loop3A_183 : i32 to vector<16xi32>
        %parallel_loop3A_185 = arith.addi %iota3A, %parallel_loop3A_184 : vector<16xi32>
        %parallel_loop3A_186 = arith.constant 127 : i32
        %parallel_loop3A_187 = vector.broadcast %parallel_loop3A_186 : i32 to vector<16xi32>
        %parallel_loop3A_188 = arith.andi %parallel_loop3A_185, %parallel_loop3A_187 : vector<16xi32>
        %parallel_loop3A_189 = arith.addi %parallel_loop3A_175, %parallel_loop3A_188 : vector<16xi32>
        %parallel_loop3A_190 = tpu.vector_load_idx %arg8[%parallel_loop3A_189] : memref<32768xf32, #tpu.memory_space<vmem>>[vector<16xi32>], vector<16xf32>,
        %parallel_loop3A_191 = arith.addi %parallel_loop3A_179, %parallel_loop3A_188 : vector<16xi32>
        tpu.vector_store_idx %arg10[%parallel_loop3A_191], %parallel_loop3A_190 : memref<16384xf32, #tpu.memory_space<vmem>>[vector<16xi32>], vector<16xf32>,
      } {sc.loop_unroll_factor = 16 : i64, sc.parallel_access}
    } {sc.loop_unroll_factor = 2 : i64, sc.parallel_access}
    %add3A_19 = arith.constant 128 : i32
    %add3A_20 = arith.addi %mul3A_2, %add3A_19 : i32
    %mul3A_21 = arith.constant 128 : i32
    %mul3A_22 = arith.muli %add3A_20, %mul3A_21 : i32
    %dma_start3A_23 = arith.constant 1 : i32
    %dma_start3A_24 = tpu.memref_slice %arg5[%mul3A_22] : memref<26214400xf32, #tpu.memory_space<hbm>> -> memref<16384xf32, #tpu.memory_space<hbm>>
    %dma_start3A_25 = tpu.memref_slice %arg11[%dma_start3A_23] : memref<2x!tpu.dma_semaphore, #tpu.memory_space<semaphore_mem>> -> memref<1x!tpu.dma_semaphore, #tpu.memory_space<semaphore_mem>>
    %dma_start3A_26 = tpu.memref_squeeze %dma_start3A_25 : memref<1x!tpu.dma_semaphore, #tpu.memory_space<semaphore_mem>> -> memref<!tpu.dma_semaphore, #tpu.memory_space<semaphore_mem>>
    %dma_start3A_27 = tpu.memref_slice %arg5[%mul3A_22] : memref<26214400xf32, #tpu.memory_space<hbm>> -> memref<16384xf32, #tpu.memory_space<hbm>>
    tpu.enqueue_dma source(%arg10 : memref<16384xf32, #tpu.memory_space<vmem>>) target(%dma_start3A_27 : memref<16384xf32, #tpu.memory_space<hbm>>) target_semaphore(%dma_start3A_26 : memref<!tpu.dma_semaphore, #tpu.memory_space<semaphore_mem>>)
    %scan3A = arith.constant 0 : i32
    %scan3A_28 = arith.constant 0 : i32
    %scan3A_29 = arith.constant 24 : i32
    %scan3A_30 = arith.addi %scan3A_28, %scan3A_29 : i32
    %scan3A_31 = arith.constant 1 : i32
    scf.for %scan3A_50 = %scan3A_28 to %scan3A_30 step %scan3A_31  : i32 {
      %mul3A_51 = arith.constant 2 : i32
      %mul3A_52 = arith.muli %scan3A_50, %mul3A_51 : i32
      %add3A_53 = arith.constant 0 : i32
      %add3A_54 = arith.addi %mul3A_52, %add3A_53 : i32
      %mul3A_55 = arith.constant 128 : i32
      %mul3A_56 = arith.muli %add3A_54, %mul3A_55 : i32
      %add3A_57 = arith.addi %mul3A_2, %mul3A_56 : i32
      %mul3A_58 = arith.constant 128 : i32
      %mul3A_59 = arith.muli %add3A_57, %mul3A_58 : i32
      %dma_wait3A_60 = arith.constant 0 : i32
      %dma_wait3A_61 = tpu.memref_slice %arg5[%mul3A_59] : memref<26214400xf32, #tpu.memory_space<hbm>> -> memref<16384xf32, #tpu.memory_space<hbm>>
      %dma_wait3A_62 = tpu.memref_slice %arg11[%dma_wait3A_60] : memref<2x!tpu.dma_semaphore, #tpu.memory_space<semaphore_mem>> -> memref<1x!tpu.dma_semaphore, #tpu.memory_space<semaphore_mem>>
      %dma_wait3A_63 = tpu.memref_squeeze %dma_wait3A_62 : memref<1x!tpu.dma_semaphore, #tpu.memory_space<semaphore_mem>> -> memref<!tpu.dma_semaphore, #tpu.memory_space<semaphore_mem>>
      %dma_wait3A_64 = tpu.memref_slice %arg5[%mul3A_59] : memref<26214400xf32, #tpu.memory_space<hbm>> -> memref<16384xf32, #tpu.memory_space<hbm>>
      tpu.wait_dma2 semaphore(%dma_wait3A_63 : memref<!tpu.dma_semaphore, #tpu.memory_space<semaphore_mem>>) src(%arg9 : memref<16384xf32, #tpu.memory_space<vmem>>) dst(%dma_wait3A_64 : memref<16384xf32, #tpu.memory_space<hbm>>)
      %add3A_65 = arith.constant 2 : i32
      %add3A_66 = arith.addi %add3A_54, %add3A_65 : i32
      %parallel_loop3A_67 = arith.constant 0 : i32
      %parallel_loop3A_68 = arith.constant 8 : i32
      %parallel_loop3A_69 = arith.constant 1 : i32
      scf.for %parallel_loop3A_111 = %parallel_loop3A_67 to %parallel_loop3A_68 step %parallel_loop3A_69  : i32 {
        %parallel_loop3A_112 = arith.constant 128 : i32
        %parallel_loop3A_113 = arith.muli %add3A_66, %parallel_loop3A_112 : i32
        %parallel_loop3A_114 = arith.constant 16 : i32
        %parallel_loop3A_115 = arith.muli %parallel_loop3A_111, %parallel_loop3A_114 : i32
        %parallel_loop3A_116 = arith.addi %parallel_loop3A_113, %parallel_loop3A_115 : i32
        %parallel_loop3A_117 = arith.index_cast %parallel_loop3A_116 : i32 to index
        %parallel_loop3A_118 = tpu.vector_load %arg7[%parallel_loop3A_117] {strides = array<i32>} : memref<6400xf32, #tpu.memory_space<vmem>>, vector<16xf32>,
        %parallel_loop3A_119 = arith.constant 0 : i32
        %parallel_loop3A_120 = vector.broadcast %parallel_loop3A_119 : i32 to vector<16xi32>
        %parallel_loop3A_121 = arith.constant 255 : i32
        %parallel_loop3A_122 = vector.broadcast %parallel_loop3A_121 : i32 to vector<16xi32>
        %parallel_loop3A_123 = arith.addi %parallel_loop3A_120, %parallel_loop3A_122 : vector<16xi32>
        %parallel_loop3A_124 = arith.constant 1 : i32
        %parallel_loop3A_125 = vector.broadcast %parallel_loop3A_124 : i32 to vector<16xi32>
        %parallel_loop3A_126 = arith.shrsi %parallel_loop3A_123, %parallel_loop3A_125 : vector<16xi32>
        %parallel_loop3A_127 = arith.constant 1 : i32
        %parallel_loop3A_128 = vector.broadcast %parallel_loop3A_127 : i32 to vector<16xi32>
        %parallel_loop3A_129 = arith.addi %parallel_loop3A_126, %parallel_loop3A_128 : vector<16xi32>
        %parallel_loop3A_130 = tpu.vector_load_idx %arg6[%parallel_loop3A_129] : memref<257xf32, #tpu.memory_space<vmem>>[vector<16xi32>], vector<16xf32>,
        %parallel_loop3A_131 = arith.cmpf olt, %parallel_loop3A_130, %parallel_loop3A_118 : vector<16xf32>
        %parallel_loop3A_132 = arith.constant 1 : i32
        %parallel_loop3A_133 = vector.broadcast %parallel_loop3A_132 : i32 to vector<16xi32>
        %parallel_loop3A_134 = arith.addi %parallel_loop3A_126, %parallel_loop3A_133 : vector<16xi32>
        %parallel_loop3A_135 = arith.select %parallel_loop3A_131, %parallel_loop3A_134, %parallel_loop3A_120 : vector<16xi1>, vector<16xi32>
        %parallel_loop3A_136 = arith.select %parallel_loop3A_131, %parallel_loop3A_122, %parallel_loop3A_126 : vector<16xi1>, vector<16xi32>
        %parallel_loop3A_137 = arith.addi %parallel_loop3A_135, %parallel_loop3A_136 : vector<16xi32>
        %parallel_loop3A_138 = arith.constant 1 : i32
        %parallel_loop3A_139 = vector.broadcast %parallel_loop3A_138 : i32 to vector<16xi32>
        %parallel_loop3A_140 = arith.shrsi %parallel_loop3A_137, %parallel_loop3A_139 : vector<16xi32>
        %parallel_loop3A_141 = arith.constant 1 : i32
        %parallel_loop3A_142 = vector.broadcast %parallel_loop3A_141 : i32 to vector<16xi32>
        %parallel_loop3A_143 = arith.addi %parallel_loop3A_140, %parallel_loop3A_142 : vector<16xi32>
        %parallel_loop3A_144 = tpu.vector_load_idx %arg6[%parallel_loop3A_143] : memref<257xf32, #tpu.memory_space<vmem>>[vector<16xi32>], vector<16xf32>,
        %parallel_loop3A_145 = arith.cmpf olt, %parallel_loop3A_144, %parallel_loop3A_118 : vector<16xf32>
        %parallel_loop3A_146 = arith.constant 1 : i32
        %parallel_loop3A_147 = vector.broadcast %parallel_loop3A_146 : i32 to vector<16xi32>
        %parallel_loop3A_148 = arith.addi %parallel_loop3A_140, %parallel_loop3A_147 : vector<16xi32>
        %parallel_loop3A_149 = arith.select %parallel_loop3A_145, %parallel_loop3A_148, %parallel_loop3A_135 : vector<16xi1>, vector<16xi32>
        %parallel_loop3A_150 = arith.select %parallel_loop3A_145, %parallel_loop3A_136, %parallel_loop3A_140 : vector<16xi1>, vector<16xi32>
        %parallel_loop3A_151 = arith.addi %parallel_loop3A_149, %parallel_loop3A_150 : vector<16xi32>
        %parallel_loop3A_152 = arith.constant 1 : i32
        %parallel_loop3A_153 = vector.broadcast %parallel_loop3A_152 : i32 to vector<16xi32>
        %parallel_loop3A_154 = arith.shrsi %parallel_loop3A_151, %parallel_loop3A_153 : vector<16xi32>
        %parallel_loop3A_155 = arith.constant 1 : i32
        %parallel_loop3A_156 = vector.broadcast %parallel_loop3A_155 : i32 to vector<16xi32>
        %parallel_loop3A_157 = arith.addi %parallel_loop3A_154, %parallel_loop3A_156 : vector<16xi32>
        %parallel_loop3A_158 = tpu.vector_load_idx %arg6[%parallel_loop3A_157] : memref<257xf32, #tpu.memory_space<vmem>>[vector<16xi32>], vector<16xf32>,
        %parallel_loop3A_159 = arith.cmpf olt, %parallel_loop3A_158, %parallel_loop3A_118 : vector<16xf32>
        %parallel_loop3A_160 = arith.constant 1 : i32
        %parallel_loop3A_161 = vector.broadcast %parallel_loop3A_160 : i32 to vector<16xi32>
        %parallel_loop3A_162 = arith.addi %parallel_loop3A_154, %parallel_loop3A_161 : vector<16xi32>
        %parallel_loop3A_163 = arith.select %parallel_loop3A_159, %parallel_loop3A_162, %parallel_loop3A_149 : vector<16xi1>, vector<16xi32>
        %parallel_loop3A_164 = arith.select %parallel_loop3A_159, %parallel_loop3A_150, %parallel_loop3A_154 : vector<16xi1>, vector<16xi32>
        %parallel_loop3A_165 = arith.addi %parallel_loop3A_163, %parallel_loop3A_164 : vector<16xi32>
        %parallel_loop3A_166 = arith.constant 1 : i32
        %parallel_loop3A_167 = vector.broadcast %parallel_loop3A_166 : i32 to vector<16xi32>
        %parallel_loop3A_168 = arith.shrsi %parallel_loop3A_165, %parallel_loop3A_167 : vector<16xi32>
        %parallel_loop3A_169 = arith.constant 1 : i32
        %parallel_loop3A_170 = vector.broadcast %parallel_loop3A_169 : i32 to vector<16xi32>
        %parallel_loop3A_171 = arith.addi %parallel_loop3A_168, %parallel_loop3A_170 : vector<16xi32>
        %parallel_loop3A_172 = tpu.vector_load_idx %arg6[%parallel_loop3A_171] : memref<257xf32, #tpu.memory_space<vmem>>[vector<16xi32>], vector<16xf32>,
        %parallel_loop3A_173 = arith.cmpf olt, %parallel_loop3A_172, %parallel_loop3A_118 : vector<16xf32>
        %parallel_loop3A_174 = arith.constant 1 : i32
        %parallel_loop3A_175 = vector.broadcast %parallel_loop3A_174 : i32 to vector<16xi32>
        %parallel_loop3A_176 = arith.addi %parallel_loop3A_168, %parallel_loop3A_175 : vector<16xi32>
        %parallel_loop3A_177 = arith.select %parallel_loop3A_173, %parallel_loop3A_176, %parallel_loop3A_163 : vector<16xi1>, vector<16xi32>
        %parallel_loop3A_178 = arith.select %parallel_loop3A_173, %parallel_loop3A_164, %parallel_loop3A_168 : vector<16xi1>, vector<16xi32>
        %parallel_loop3A_179 = arith.addi %parallel_loop3A_177, %parallel_loop3A_178 : vector<16xi32>
        %parallel_loop3A_180 = arith.constant 1 : i32
        %parallel_loop3A_181 = vector.broadcast %parallel_loop3A_180 : i32 to vector<16xi32>
        %parallel_loop3A_182 = arith.shrsi %parallel_loop3A_179, %parallel_loop3A_181 : vector<16xi32>
        %parallel_loop3A_183 = arith.constant 1 : i32
        %parallel_loop3A_184 = vector.broadcast %parallel_loop3A_183 : i32 to vector<16xi32>
        %parallel_loop3A_185 = arith.addi %parallel_loop3A_182, %parallel_loop3A_184 : vector<16xi32>
        %parallel_loop3A_186 = tpu.vector_load_idx %arg6[%parallel_loop3A_185] : memref<257xf32, #tpu.memory_space<vmem>>[vector<16xi32>], vector<16xf32>,
        %parallel_loop3A_187 = arith.cmpf olt, %parallel_loop3A_186, %parallel_loop3A_118 : vector<16xf32>
        %parallel_loop3A_188 = arith.constant 1 : i32
        %parallel_loop3A_189 = vector.broadcast %parallel_loop3A_188 : i32 to vector<16xi32>
        %parallel_loop3A_190 = arith.addi %parallel_loop3A_182, %parallel_loop3A_189 : vector<16xi32>
        %parallel_loop3A_191 = arith.select %parallel_loop3A_187, %parallel_loop3A_190, %parallel_loop3A_177 : vector<16xi1>, vector<16xi32>
        %parallel_loop3A_192 = arith.select %parallel_loop3A_187, %parallel_loop3A_178, %parallel_loop3A_182 : vector<16xi1>, vector<16xi32>
        %parallel_loop3A_193 = arith.addi %parallel_loop3A_191, %parallel_loop3A_192 : vector<16xi32>
        %parallel_loop3A_194 = arith.constant 1 : i32
        %parallel_loop3A_195 = vector.broadcast %parallel_loop3A_194 : i32 to vector<16xi32>
        %parallel_loop3A_196 = arith.shrsi %parallel_loop3A_193, %parallel_loop3A_195 : vector<16xi32>
        %parallel_loop3A_197 = arith.constant 1 : i32
        %parallel_loop3A_198 = vector.broadcast %parallel_loop3A_197 : i32 to vector<16xi32>
        %parallel_loop3A_199 = arith.addi %parallel_loop3A_196, %parallel_loop3A_198 : vector<16xi32>
        %parallel_loop3A_200 = tpu.vector_load_idx %arg6[%parallel_loop3A_199] : memref<257xf32, #tpu.memory_space<vmem>>[vector<16xi32>], vector<16xf32>,
        %parallel_loop3A_201 = arith.cmpf olt, %parallel_loop3A_200, %parallel_loop3A_118 : vector<16xf32>
        %parallel_loop3A_202 = arith.constant 1 : i32
        %parallel_loop3A_203 = vector.broadcast %parallel_loop3A_202 : i32 to vector<16xi32>
        %parallel_loop3A_204 = arith.addi %parallel_loop3A_196, %parallel_loop3A_203 : vector<16xi32>
        %parallel_loop3A_205 = arith.select %parallel_loop3A_201, %parallel_loop3A_204, %parallel_loop3A_191 : vector<16xi1>, vector<16xi32>
        %parallel_loop3A_206 = arith.select %parallel_loop3A_201, %parallel_loop3A_192, %parallel_loop3A_196 : vector<16xi1>, vector<16xi32>
        %parallel_loop3A_207 = arith.addi %parallel_loop3A_205, %parallel_loop3A_206 : vector<16xi32>
        %parallel_loop3A_208 = arith.constant 1 : i32
        %parallel_loop3A_209 = vector.broadcast %parallel_loop3A_208 : i32 to vector<16xi32>
        %parallel_loop3A_210 = arith.shrsi %parallel_loop3A_207, %parallel_loop3A_209 : vector<16xi32>
        %parallel_loop3A_211 = arith.constant 1 : i32
        %parallel_loop3A_212 = vector.broadcast %parallel_loop3A_211 : i32 to vector<16xi32>
        %parallel_loop3A_213 = arith.addi %parallel_loop3A_210, %parallel_loop3A_212 : vector<16xi32>
        %parallel_loop3A_214 = tpu.vector_load_idx %arg6[%parallel_loop3A_213] : memref<257xf32, #tpu.memory_space<vmem>>[vector<16xi32>], vector<16xf32>,
        %parallel_loop3A_215 = arith.cmpf olt, %parallel_loop3A_214, %parallel_loop3A_118 : vector<16xf32>
        %parallel_loop3A_216 = arith.constant 1 : i32
        %parallel_loop3A_217 = vector.broadcast %parallel_loop3A_216 : i32 to vector<16xi32>
        %parallel_loop3A_218 = arith.addi %parallel_loop3A_210, %parallel_loop3A_217 : vector<16xi32>
        %parallel_loop3A_219 = arith.select %parallel_loop3A_215, %parallel_loop3A_218, %parallel_loop3A_205 : vector<16xi1>, vector<16xi32>
        %parallel_loop3A_220 = arith.select %parallel_loop3A_215, %parallel_loop3A_206, %parallel_loop3A_210 : vector<16xi1>, vector<16xi32>
        %parallel_loop3A_221 = arith.addi %parallel_loop3A_219, %parallel_loop3A_220 : vector<16xi32>
        %parallel_loop3A_222 = arith.constant 1 : i32
        %parallel_loop3A_223 = vector.broadcast %parallel_loop3A_222 : i32 to vector<16xi32>
        %parallel_loop3A_224 = arith.shrsi %parallel_loop3A_221, %parallel_loop3A_223 : vector<16xi32>
        %parallel_loop3A_225 = arith.constant 1 : i32
        %parallel_loop3A_226 = vector.broadcast %parallel_loop3A_225 : i32 to vector<16xi32>
        %parallel_loop3A_227 = arith.addi %parallel_loop3A_224, %parallel_loop3A_226 : vector<16xi32>
        %parallel_loop3A_228 = tpu.vector_load_idx %arg6[%parallel_loop3A_227] : memref<257xf32, #tpu.memory_space<vmem>>[vector<16xi32>], vector<16xf32>,
        %parallel_loop3A_229 = arith.cmpf olt, %parallel_loop3A_228, %parallel_loop3A_118 : vector<16xf32>
        %parallel_loop3A_230 = arith.constant 1 : i32
        %parallel_loop3A_231 = vector.broadcast %parallel_loop3A_230 : i32 to vector<16xi32>
        %parallel_loop3A_232 = arith.addi %parallel_loop3A_224, %parallel_loop3A_231 : vector<16xi32>
        %parallel_loop3A_233 = arith.select %parallel_loop3A_229, %parallel_loop3A_232, %parallel_loop3A_219 : vector<16xi1>, vector<16xi32>
        %parallel_loop3A_234 = arith.select %parallel_loop3A_229, %parallel_loop3A_220, %parallel_loop3A_224 : vector<16xi1>, vector<16xi32>
        %parallel_loop3A_235 = arith.constant 128 : i32
        %parallel_loop3A_236 = vector.broadcast %parallel_loop3A_235 : i32 to vector<16xi32>
        %parallel_loop3A_237 = arith.muli %parallel_loop3A_233, %parallel_loop3A_236 : vector<16xi32>
        %parallel_loop3A_238 = arith.constant 2048 : i32
        %parallel_loop3A_239 = arith.muli %parallel_loop3A_111, %parallel_loop3A_238 : i32
        %parallel_loop3A_240 = vector.broadcast %parallel_loop3A_239 : i32 to vector<16xi32>
        %parallel_loop3A_241 = arith.addi %mul3A_5, %parallel_loop3A_240 : vector<16xi32>
        %parallel_loop3A_242 = arith.constant 0 : i32
        %parallel_loop3A_243 = arith.constant 128 : i32
        %parallel_loop3A_244 = arith.constant 1 : i32
        scf.for %parallel_loop3A_245 = %parallel_loop3A_242 to %parallel_loop3A_243 step %parallel_loop3A_244  : i32 {
          %parallel_loop3A_246 = vector.broadcast %parallel_loop3A_245 : i32 to vector<16xi32>
          %parallel_loop3A_247 = arith.addi %iota3A, %parallel_loop3A_246 : vector<16xi32>
          %parallel_loop3A_248 = arith.constant 127 : i32
          %parallel_loop3A_249 = vector.broadcast %parallel_loop3A_248 : i32 to vector<16xi32>
          %parallel_loop3A_250 = arith.andi %parallel_loop3A_247, %parallel_loop3A_249 : vector<16xi32>
          %parallel_loop3A_251 = arith.addi %parallel_loop3A_237, %parallel_loop3A_250 : vector<16xi32>
          %parallel_loop3A_252 = tpu.vector_load_idx %arg8[%parallel_loop3A_251] : memref<32768xf32, #tpu.memory_space<vmem>>[vector<16xi32>], vector<16xf32>,
          %parallel_loop3A_253 = arith.addi %parallel_loop3A_241, %parallel_loop3A_250 : vector<16xi32>
          tpu.vector_store_idx %arg9[%parallel_loop3A_253], %parallel_loop3A_252 : memref<16384xf32, #tpu.memory_space<vmem>>[vector<16xi32>], vector<16xf32>,
        } {sc.loop_unroll_factor = 16 : i64, sc.parallel_access}
      } {sc.loop_unroll_factor = 2 : i64, sc.parallel_access}
      %add3A_70 = arith.constant 2 : i32
      %add3A_71 = arith.addi %add3A_54, %add3A_70 : i32
      %mul3A_72 = arith.constant 128 : i32
      %mul3A_73 = arith.muli %add3A_71, %mul3A_72 : i32
      %add3A_74 = arith.addi %mul3A_2, %mul3A_73 : i32
      %mul3A_75 = arith.constant 128 : i32
      %mul3A_76 = arith.muli %add3A_74, %mul3A_75 : i32
      %dma_start3A_77 = arith.constant 0 : i32
      %dma_start3A_78 = tpu.memref_slice %arg5[%mul3A_76] : memref<26214400xf32, #tpu.memory_space<hbm>> -> memref<16384xf32, #tpu.memory_space<hbm>>
      %dma_start3A_79 = tpu.memref_slice %arg11[%dma_start3A_77] : memref<2x!tpu.dma_semaphore, #tpu.memory_space<semaphore_mem>> -> memref<1x!tpu.dma_semaphore, #tpu.memory_space<semaphore_mem>>
      %dma_start3A_80 = tpu.memref_squeeze %dma_start3A_79 : memref<1x!tpu.dma_semaphore, #tpu.memory_space<semaphore_mem>> -> memref<!tpu.dma_semaphore, #tpu.memory_space<semaphore_mem>>
      %dma_start3A_81 = tpu.memref_slice %arg5[%mul3A_76] : memref<26214400xf32, #tpu.memory_space<hbm>> -> memref<16384xf32, #tpu.memory_space<hbm>>
      tpu.enqueue_dma source(%arg9 : memref<16384xf32, #tpu.memory_space<vmem>>) target(%dma_start3A_81 : memref<16384xf32, #tpu.memory_space<hbm>>) target_semaphore(%dma_start3A_80 : memref<!tpu.dma_semaphore, #tpu.memory_space<semaphore_mem>>)
      %add3A_82 = arith.constant 1 : i32
      %add3A_83 = arith.addi %mul3A_52, %add3A_82 : i32
      %mul3A_84 = arith.constant 128 : i32
      %mul3A_85 = arith.muli %add3A_83, %mul3A_84 : i32
      %add3A_86 = arith.addi %mul3A_2, %mul3A_85 : i32
      %mul3A_87 = arith.constant 128 : i32
      %mul3A_88 = arith.muli %add3A_86, %mul3A_87 : i32
      %dma_wait3A_89 = arith.constant 1 : i32
      %dma_wait3A_90 = tpu.memref_slice %arg5[%mul3A_88] : memref<26214400xf32, #tpu.memory_space<hbm>> -> memref<16384xf32, #tpu.memory_space<hbm>>
      %dma_wait3A_91 = tpu.memref_slice %arg11[%dma_wait3A_89] : memref<2x!tpu.dma_semaphore, #tpu.memory_space<semaphore_mem>> -> memref<1x!tpu.dma_semaphore, #tpu.memory_space<semaphore_mem>>
      %dma_wait3A_92 = tpu.memref_squeeze %dma_wait3A_91 : memref<1x!tpu.dma_semaphore, #tpu.memory_space<semaphore_mem>> -> memref<!tpu.dma_semaphore, #tpu.memory_space<semaphore_mem>>
      %dma_wait3A_93 = tpu.memref_slice %arg5[%mul3A_88] : memref<26214400xf32, #tpu.memory_space<hbm>> -> memref<16384xf32, #tpu.memory_space<hbm>>
      tpu.wait_dma2 semaphore(%dma_wait3A_92 : memref<!tpu.dma_semaphore, #tpu.memory_space<semaphore_mem>>) src(%arg10 : memref<16384xf32, #tpu.memory_space<vmem>>) dst(%dma_wait3A_93 : memref<16384xf32, #tpu.memory_space<hbm>>)
      %add3A_94 = arith.constant 2 : i32
      %add3A_95 = arith.addi %add3A_83, %add3A_94 : i32
      %parallel_loop3A_96 = arith.constant 0 : i32
      %parallel_loop3A_97 = arith.constant 8 : i32
      %parallel_loop3A_98 = arith.constant 1 : i32
      scf.for %parallel_loop3A_111 = %parallel_loop3A_96 to %parallel_loop3A_97 step %parallel_loop3A_98  : i32 {
        %parallel_loop3A_112 = arith.constant 128 : i32
        %parallel_loop3A_113 = arith.muli %add3A_95, %parallel_loop3A_112 : i32
        %parallel_loop3A_114 = arith.constant 16 : i32
        %parallel_loop3A_115 = arith.muli %parallel_loop3A_111, %parallel_loop3A_114 : i32
        %parallel_loop3A_116 = arith.addi %parallel_loop3A_113, %parallel_loop3A_115 : i32
        %parallel_loop3A_117 = arith.index_cast %parallel_loop3A_116 : i32 to index
        %parallel_loop3A_118 = tpu.vector_load %arg7[%parallel_loop3A_117] {strides = array<i32>} : memref<6400xf32, #tpu.memory_space<vmem>>, vector<16xf32>,
        %parallel_loop3A_119 = arith.constant 0 : i32
        %parallel_loop3A_120 = vector.broadcast %parallel_loop3A_119 : i32 to vector<16xi32>
        %parallel_loop3A_121 = arith.constant 255 : i32
        %parallel_loop3A_122 = vector.broadcast %parallel_loop3A_121 : i32 to vector<16xi32>
        %parallel_loop3A_123 = arith.addi %parallel_loop3A_120, %parallel_loop3A_122 : vector<16xi32>
        %parallel_loop3A_124 = arith.constant 1 : i32
        %parallel_loop3A_125 = vector.broadcast %parallel_loop3A_124 : i32 to vector<16xi32>
        %parallel_loop3A_126 = arith.shrsi %parallel_loop3A_123, %parallel_loop3A_125 : vector<16xi32>
        %parallel_loop3A_127 = arith.constant 1 : i32
        %parallel_loop3A_128 = vector.broadcast %parallel_loop3A_127 : i32 to vector<16xi32>
        %parallel_loop3A_129 = arith.addi %parallel_loop3A_126, %parallel_loop3A_128 : vector<16xi32>
        %parallel_loop3A_130 = tpu.vector_load_idx %arg6[%parallel_loop3A_129] : memref<257xf32, #tpu.memory_space<vmem>>[vector<16xi32>], vector<16xf32>,
        %parallel_loop3A_131 = arith.cmpf olt, %parallel_loop3A_130, %parallel_loop3A_118 : vector<16xf32>
        %parallel_loop3A_132 = arith.constant 1 : i32
        %parallel_loop3A_133 = vector.broadcast %parallel_loop3A_132 : i32 to vector<16xi32>
        %parallel_loop3A_134 = arith.addi %parallel_loop3A_126, %parallel_loop3A_133 : vector<16xi32>
        %parallel_loop3A_135 = arith.select %parallel_loop3A_131, %parallel_loop3A_134, %parallel_loop3A_120 : vector<16xi1>, vector<16xi32>
        %parallel_loop3A_136 = arith.select %parallel_loop3A_131, %parallel_loop3A_122, %parallel_loop3A_126 : vector<16xi1>, vector<16xi32>
        %parallel_loop3A_137 = arith.addi %parallel_loop3A_135, %parallel_loop3A_136 : vector<16xi32>
        %parallel_loop3A_138 = arith.constant 1 : i32
        %parallel_loop3A_139 = vector.broadcast %parallel_loop3A_138 : i32 to vector<16xi32>
        %parallel_loop3A_140 = arith.shrsi %parallel_loop3A_137, %parallel_loop3A_139 : vector<16xi32>
        %parallel_loop3A_141 = arith.constant 1 : i32
        %parallel_loop3A_142 = vector.broadcast %parallel_loop3A_141 : i32 to vector<16xi32>
        %parallel_loop3A_143 = arith.addi %parallel_loop3A_140, %parallel_loop3A_142 : vector<16xi32>
        %parallel_loop3A_144 = tpu.vector_load_idx %arg6[%parallel_loop3A_143] : memref<257xf32, #tpu.memory_space<vmem>>[vector<16xi32>], vector<16xf32>,
        %parallel_loop3A_145 = arith.cmpf olt, %parallel_loop3A_144, %parallel_loop3A_118 : vector<16xf32>
        %parallel_loop3A_146 = arith.constant 1 : i32
        %parallel_loop3A_147 = vector.broadcast %parallel_loop3A_146 : i32 to vector<16xi32>
        %parallel_loop3A_148 = arith.addi %parallel_loop3A_140, %parallel_loop3A_147 : vector<16xi32>
        %parallel_loop3A_149 = arith.select %parallel_loop3A_145, %parallel_loop3A_148, %parallel_loop3A_135 : vector<16xi1>, vector<16xi32>
        %parallel_loop3A_150 = arith.select %parallel_loop3A_145, %parallel_loop3A_136, %parallel_loop3A_140 : vector<16xi1>, vector<16xi32>
        %parallel_loop3A_151 = arith.addi %parallel_loop3A_149, %parallel_loop3A_150 : vector<16xi32>
        %parallel_loop3A_152 = arith.constant 1 : i32
        %parallel_loop3A_153 = vector.broadcast %parallel_loop3A_152 : i32 to vector<16xi32>
        %parallel_loop3A_154 = arith.shrsi %parallel_loop3A_151, %parallel_loop3A_153 : vector<16xi32>
        %parallel_loop3A_155 = arith.constant 1 : i32
        %parallel_loop3A_156 = vector.broadcast %parallel_loop3A_155 : i32 to vector<16xi32>
        %parallel_loop3A_157 = arith.addi %parallel_loop3A_154, %parallel_loop3A_156 : vector<16xi32>
        %parallel_loop3A_158 = tpu.vector_load_idx %arg6[%parallel_loop3A_157] : memref<257xf32, #tpu.memory_space<vmem>>[vector<16xi32>], vector<16xf32>,
        %parallel_loop3A_159 = arith.cmpf olt, %parallel_loop3A_158, %parallel_loop3A_118 : vector<16xf32>
        %parallel_loop3A_160 = arith.constant 1 : i32
        %parallel_loop3A_161 = vector.broadcast %parallel_loop3A_160 : i32 to vector<16xi32>
        %parallel_loop3A_162 = arith.addi %parallel_loop3A_154, %parallel_loop3A_161 : vector<16xi32>
        %parallel_loop3A_163 = arith.select %parallel_loop3A_159, %parallel_loop3A_162, %parallel_loop3A_149 : vector<16xi1>, vector<16xi32>
        %parallel_loop3A_164 = arith.select %parallel_loop3A_159, %parallel_loop3A_150, %parallel_loop3A_154 : vector<16xi1>, vector<16xi32>
        %parallel_loop3A_165 = arith.addi %parallel_loop3A_163, %parallel_loop3A_164 : vector<16xi32>
        %parallel_loop3A_166 = arith.constant 1 : i32
        %parallel_loop3A_167 = vector.broadcast %parallel_loop3A_166 : i32 to vector<16xi32>
        %parallel_loop3A_168 = arith.shrsi %parallel_loop3A_165, %parallel_loop3A_167 : vector<16xi32>
        %parallel_loop3A_169 = arith.constant 1 : i32
        %parallel_loop3A_170 = vector.broadcast %parallel_loop3A_169 : i32 to vector<16xi32>
        %parallel_loop3A_171 = arith.addi %parallel_loop3A_168, %parallel_loop3A_170 : vector<16xi32>
        %parallel_loop3A_172 = tpu.vector_load_idx %arg6[%parallel_loop3A_171] : memref<257xf32, #tpu.memory_space<vmem>>[vector<16xi32>], vector<16xf32>,
        %parallel_loop3A_173 = arith.cmpf olt, %parallel_loop3A_172, %parallel_loop3A_118 : vector<16xf32>
        %parallel_loop3A_174 = arith.constant 1 : i32
        %parallel_loop3A_175 = vector.broadcast %parallel_loop3A_174 : i32 to vector<16xi32>
        %parallel_loop3A_176 = arith.addi %parallel_loop3A_168, %parallel_loop3A_175 : vector<16xi32>
        %parallel_loop3A_177 = arith.select %parallel_loop3A_173, %parallel_loop3A_176, %parallel_loop3A_163 : vector<16xi1>, vector<16xi32>
        %parallel_loop3A_178 = arith.select %parallel_loop3A_173, %parallel_loop3A_164, %parallel_loop3A_168 : vector<16xi1>, vector<16xi32>
        %parallel_loop3A_179 = arith.addi %parallel_loop3A_177, %parallel_loop3A_178 : vector<16xi32>
        %parallel_loop3A_180 = arith.constant 1 : i32
        %parallel_loop3A_181 = vector.broadcast %parallel_loop3A_180 : i32 to vector<16xi32>
        %parallel_loop3A_182 = arith.shrsi %parallel_loop3A_179, %parallel_loop3A_181 : vector<16xi32>
        %parallel_loop3A_183 = arith.constant 1 : i32
        %parallel_loop3A_184 = vector.broadcast %parallel_loop3A_183 : i32 to vector<16xi32>
        %parallel_loop3A_185 = arith.addi %parallel_loop3A_182, %parallel_loop3A_184 : vector<16xi32>
        %parallel_loop3A_186 = tpu.vector_load_idx %arg6[%parallel_loop3A_185] : memref<257xf32, #tpu.memory_space<vmem>>[vector<16xi32>], vector<16xf32>,
        %parallel_loop3A_187 = arith.cmpf olt, %parallel_loop3A_186, %parallel_loop3A_118 : vector<16xf32>
        %parallel_loop3A_188 = arith.constant 1 : i32
        %parallel_loop3A_189 = vector.broadcast %parallel_loop3A_188 : i32 to vector<16xi32>
        %parallel_loop3A_190 = arith.addi %parallel_loop3A_182, %parallel_loop3A_189 : vector<16xi32>
        %parallel_loop3A_191 = arith.select %parallel_loop3A_187, %parallel_loop3A_190, %parallel_loop3A_177 : vector<16xi1>, vector<16xi32>
        %parallel_loop3A_192 = arith.select %parallel_loop3A_187, %parallel_loop3A_178, %parallel_loop3A_182 : vector<16xi1>, vector<16xi32>
        %parallel_loop3A_193 = arith.addi %parallel_loop3A_191, %parallel_loop3A_192 : vector<16xi32>
        %parallel_loop3A_194 = arith.constant 1 : i32
        %parallel_loop3A_195 = vector.broadcast %parallel_loop3A_194 : i32 to vector<16xi32>
        %parallel_loop3A_196 = arith.shrsi %parallel_loop3A_193, %parallel_loop3A_195 : vector<16xi32>
        %parallel_loop3A_197 = arith.constant 1 : i32
        %parallel_loop3A_198 = vector.broadcast %parallel_loop3A_197 : i32 to vector<16xi32>
        %parallel_loop3A_199 = arith.addi %parallel_loop3A_196, %parallel_loop3A_198 : vector<16xi32>
        %parallel_loop3A_200 = tpu.vector_load_idx %arg6[%parallel_loop3A_199] : memref<257xf32, #tpu.memory_space<vmem>>[vector<16xi32>], vector<16xf32>,
        %parallel_loop3A_201 = arith.cmpf olt, %parallel_loop3A_200, %parallel_loop3A_118 : vector<16xf32>
        %parallel_loop3A_202 = arith.constant 1 : i32
        %parallel_loop3A_203 = vector.broadcast %parallel_loop3A_202 : i32 to vector<16xi32>
        %parallel_loop3A_204 = arith.addi %parallel_loop3A_196, %parallel_loop3A_203 : vector<16xi32>
        %parallel_loop3A_205 = arith.select %parallel_loop3A_201, %parallel_loop3A_204, %parallel_loop3A_191 : vector<16xi1>, vector<16xi32>
        %parallel_loop3A_206 = arith.select %parallel_loop3A_201, %parallel_loop3A_192, %parallel_loop3A_196 : vector<16xi1>, vector<16xi32>
        %parallel_loop3A_207 = arith.addi %parallel_loop3A_205, %parallel_loop3A_206 : vector<16xi32>
        %parallel_loop3A_208 = arith.constant 1 : i32
        %parallel_loop3A_209 = vector.broadcast %parallel_loop3A_208 : i32 to vector<16xi32>
        %parallel_loop3A_210 = arith.shrsi %parallel_loop3A_207, %parallel_loop3A_209 : vector<16xi32>
        %parallel_loop3A_211 = arith.constant 1 : i32
        %parallel_loop3A_212 = vector.broadcast %parallel_loop3A_211 : i32 to vector<16xi32>
        %parallel_loop3A_213 = arith.addi %parallel_loop3A_210, %parallel_loop3A_212 : vector<16xi32>
        %parallel_loop3A_214 = tpu.vector_load_idx %arg6[%parallel_loop3A_213] : memref<257xf32, #tpu.memory_space<vmem>>[vector<16xi32>], vector<16xf32>,
        %parallel_loop3A_215 = arith.cmpf olt, %parallel_loop3A_214, %parallel_loop3A_118 : vector<16xf32>
        %parallel_loop3A_216 = arith.constant 1 : i32
        %parallel_loop3A_217 = vector.broadcast %parallel_loop3A_216 : i32 to vector<16xi32>
        %parallel_loop3A_218 = arith.addi %parallel_loop3A_210, %parallel_loop3A_217 : vector<16xi32>
        %parallel_loop3A_219 = arith.select %parallel_loop3A_215, %parallel_loop3A_218, %parallel_loop3A_205 : vector<16xi1>, vector<16xi32>
        %parallel_loop3A_220 = arith.select %parallel_loop3A_215, %parallel_loop3A_206, %parallel_loop3A_210 : vector<16xi1>, vector<16xi32>
        %parallel_loop3A_221 = arith.addi %parallel_loop3A_219, %parallel_loop3A_220 : vector<16xi32>
        %parallel_loop3A_222 = arith.constant 1 : i32
        %parallel_loop3A_223 = vector.broadcast %parallel_loop3A_222 : i32 to vector<16xi32>
        %parallel_loop3A_224 = arith.shrsi %parallel_loop3A_221, %parallel_loop3A_223 : vector<16xi32>
        %parallel_loop3A_225 = arith.constant 1 : i32
        %parallel_loop3A_226 = vector.broadcast %parallel_loop3A_225 : i32 to vector<16xi32>
        %parallel_loop3A_227 = arith.addi %parallel_loop3A_224, %parallel_loop3A_226 : vector<16xi32>
        %parallel_loop3A_228 = tpu.vector_load_idx %arg6[%parallel_loop3A_227] : memref<257xf32, #tpu.memory_space<vmem>>[vector<16xi32>], vector<16xf32>,
        %parallel_loop3A_229 = arith.cmpf olt, %parallel_loop3A_228, %parallel_loop3A_118 : vector<16xf32>
        %parallel_loop3A_230 = arith.constant 1 : i32
        %parallel_loop3A_231 = vector.broadcast %parallel_loop3A_230 : i32 to vector<16xi32>
        %parallel_loop3A_232 = arith.addi %parallel_loop3A_224, %parallel_loop3A_231 : vector<16xi32>
        %parallel_loop3A_233 = arith.select %parallel_loop3A_229, %parallel_loop3A_232, %parallel_loop3A_219 : vector<16xi1>, vector<16xi32>
        %parallel_loop3A_234 = arith.select %parallel_loop3A_229, %parallel_loop3A_220, %parallel_loop3A_224 : vector<16xi1>, vector<16xi32>
        %parallel_loop3A_235 = arith.constant 128 : i32
        %parallel_loop3A_236 = vector.broadcast %parallel_loop3A_235 : i32 to vector<16xi32>
        %parallel_loop3A_237 = arith.muli %parallel_loop3A_233, %parallel_loop3A_236 : vector<16xi32>
        %parallel_loop3A_238 = arith.constant 2048 : i32
        %parallel_loop3A_239 = arith.muli %parallel_loop3A_111, %parallel_loop3A_238 : i32
        %parallel_loop3A_240 = vector.broadcast %parallel_loop3A_239 : i32 to vector<16xi32>
        %parallel_loop3A_241 = arith.addi %mul3A_5, %parallel_loop3A_240 : vector<16xi32>
        %parallel_loop3A_242 = arith.constant 0 : i32
        %parallel_loop3A_243 = arith.constant 128 : i32
        %parallel_loop3A_244 = arith.constant 1 : i32
        scf.for %parallel_loop3A_245 = %parallel_loop3A_242 to %parallel_loop3A_243 step %parallel_loop3A_244  : i32 {
          %parallel_loop3A_246 = vector.broadcast %parallel_loop3A_245 : i32 to vector<16xi32>
          %parallel_loop3A_247 = arith.addi %iota3A, %parallel_loop3A_246 : vector<16xi32>
          %parallel_loop3A_248 = arith.constant 127 : i32
          %parallel_loop3A_249 = vector.broadcast %parallel_loop3A_248 : i32 to vector<16xi32>
          %parallel_loop3A_250 = arith.andi %parallel_loop3A_247, %parallel_loop3A_249 : vector<16xi32>
          %parallel_loop3A_251 = arith.addi %parallel_loop3A_237, %parallel_loop3A_250 : vector<16xi32>
          %parallel_loop3A_252 = tpu.vector_load_idx %arg8[%parallel_loop3A_251] : memref<32768xf32, #tpu.memory_space<vmem>>[vector<16xi32>], vector<16xf32>,
          %parallel_loop3A_253 = arith.addi %parallel_loop3A_241, %parallel_loop3A_250 : vector<16xi32>
          tpu.vector_store_idx %arg10[%parallel_loop3A_253], %parallel_loop3A_252 : memref<16384xf32, #tpu.memory_space<vmem>>[vector<16xi32>], vector<16xf32>,
        } {sc.loop_unroll_factor = 16 : i64, sc.parallel_access}
      } {sc.loop_unroll_factor = 2 : i64, sc.parallel_access}
      %add3A_99 = arith.constant 2 : i32
      %add3A_100 = arith.addi %add3A_83, %add3A_99 : i32
      %mul3A_101 = arith.constant 128 : i32
      %mul3A_102 = arith.muli %add3A_100, %mul3A_101 : i32
      %add3A_103 = arith.addi %mul3A_2, %mul3A_102 : i32
      %mul3A_104 = arith.constant 128 : i32
      %mul3A_105 = arith.muli %add3A_103, %mul3A_104 : i32
      %dma_start3A_106 = arith.constant 1 : i32
      %dma_start3A_107 = tpu.memref_slice %arg5[%mul3A_105] : memref<26214400xf32, #tpu.memory_space<hbm>> -> memref<16384xf32, #tpu.memory_space<hbm>>
      %dma_start3A_108 = tpu.memref_slice %arg11[%dma_start3A_106] : memref<2x!tpu.dma_semaphore, #tpu.memory_space<semaphore_mem>> -> memref<1x!tpu.dma_semaphore, #tpu.memory_space<semaphore_mem>>
      %dma_start3A_109 = tpu.memref_squeeze %dma_start3A_108 : memref<1x!tpu.dma_semaphore, #tpu.memory_space<semaphore_mem>> -> memref<!tpu.dma_semaphore, #tpu.memory_space<semaphore_mem>>
      %dma_start3A_110 = tpu.memref_slice %arg5[%mul3A_105] : memref<26214400xf32, #tpu.memory_space<hbm>> -> memref<16384xf32, #tpu.memory_space<hbm>>
      tpu.enqueue_dma source(%arg10 : memref<16384xf32, #tpu.memory_space<vmem>>) target(%dma_start3A_110 : memref<16384xf32, #tpu.memory_space<hbm>>) target_semaphore(%dma_start3A_109 : memref<!tpu.dma_semaphore, #tpu.memory_space<semaphore_mem>>)
    }
    %scan3A_32 = arith.constant 24 : i32
    %add3A_33 = arith.constant 6144 : i32
    %add3A_34 = arith.addi %mul3A_2, %add3A_33 : i32
    %mul3A_35 = arith.constant 128 : i32
    %mul3A_36 = arith.muli %add3A_34, %mul3A_35 : i32
    %dma_wait3A = arith.constant 0 : i32
    %dma_wait3A_37 = tpu.memref_slice %arg5[%mul3A_36] : memref<26214400xf32, #tpu.memory_space<hbm>> -> memref<16384xf32, #tpu.memory_space<hbm>>
    %dma_wait3A_38 = tpu.memref_slice %arg11[%dma_wait3A] : memref<2x!tpu.dma_semaphore, #tpu.memory_space<semaphore_mem>> -> memref<1x!tpu.dma_semaphore, #tpu.memory_space<semaphore_mem>>
    %dma_wait3A_39 = tpu.memref_squeeze %dma_wait3A_38 : memref<1x!tpu.dma_semaphore, #tpu.memory_space<semaphore_mem>> -> memref<!tpu.dma_semaphore, #tpu.memory_space<semaphore_mem>>
    %dma_wait3A_40 = tpu.memref_slice %arg5[%mul3A_36] : memref<26214400xf32, #tpu.memory_space<hbm>> -> memref<16384xf32, #tpu.memory_space<hbm>>
    tpu.wait_dma2 semaphore(%dma_wait3A_39 : memref<!tpu.dma_semaphore, #tpu.memory_space<semaphore_mem>>) src(%arg9 : memref<16384xf32, #tpu.memory_space<vmem>>) dst(%dma_wait3A_40 : memref<16384xf32, #tpu.memory_space<hbm>>)
    %add3A_41 = arith.constant 6272 : i32
    %add3A_42 = arith.addi %mul3A_2, %add3A_41 : i32
    %mul3A_43 = arith.constant 128 : i32
    %mul3A_44 = arith.muli %add3A_42, %mul3A_43 : i32
    %dma_wait3A_45 = arith.constant 1 : i32
    %dma_wait3A_46 = tpu.memref_slice %arg5[%mul3A_44] : memref<26214400xf32, #tpu.memory_space<hbm>> -> memref<16384xf32, #tpu.memory_space<hbm>>
    %dma_wait3A_47 = tpu.memref_slice %arg11[%dma_wait3A_45] : memref<2x!tpu.dma_semaphore, #tpu.memory_space<semaphore_mem>> -> memref<1x!tpu.dma_semaphore, #tpu.memory_space<semaphore_mem>>
    %dma_wait3A_48 = tpu.memref_squeeze %dma_wait3A_47 : memref<1x!tpu.dma_semaphore, #tpu.memory_space<semaphore_mem>> -> memref<!tpu.dma_semaphore, #tpu.memory_space<semaphore_mem>>
    %dma_wait3A_49 = tpu.memref_slice %arg5[%mul3A_44] : memref<26214400xf32, #tpu.memory_space<hbm>> -> memref<16384xf32, #tpu.memory_space<hbm>>
    tpu.wait_dma2 semaphore(%dma_wait3A_48 : memref<!tpu.dma_semaphore, #tpu.memory_space<semaphore_mem>>) src(%arg10 : memref<16384xf32, #tpu.memory_space<vmem>>) dst(%dma_wait3A_49 : memref<16384xf32, #tpu.memory_space<hbm>>)
    return
  }
}

</mosaic_0001>

<sc_bundles>
// kernel: _run.3.cloned.1.call-start
scs
__scs_entry_jumppad:
0x0: {  	(pc) =	sbr.rel $0x88, $3  }
0x1: {  	(tag) =	ssettag $0x0;
	lr =	simm.s32 $0x1  }
0x2: {  	[smem:$0x3F9E] =	sst lr;
	_ =	strace $0xD0000000  }
0x3: {  	_ = 	snop  }
0x4: {  	_ = 	snop  }
0x5: {  	_ = 	snop  }
0x6: {  	_ = 	snop  }
0x7: {  	_ = 	snop  }
__scs_overlays_trampoline_lowered:
0x8: {  	[smem:$0x3FAD] =	sst s0  }
0x9: {  	[smem:$0x3FAE] =	sst s1  }
0xa: {  	[smem:$0x3FAF] =	sst s2  }
0xb: {  	[smem:$0x3FB0] =	sst s3  }
0xc: {  	[smem:$0x3FB1] =	sst s4  }
0xd: {  	[smem:$0x3FB2] =	sst s5  }
0xe: {  	[smem:$0x3FB3] =	sst s6  }
0xf: {  	[smem:$0x3FB4] =	sst s7  }
0x10: {  	[smem:$0x3FB5] =	sst s8  }
0x11: {  	[smem:$0x3FB6] =	sst s9;
	s0 =	simm.s32 @!p0 $0x0  }
0x12: {  	s1 =	sld [smem:$0x3F9C];
	s0 =	simm.s32 @p0 $0x1  }
0x13: {  	[smem:$0x3FB7] =	sst s0;
	s0 =	simm.s32 @!p1 $0x0  }
0x14: {  	s2 =	sld [smem:$0x3F9B];
	s0 =	simm.s32 @p1 $0x1  }
0x15: {  	[smem:$0x3FB8] =	sst s0;
	s0 =	simm.s32 @!p2 $0x0  }
0x16: {  	s3 =	sld [smem:$0x3FDB];
	s0 =	simm.s32 @p2 $0x1  }
0x17: {  	s4 =	simm.s32 $0x1BF5;
	[smem:$0x3FBA] =	sst s0  }
0x18: {  	s0 =	sld [smem:$0x3F9D];
	_ =	swait.ge [sflag:s4], $0x0  }
0x19: {  	s7 =	sld [smem:$0x3F9E]  }
0x1a: {  	s8 =	sadd.s32 $0xFFFFE003, lr  }
0x1b: {  	s9 =	sadd.s32 $0xFFFFFEF7, lr;
	s5 =	simm.s32 $0xFFFFFFFF;
	p2 =	slt.u32 s8, $0xFFFFF086  }
0x1c: {  	p1 =	slt.u32 s9, $0xF7A;
	s5 =	simm.s32 @!p2 $0x0  }
0x1d: {  	s5 =	simm.s32 @p1 $0x1;
	p0 =	seq.s32 s7, s2  }
0x1e: {  	s7 =	smul.u32 @!p0 $0xF7A, s2;
	p2 =	seq.s32 @!p0 s5, $0x0  }
0x1f: {  	s9 =	smul.u32 $0xF7A, s1;
	s8 =	simm.s32 @!p0 $0x1BF5;
	p2 =	por !p2, p0  }
0x20: {  	[sflag:s8] =	ssyncset.s32 @!p0 $0xFFFFF086;
	s6 =	sadd.s32 @!p0 s3, s7;
	s7 =	simm.s32 @!p0 $0x108  }
0x21: {  	s3 =	sadd.s32 s3, s9;
	s6 =	sadd.s32 @!p0 $0x88, s6;
	s7 =	simm.s32 @p2 $0x1082  }
0x22: {  	[simem:s7], [sflag:s8] =	dma.local @!p0 [hbm:s6], $0xF7A  }
0x23: {  	s9 =	sor.u32 $0xD0000000, s2;
	s6 =	simm.s32 $0x108;
	_ =	swait.ge @!p0 [sflag:s8], $0x0  }
0x24: {  	s3 =	sadd.s32 $0x88, s3;
	s6 =	simm.s32 @!p1 $0x1082;
	[sflag:s4] =	ssyncset.s32 $0xFFFFF086  }
0x25: {  	[simem:s6], [sflag:s4] =	dma.local [hbm:s3], $0xF7A  }
0x26: {  	[smem:$0x3F9E] =	sst s1;
	(tag) =	ssettag s2;
	_ =	strace s9  }
0x27: {  	s1 =	sld [smem:$0x3FAE]  }
0x28: {  	s2 =	sld [smem:$0x3FAF]  }
0x29: {  	s4 =	sld [smem:$0x3FB1]  }
0x2a: {  	p0 =	seq.s32 s5, $0x0;
	s5 =	sld [smem:$0x3FB2]  }
0x2b: {  	s6 =	sld [smem:$0x3FB3]  }
0x2c: {  	s7 =	sld [smem:$0x3FB4]  }
0x2d: {  	s3 =	simm.s32 $0x108;
	s8 =	sld [smem:$0x3FB5]  }
0x2e: {  	s3 =	simm.s32 @!p0 $0x1082;
	s9 =	sld [smem:$0x3FB6]  }
0x2f: {  	lr =	sadd.s32 s0, s3;
	s0 =	sld [smem:$0x3FAD]  }
0x30: {  	s3 =	sld [smem:$0x3FB0]  }
0x31: {  	[smem:$0x3FB9] =	sst s10  }
0x32: {  	s10 =	sld [smem:$0x3FB7];
	_ =	sdelay $0x3  }
0x33: {  	p0 =	seq.s32 s10, $0x1;
	s10 =	sld [smem:$0x3FB9];
	_ =	sdelay $0x3  }
0x34: {  	[smem:$0x3FB9] =	sst s10  }
0x35: {  	s10 =	sld [smem:$0x3FB8];
	_ =	sdelay $0x3  }
0x36: {  	p1 =	seq.s32 s10, $0x1;
	s10 =	sld [smem:$0x3FB9];
	_ =	sdelay $0x3  }
0x37: {  	[smem:$0x3FB9] =	sst s10  }
0x38: {  	s10 =	sld [smem:$0x3FBA]  }
0x39: {  	_ = 	snop;
	(pc) =	sbr.ind lr, $3  }
0x3a: {  	_ = 	snop  }
0x3b: {  	_ = 	snop  }
0x3c: {  	p2 =	seq.s32 s10, $0x1;
	s10 =	sld [smem:$0x3FB9]  }
0x3d: {  	_ =	shalt  }
0x3e: {  	_ =	shalt  }
0x3f: {  	_ =	shalt  }
0x40: {  	_ =	shalt  }
0x41: {  	_ =	shalt  }
0x42: {  	_ =	shalt  }
0x43: {  	_ =	shalt  }
0x44: {  	_ =	shalt  }
0x45: {  	_ =	shalt  }
0x46: {  	_ =	shalt  }
0x47: {  	_ =	shalt  }
0x48: {  	_ =	shalt  }
0x49: {  	_ =	shalt  }
0x4a: {  	_ =	shalt  }
0x4b: {  	_ =	shalt  }
0x4c: {  	_ =	shalt  }
0x4d: {  	_ =	shalt  }
0x4e: {  	_ =	shalt  }
0x4f: {  	_ =	shalt  }
0x50: {  	_ =	shalt  }
0x51: {  	_ =	shalt  }
0x52: {  	_ =	shalt  }
0x53: {  	_ =	shalt  }
0x54: {  	_ =	shalt  }
0x55: {  	_ =	shalt  }
0x56: {  	_ =	shalt  }
0x57: {  	_ =	shalt  }
0x58: {  	_ =	shalt  }
0x59: {  	_ =	shalt  }
0x5a: {  	_ =	shalt  }
0x5b: {  	_ =	shalt  }
0x5c: {  	_ =	shalt  }
0x5d: {  	_ =	shalt  }
0x5e: {  	_ =	shalt  }
0x5f: {  	_ =	shalt  }
0x60: {  	_ =	shalt  }
0x61: {  	_ =	shalt  }
0x62: {  	_ =	shalt  }
0x63: {  	_ =	shalt  }
0x64: {  	_ =	shalt  }
0x65: {  	_ =	shalt  }
0x66: {  	_ =	shalt  }
0x67: {  	_ =	shalt  }
0x68: {  	_ =	shalt  }
0x69: {  	_ =	shalt  }
0x6a: {  	_ =	shalt  }
0x6b: {  	_ =	shalt  }
0x6c: {  	_ =	shalt  }
0x6d: {  	_ =	shalt  }
0x6e: {  	_ =	shalt  }
0x6f: {  	_ =	shalt  }
0x70: {  	_ =	shalt  }
0x71: {  	_ =	shalt  }
0x72: {  	_ =	shalt  }
0x73: {  	_ =	shalt  }
0x74: {  	_ =	shalt  }
0x75: {  	_ =	shalt  }
0x76: {  	_ =	shalt  }
0x77: {  	_ =	shalt  }
0x78: {  	_ =	shalt  }
0x79: {  	_ =	shalt  }
0x7a: {  	_ =	shalt  }
0x7b: {  	_ =	shalt  }
0x7c: {  	_ =	shalt  }
0x7d: {  	_ =	shalt  }
0x7e: {  	_ =	shalt  }
0x7f: {  	_ =	shalt  }
0x80: {  	_ =	shalt  }
0x81: {  	_ =	shalt  }
0x82: {  	_ =	shalt  }
0x83: {  	_ =	shalt  }
0x84: {  	_ =	shalt  }
0x85: {  	_ =	shalt  }
0x86: {  	_ =	shalt  }
0x87: {  	_ =	shalt  }
.Lfunc_end0:
.L_simem_size_0:
called_computation_lowered:
.L_overlay_start_0:
0x88: {  	s2 =	sld [smem:$0x3FD9]  }
0x89: {  	s3 =	sld [smem:$0x3FFE];
	_ =	sdelay $0x1  }
0x8a: {  	s1 =	srdreg.scid  }
0x8b: {  	s0 =	sand.u32 $0x1, s1  }
0x8c: {  	s18 =	sshll.u32 s0, $0xA;
	s2 =	sadd.s32 s3, s2  }
0x8d: {  	s2 =	sadd.s32 s2, s18  }
0x8e: {  	[smem:$0x3FC5] =	sst s2  }
0x8f: {  	_ = 	snop  }
0x90: {  	s2 =	sld [smem:$0x3FC9]  }
0x91: {  	s19 =	sld [smem:$0x3FC8]  }
0x92: {  	s4 =	sld [smem:$0x3FC7]  }
0x93: {  	s5 =	sld [smem:$0x3FD0];
	(tm) =	ssettm $0x1  }
0x94: {  	s6 =	sld [smem:$0x3FFB];
	_ =	sdelay $0x3  }
0x95: {  	_ =	strace s6  }
0x96: {  	s6 =	sld [smem:$0x3FFC];
	_ =	sdelay $0x3  }
0x97: {  	_ =	strace s6  }
0x98: {  	s6 =	sld [smem:$0x3FFD];
	_ =	sdelay $0x3  }
0x99: {  	_ =	strace s6  }
0x9a: {  	_ =	strace $0x8FFFFFFF  }
0x9b: {  	s20 =	sld [smem:$0x3FDB];
	_ =	sdelay $0x1  }
0x9c: {  	s7 =	simm.s32 $_scs_section_size  }
0x9d: {  	s8 =	simm.s32 $_size__tile_overlayer_lowered;
	s9 =	simm.s32 $_tile_overlayer_lowered  }
0x9e: {  	s23 =	simm.s32 $0x1BFF;
	s22 =	sshll.u32 s9, $0x1;
	s6 =	sadd.s32 s7, s20  }
0x9f: {  	s10 =	simm.s32 $0x0;
	s21 =	sshll.u32 s8, $0x1;
	s8 =	sadd.s32 s22, s6  }
0xa0: {  	[timem:s10], [sflag:s23] =	dma.local [hbm:s8], s21  }
0xa1: {  	_ =	swait.ge [sflag:s23], s21  }
0xa2: {  	s7 =	ssub.s32 $0x0, s21;
	[sflag:s23] =	ssyncset.done $0x0  }
0xa3: {  	[sflag:s23] =	ssyncadd.s32 s7;
	_ =	sdelay $0x1  }
0xa4: {  	s24 =	simm.s32 $0x1B8B  }
0xa5: {  	_ =	swait.ge [sflag:s24], $0x1  }
0xa6: {  	[sflag:s24] =	ssyncset.done $0x0  }
0xa7: {  	s25 =	simm.s32 $0x1B8E;
	[sflag:s24] =	ssyncadd.s32 $0xFFFFFFFF  }
0xa8: {  	s26 =	simm.s32 $execute0_lowered;
	[smem:$0x3FD2] =	sst s25  }
0xa9: {  	s7 =	sshll.u32 s26, $0x1;
	_ =	strace $0x80000046;
	[dreg:$0x1] =	wrdreg $0xFFFFFFFF  }
0xaa: {  	s28 =	simm.s32 $_size_execute0_lowered;
	s6 =	sadd.s32 s6, s7;
	[dreg:$0x0] =	wrdreg $0x0  }
0xab: {  	s7 =	sshll.u32 s28, $0x1;
	[dreg:$0x2] =	wrdreg s6  }
0xac: {  	[dreg:$0x3] =	wrdreg s7  }
0xad: {  	[dreg:$0x4] =	wrdreg $0xC0  }
0xae: {  	_ =	task [dreg:s10], $0x5FFFF  }
0xaf: {  	[dreg:$0x1] =	wrdreg $0xFFFFFFFF  }
0xb0: {  	[dreg:$0x0] =	wrdreg $0x60  }
0xb1: {  	[dreg:$0x2] =	wrdreg s2  }
0xb2: {  	[dreg:$0x3] =	wrdreg s19  }
0xb3: {  	[dreg:$0x4] =	wrdreg s4  }
0xb4: {  	[dreg:$0x5] =	wrdreg s5  }
0xb5: {  	[dreg:$0x6] =	wrdreg $0x9  }
0xb6: {  	_ =	task.clear_ibuf [dreg:s10], $0x7FFFF;
	_ =	strace $0x90000046  }
0xb7: {  	s29 =	simm.s32 $0x9;
	_ =	strace $0x80000048  }
0xb8: {  	_ =	swait.ge [sflag:s29], $0x1  }
0xb9: {  	[sflag:s29] =	ssyncadd.s32 $0xFFFFFFFF  }
0xba: {  	_ =	strace $0x90000048  }
0xbb: {  	_ =	sfence  }
0xbc: {  	s30 =	sld [smem:$0x0];
	_ =	sdelay $0x2  }
0xbd: {  	s31 =	sshll.u32 s1, $0xD;
	s1 =	sshrl.u32 s1, $0x2  }
0xbe: {  	s3 =	sand.u32 $0x4000, s31;
	s1 =	sadd.s32 s1, s30  }
0xbf: {  	s0 =	sor.u32 s3, s0;
	s1 =	sshll.u32 s1, $0x11  }
0xc0: {  	s0 =	sor.u32 s1, s0  }
0xc1: {  	s0 =	sadd.s32 $0x8F2B, s0  }
0xc2: {  	[sflag:s0] =	ssyncadd.remote.s32 $0x1  }
0xc3: {  	_ =	sfence.sel $0xFFFF  }
0xc4: {  	[dreg:$0x0] =	wrdreg $0xFFFFFFFF;
	(pc) =	sbr.abs _section_cstart, $3  }
0xc5: {  	[dreg:$0x1] =	wrdreg $0xFFFFFFFF  }
0xc6: {  	_ =	task.clear_ibuf [dreg:s10], $0x2FFFF;
	_ =	strace $0x9FFFFFFF  }
0xc7: {  	(tm) =	ssettm $0x7FFFFFFF  }
tec
execute0_lowered:
.L_overlay_start_1:
0x0: {  	(tag) =	ssettag $0x1  }
0x1: {  	s7 =	rddreg [dreg:$0x0]  }
0x2: {  	s1 =	rddreg [dreg:$0x1]  }
0x3: {  	s3 =	rddreg [dreg:$0x2];
	s2 =	srdreg.scid  }
0x4: {  	s0 =	stileid.u32;
	s4 =	rddreg [dreg:$0x3];
	s12 =	simm.s32 $0x1A80  }
0x5: {  	s13 =	simm.s32 $0x180;
	s14 =	simm.s32 $0x9A80;
	s15 =	simm.s32 $0xDA80  }
0x6: {  	s16 =	simm.s32 $0x1;
	s6 =	sand.u32 $0x1, s2;
	s5 =	sshll.u32 s0, $0x1  }
0x7: {  	s17 =	simm.s32 $0x2;
	s18 =	simm.s32 $0x0;
	s9 =	sor.u32 s6, s5  }
0x8: {  	s2 =	rddreg [dreg:$0x4];
	s5 =	simm.s32 $0x0;
	s8 =	smul.u32 $0x19000, s9  }
0x9: {  	s6 =	ssub.s32 $0x2, s6;
	[smem:$0x7FF] =	sst s5;
	s11 =	smul.u32 $0x320, s9  }
0xa: {  	v0 =	vimm.s32 $0x80;
	s10 =	sshrl.u32 s6, $0x1;
	s9 =	smul.u32 $0xC8000, s9;
	_ =	strace $0x80000047  }
0xb: {  	v1 =	vimm.s32 $0x0;
	v2 =	vimm.s32 $0x7F;
	v3 =	vlaneseq.u32;
	s10 =	ssub.s32 s6, s10;
	s6 =	sadd.s32 s4, s8;
	s7 =	sadd.s32 s7, s11  }
0xc: {  	v4 =	vimm.s32 $0x3F;
	v5 =	vmul.u32 $0x80, v3;
	v6 =	vmul.u32 $0x81, v3;
	s10 =	smax.u32 s10, $0x1;
	s11 =	simm.s32 $0x3;
	s8 =	sadd.s32 $0x800, s6  }
.LBB2_1:
0xd: {  	[tilespmem:s5], [sflag:$0x3] =	stream.linear.gather [hbm4b:s1+s5], $0x180, $0x38;
	[tilespmem:$0x11A80] =	vst v63  }
0xe: {  	_ =	swait.ge [sflag:s11], $0x180  }
0xf: {  	[sflag:s11] =	ssyncset.done $0x0  }
0x10: {  	[sflag:s11] =	ssyncadd.s32 $0xFFFFFE80  }
0x11: {  	[tilespmem:s12], [sflag:$0x3] =	stream.linear.gather [hbm4b:s3+s5], $0x8000, $0x38;
	[tilespmem:$0x11A80] =	vst v63  }
0x12: {  	_ =	swait.ge [sflag:s11], $0x8000  }
0x13: {  	[sflag:s11] =	ssyncset.done $0x0  }
0x14: {  	[sflag:s11] =	ssyncadd.s32 $0xFFFF8000  }
0x15: {  	[tilespmem:s13], [sflag:$0x3] =	stream.linear.gather [hbm4b:s7+s5], $0x1900, $0x38;
	[tilespmem:$0x11A80] =	vst v63  }
0x16: {  	_ =	swait.ge [sflag:s11], $0x1900  }
0x17: {  	[sflag:s11] =	ssyncset.done $0x0  }
0x18: {  	s19 =	simm.s32 $0x0;
	[sflag:s11] =	ssyncadd.s32 $0xFFFFE700  }
.LBB2_2:
0x19: {  	_ = 	snop  }
0x1a: {  	s20 =	sshll.u32 s19, $0x4  }
0x1b: {  	s20 =	sand.u32 $0x3FFFFFF0, s20  }
0x1c: {  	v7 =	vld [tilespmem:s20+$0x180];
	s20 =	simm.s32 $0x0  }
0x1d: {  	v9 =	vld.idx.msk [tilespmem:v0+s20+$0x0], $0xffff;
	_ =	sdelay $0x4  }
0x1e: {  	vm0 =	vlt.f32 v9, v7  }
0x1f: {  	v8 =	vsel vm0, $0xBF, v4  }
0x20: {  	v10 =	vadd.s32 $0x1, v8;
	_ =	sdelay $0x4  }
0x21: {  	v11 =	vld.idx.msk [tilespmem:v10+s20+$0x0], $0xffff;
	_ =	sdelay $0x4  }
0x22: {  	v12 =	vsel vm0, $0xFF, v2;
	vm1 =	vlt.f32 v11, v7  }
0x23: {  	v11 =	vsel vm0, $0x80, v1;
	v8 =	vsel vm1, v12, v8  }
0x24: {  	v10 =	vsel vm1, v10, v11;
	v11 =	vadd.s32 $0xFFFFFFFF, v8  }
0x25: {  	v11 =	vadd.s32 v11, v10  }
0x26: {  	v11 =	vshrl.u32 v11, $0x1  }
0x27: {  	v12 =	vadd.s32 $0x1, v11;
	_ =	sdelay $0x4  }
0x28: {  	v13 =	vld.idx.msk [tilespmem:v12+s20+$0x0], $0xffff;
	_ =	sdelay $0x4  }
0x29: {  	vm10 =	vlt.f32 v13, v7  }
0x2a: {  	v8 =	vsel vm10, v8, v11  }
0x2b: {  	v10 =	vsel vm10, v12, v10;
	v11 =	vadd.s32 $0xFFFFFFFF, v8  }
0x2c: {  	v12 =	vxor.u32 v11, v10  }
0x2d: {  	v11 =	vor.u32 v11, v10;
	v12 =	vshrl.u32 v12, $0x1  }
0x2e: {  	v11 =	vsub.s32 v11, v12  }
0x2f: {  	v12 =	vadd.s32 $0x1, v11;
	_ =	sdelay $0x4  }
0x30: {  	v13 =	vld.idx.msk [tilespmem:v12+s20+$0x0], $0xffff;
	_ =	sdelay $0x4  }
0x31: {  	vm11 =	vlt.f32 v13, v7  }
0x32: {  	v10 =	vsel vm11, v12, v10;
	v8 =	vsel vm11, v8, v11  }
0x33: {  	v11 =	vadd.s32 v8, v10  }
0x34: {  	v11 =	vshrl.u32 v11, $0x1  }
0x35: {  	v12 =	vadd.s32 $0x1, v11;
	_ =	sdelay $0x4  }
0x36: {  	v13 =	vld.idx.msk [tilespmem:v12+s20+$0x0], $0xffff;
	_ =	sdelay $0x4  }
0x37: {  	vm12 =	vlt.f32 v13, v7  }
0x38: {  	v10 =	vsel vm12, v12, v10;
	v8 =	vsel vm12, v8, v11  }
0x39: {  	v11 =	vadd.s32 v8, v10  }
0x3a: {  	v11 =	vshrl.u32 v11, $0x1  }
0x3b: {  	v12 =	vadd.s32 $0x1, v11;
	_ =	sdelay $0x4  }
0x3c: {  	v13 =	vld.idx.msk [tilespmem:v12+s20+$0x0], $0xffff;
	_ =	sdelay $0x4  }
0x3d: {  	vm13 =	vlt.f32 v13, v7  }
0x3e: {  	v10 =	vsel vm13, v12, v10;
	v8 =	vsel vm13, v8, v11  }
0x3f: {  	v11 =	vadd.s32 v8, v10  }
0x40: {  	v11 =	vshrl.u32 v11, $0x1  }
0x41: {  	v12 =	vadd.s32 $0x1, v11;
	_ =	sdelay $0x4  }
0x42: {  	v13 =	vld.idx.msk [tilespmem:v12+s20+$0x0], $0xffff;
	_ =	sdelay $0x4  }
0x43: {  	vm14 =	vlt.f32 v13, v7  }
0x44: {  	v10 =	vsel vm14, v12, v10;
	v8 =	vsel vm14, v8, v11  }
0x45: {  	v8 =	vadd.s32 v8, v10  }
0x46: {  	s29 =	simm.s32 $0x4;
	s30 =	simm.s32 $0x5;
	v8 =	vshrl.u32 v8, $0x1  }
0x47: {  	s31 =	simm.s32 $0x7;
	s24 =	simm.s32 $0xA;
	s26 =	simm.s32 $0xB;
	v14 =	vadd.s32 s29, v3;
	v15 =	vadd.s32 s30, v3;
	v8 =	vadd.s32 $0x1, v8  }
0x48: {  	s25 =	simm.s32 $0x3;
	s28 =	simm.s32 $0xE;
	v16 =	vadd.s32 s31, v3;
	v19 =	vadd.s32 s24, v3;
	v20 =	vadd.s32 s26, v3;
	s29 =	simm.s32 $0xD  }
0x49: {  	v21 =	vadd.s32 s25, v3;
	v22 =	vadd.s32 s28, v3;
	s30 =	simm.s32 $0xF;
	v23 =	vadd.s32 s29, v3  }
0x4a: {  	s31 =	simm.s32 $0x9;
	v22 =	vand.u32 $0x7F, v22;
	v16 =	vand.u32 $0x7F, v16;
	v26 =	vadd.s32 s30, v3  }
0x4b: {  	v28 =	vadd.s32 s31, v3;
	v21 =	vand.u32 $0x7F, v21;
	v14 =	vand.u32 $0x7F, v14  }
0x4c: {  	s24 =	simm.s32 $0x11;
	s25 =	simm.s32 $0x12;
	s28 =	simm.s32 $0x15;
	v15 =	vand.u32 $0x7F, v15;
	v20 =	vand.u32 $0x7F, v20;
	v19 =	vand.u32 $0x7F, v19;
	v11 =	vld.idx.msk [tilespmem:v8+s20+$0x0], $0xffff  }
0x4d: {  	v61 =	vadd.s32 s24, v3;
	v44 =	vadd.s32 s25, v3;
	v62 =	vadd.s32 s28, v3  }
0x4e: {  	s25 =	simm.s32 $0x1D;
	s28 =	simm.s32 $0x1F;
	v26 =	vand.u32 $0x7F, v26;
	v23 =	vand.u32 $0x7F, v23;
	v28 =	vand.u32 $0x7F, v28  }
0x4f: {  	s23 =	simm.s32 $0x2;
	v46 =	vadd.s32 s25, v3;
	v60 =	vadd.s32 s28, v3;
	v48 =	vand.u32 $0x7F, v44  }
0x50: {  	s21 =	sshll.u32 s19, $0xB;
	v54 =	vand.u32 $0x7F, v60;
	v57 =	vand.u32 $0x7F, v46;
	v13 =	vadd.s32 s23, v3  }
0x51: {  	s22 =	simm.s32 $0x1;
	v12 =	vor.u32 s21, v6;
	v13 =	vand.u32 $0x7F, v13;
	vm15 =	vlt.f32 v11, v7  }
0x52: {  	v24 =	vor.u32 s20, v12;
	v11 =	vadd.s32 s22, v3;
	s22 =	simm.s32 $0x8;
	v7 =	vsel vm15, v8, v10  }
0x53: {  	v8 =	vor.u32 s21, v5;
	v17 =	vadd.s32 s22, v3;
	v7 =	vshll.u32 v7, $0x7  }
0x54: {  	v11 =	vand.u32 $0x7F, v11;
	s22 =	simm.s32 $0x6;
	v32 =	vor.u32 v8, v15;
	v25 =	vor.u32 v7, v22  }
0x55: {  	v17 =	vand.u32 $0x7F, v17;
	v33 =	vadd.s32 s22, v3;
	v27 =	vor.u32 v7, v11  }
0x56: {  	v35 =	vor.u32 v8, v11;
	v41 =	vor.u32 v8, v14;
	v29 =	vor.u32 v7, v13  }
0x57: {  	v42 =	vor.u32 v8, v26;
	v49 =	vor.u32 v8, v19;
	v15 =	vor.u32 v7, v15  }
0x58: {  	v50 =	vor.u32 v8, v16;
	v10 =	vor.u32 v3, v7;
	v30 =	vor.u32 v7, v21  }
0x59: {  	s23 =	simm.s32 $0xC;
	v31 =	vor.u32 v7, v16;
	v34 =	vor.u32 v7, v23;
	v22 =	vor.u32 v8, v22;
	v25 =	vld.idx.msk [tilespmem:v25+s12+$0x0], $0xffff  }
0x5a: {  	v11 =	vadd.s32 s23, v3;
	v36 =	vor.u32 v7, v17;
	v40 =	vor.u32 v7, v26;
	v27 =	vld.idx.msk [tilespmem:v27+s12+$0x0], $0xffff  }
0x5b: {  	v38 =	vor.u32 v7, v20;
	v13 =	vor.u32 v8, v13;
	v18 =	vor.u32 s20, v10;
	v29 =	vld.idx.msk [tilespmem:v29+s12+$0x0], $0xffff  }
0x5c: {  	v20 =	vor.u32 v8, v20;
	v21 =	vor.u32 v8, v21;
	v26 =	vor.u32 v7, v14;
	v43 =	vld.idx.msk [tilespmem:v15+s12+$0x0], $0xffff  }
0x5d: {  	s22 =	simm.s32 $0x1A;
	v16 =	vor.u32 v7, v19;
	v23 =	vor.u32 v8, v23;
	v17 =	vor.u32 v8, v17;
	v30 =	vld.idx.msk [tilespmem:v30+s12+$0x0], $0xffff  }
0x5e: {  	s31 =	simm.s32 $0x10;
	s23 =	simm.s32 $0x1B;
	v51 =	vadd.s32 s22, v3;
	v37 =	vand.u32 $0x7F, v11;
	v11 =	vand.u32 $0x7F, v33;
	v34 =	vld.idx.msk [tilespmem:v34+s12+$0x0], $0xffff;
	[tilespmem:v22+s14+$0x0] =	vst.idx.msk $0xffff, v25  }
0x5f: {  	v19 =	vor.u32 s31, v10;
	v45 =	vadd.s32 s23, v3;
	v39 =	vor.u32 v7, v37;
	v40 =	vld.idx.msk [tilespmem:v40+s12+$0x0], $0xffff;
	[tilespmem:v35+s14+$0x0] =	vst.idx.msk $0xffff, v27  }
0x60: {  	v33 =	vor.u32 v7, v11;
	v11 =	vor.u32 v8, v11;
	v18 =	vld.idx.msk [tilespmem:v18+s12+$0x0], $0xffff;
	[tilespmem:v13+s14+$0x0] =	vst.idx.msk $0xffff, v29  }
0x61: {  	s26 =	simm.s32 $0x14;
	s29 =	simm.s32 $0x17;
	v14 =	vor.u32 v8, v37;
	v37 =	vand.u32 $0x7F, v61;
	v15 =	vor.u32 v8, v28;
	[tilespmem:v32+s14+$0x0] =	vst.idx.msk $0xffff, v43  }
0x62: {  	s30 =	simm.s32 $0x18;
	s24 =	simm.s32 $0x13;
	v28 =	vor.u32 v7, v28;
	v22 =	vld.idx.msk [tilespmem:v38+s12+$0x0], $0xffff;
	v25 =	vadd.s32 s26, v3;
	v27 =	vadd.s32 s29, v3;
	[tilespmem:v21+s14+$0x0] =	vst.idx.msk $0xffff, v30  }
0x63: {  	v35 =	vadd.s32 s30, v3;
	v29 =	vadd.s32 s24, v3;
	v13 =	vor.u32 s31, v12;
	[tilespmem:v23+s14+$0x0] =	vst.idx.msk $0xffff, v34  }
0x64: {  	s26 =	simm.s32 $0x1E;
	v21 =	vld.idx.msk [tilespmem:v36+s12+$0x0], $0xffff;
	v30 =	vor.u32 v7, v37;
	[tilespmem:v42+s14+$0x0] =	vst.idx.msk $0xffff, v40;
	v43 =	vor.u32 v7, v57  }
0x65: {  	v23 =	vand.u32 $0x7F, v45;
	v42 =	vor.u32 v8, v37;
	v47 =	vadd.s32 s26, v3;
	[tilespmem:v24+s14+$0x0] =	vst.idx.msk $0xffff, v18;
	v18 =	vld.idx.msk [tilespmem:v16+s12+$0x0], $0xffff  }
0x66: {  	v52 =	vand.u32 $0x7F, v27;
	v24 =	vand.u32 $0x7F, v62;
	v62 =	vld.idx.msk [tilespmem:v31+s12+$0x0], $0xffff;
	v27 =	vand.u32 $0x7F, v47  }
0x67: {  	v53 =	vand.u32 $0x7F, v29;
	v56 =	vand.u32 $0x7F, v25;
	v31 =	vld.idx.msk [tilespmem:v28+s12+$0x0], $0xffff;
	v63 =	vor.u32 v7, v27  }
0x68: {  	v36 =	vand.u32 $0x7F, v35;
	v46 =	vor.u32 v7, v23;
	v47 =	vld.idx.msk [tilespmem:v26+s12+$0x0], $0xffff;
	v55 =	vor.u32 v7, v53  }
0x69: {  	v26 =	vld.idx.msk [tilespmem:v39+s12+$0x0], $0xffff;
	v16 =	vor.u32 v7, v52;
	v25 =	vor.u32 v7, v36;
	v39 =	vor.u32 v8, v48  }
0x6a: {  	s30 =	simm.s32 $0x16;
	v29 =	vld.idx.msk [tilespmem:v33+s12+$0x0], $0xffff;
	v33 =	vor.u32 v8, v53;
	v38 =	vor.u32 v7, v56;
	v44 =	vor.u32 v8, v27  }
0x6b: {  	v28 =	vadd.s32 s30, v3;
	v27 =	vor.u32 v8, v23;
	[tilespmem:v20+s14+$0x0] =	vst.idx.msk $0xffff, v22;
	v20 =	vor.u32 v7, v48  }
0x6c: {  	s29 =	simm.s32 $0x19;
	v23 =	vor.u32 v8, v54;
	[tilespmem:v17+s14+$0x0] =	vst.idx.msk $0xffff, v21;
	v40 =	vld.idx.msk [tilespmem:v63+s12+$0x0], $0xffff;
	v63 =	vor.u32 v7, v24  }
0x6d: {  	v61 =	vadd.s32 s29, v3;
	v22 =	vor.u32 v8, v24;
	v45 =	vld.idx.msk [tilespmem:v30+s12+$0x0], $0xffff;
	v48 =	vand.u32 $0x7F, v28;
	[tilespmem:v50+s14+$0x0] =	vst.idx.msk $0xffff, v62  }
0x6e: {  	s31 =	simm.s32 $0x1C;
	v21 =	vor.u32 v8, v56;
	v28 =	vand.u32 $0x7F, v51;
	v17 =	vor.u32 v7, v48;
	[tilespmem:v49+s14+$0x0] =	vst.idx.msk $0xffff, v18  }
0x6f: {  	v18 =	vor.u32 v8, v28;
	v30 =	vor.u32 v7, v28;
	v34 =	vld.idx.msk [tilespmem:v55+s12+$0x0], $0xffff;
	v24 =	vadd.s32 s31, v3  }
0x70: {  	v32 =	vand.u32 $0x7F, v61;
	[tilespmem:v41+s14+$0x0] =	vst.idx.msk $0xffff, v47;
	v41 =	vor.u32 v7, v54;
	v47 =	vand.u32 $0x7F, v24;
	v37 =	vld.idx.msk [tilespmem:v20+s12+$0x0], $0xffff  }
0x71: {  	s20 =	simm.s32 $0x20;
	v28 =	vor.u32 v8, v57;
	v24 =	vor.u32 v7, v47;
	v20 =	vor.u32 v8, v52;
	v35 =	vld.idx.msk [tilespmem:v63+s12+$0x0], $0xffff  }
.LBB2_3:
0x72: {  	s21 =	sadd.s32 $0x1, s20;
	s22 =	sadd.s32 $0x2, s20;
	s23 =	sadd.s32 $0x3, s20;
	v48 =	vor.u32 v8, v48;
	v47 =	vor.u32 v8, v47;
	v43 =	vld.idx.msk [tilespmem:v43+s12+$0x0], $0xffff;
	[tilespmem:v44+s14+$0x0] =	vst.idx.msk $0xffff, v40  }
0x73: {  	s24 =	sadd.s32 $0x7, s20;
	v40 =	vadd.s32 s21, v3;
	v44 =	vadd.s32 s22, v3;
	s21 =	sadd.s32 $0x4, s20;
	s22 =	sadd.s32 $0x5, s20;
	[tilespmem:v42+s14+$0x0] =	vst.idx.msk $0xffff, v45;
	v45 =	vor.u32 v8, v36;
	v36 =	vld.idx.msk [tilespmem:v46+s12+$0x0], $0xffff  }
0x74: {  	s25 =	sadd.s32 $0xF, s20;
	v50 =	vor.u32 v8, v32;
	v42 =	vadd.s32 s21, v3;
	v46 =	vadd.s32 s22, v3;
	s21 =	sadd.s32 $0x8, s20;
	s22 =	sadd.s32 $0x9, s20;
	v49 =	vld.idx.msk [tilespmem:v19+s12+$0x0], $0xffff;
	[tilespmem:v14+s14+$0x0] =	vst.idx.msk $0xffff, v26  }
0x75: {  	s26 =	sadd.s32 $0xB, s20;
	v32 =	vor.u32 v7, v32;
	v26 =	vadd.s32 s24, v3;
	s24 =	sadd.s32 $0xA, s20;
	v51 =	vadd.s32 s21, v3;
	s21 =	sadd.s32 $0xC, s20;
	v41 =	vld.idx.msk [tilespmem:v41+s12+$0x0], $0xffff;
	[tilespmem:v15+s14+$0x0] =	vst.idx.msk $0xffff, v31  }
0x76: {  	s28 =	sadd.s32 $0x6, s20;
	v19 =	vor.u32 s20, v10;
	v14 =	vmovc v47;
	v52 =	vadd.s32 s24, v3;
	v31 =	vadd.s32 s26, v3;
	s24 =	sadd.s32 $0xD, s20;
	s26 =	sadd.s32 $0xE, s20;
	v15 =	vmovc v50;
	[tilespmem:v39+s14+$0x0] =	vst.idx.msk $0xffff, v37  }
0x77: {  	p0 =	slt.u32 s20, $0x70;
	v37 =	vadd.s32 s23, v3;
	v39 =	vadd.s32 s24, v3;
	v47 =	vadd.s32 s26, v3;
	s23 =	smov.u32 s20;
	s20 =	sadd.s32 $0x10, s20;
	[tilespmem:v11+s14+$0x0] =	vst.idx.msk $0xffff, v29;
	v11 =	vmovc v48  }
0x78: {  	v50 =	vand.u32 $0x7F, v26;
	v48 =	vor.u32 s23, v12;
	v29 =	vand.u32 $0x7F, v47;
	v38 =	vld.idx.msk [tilespmem:v38+s12+$0x0], $0xffff;
	[tilespmem:v22+s14+$0x0] =	vst.idx.msk $0xffff, v35  }
0x79: {  	v35 =	vand.u32 $0x7F, v40;
	v40 =	vor.u32 v7, v29;
	v22 =	vadd.s32 s25, v3;
	[tilespmem:v33+s14+$0x0] =	vst.idx.msk $0xffff, v34;
	v25 =	vld.idx.msk [tilespmem:v25+s12+$0x0], $0xffff  }
0x7a: {  	v33 =	vor.u32 v7, v35;
	v34 =	vand.u32 $0x7F, v44;
	v44 =	vadd.s32 s22, v3;
	[tilespmem:v27+s14+$0x0] =	vst.idx.msk $0xffff, v36;
	v26 =	vld.idx.msk [tilespmem:v24+s12+$0x0], $0xffff  }
0x7b: {  	v53 =	vand.u32 $0x7F, v37;
	v54 =	vand.u32 $0x7F, v22;
	v24 =	vor.u32 v7, v34;
	[tilespmem:v13+s14+$0x0] =	vst.idx.msk $0xffff, v49;
	v30 =	vld.idx.msk [tilespmem:v30+s12+$0x0], $0xffff  }
0x7c: {  	v55 =	vand.u32 $0x7F, v42;
	v27 =	vand.u32 $0x7F, v46;
	v49 =	vor.u32 v7, v53;
	v56 =	vld.idx.msk [tilespmem:v16+s12+$0x0], $0xffff;
	[tilespmem:v28+s14+$0x0] =	vst.idx.msk $0xffff, v43  }
0x7d: {  	v57 =	vand.u32 $0x7F, v39;
	v16 =	vor.u32 v7, v50;
	v28 =	vand.u32 $0x7F, v31;
	v31 =	vld.idx.msk [tilespmem:v32+s12+$0x0], $0xffff;
	[tilespmem:v23+s14+$0x0] =	vst.idx.msk $0xffff, v41  }
0x7e: {  	v36 =	vand.u32 $0x7F, v51;
	v22 =	vor.u32 v8, v27;
	v32 =	vand.u32 $0x7F, v44;
	v40 =	vld.idx.msk [tilespmem:v40+s12+$0x0], $0xffff;
	[tilespmem:v21+s14+$0x0] =	vst.idx.msk $0xffff, v38  }
0x7f: {  	v13 =	vmovc v48;
	v43 =	vor.u32 v7, v57;
	v23 =	vadd.s32 s28, v3;
	v44 =	vor.u32 v8, v29;
	v29 =	vld.idx.msk [tilespmem:v17+s12+$0x0], $0xffff  }
0x80: {  	v42 =	vor.u32 v8, v35;
	v35 =	vor.u32 v7, v27;
	v17 =	vadd.s32 s21, v3;
	[tilespmem:v45+s14+$0x0] =	vst.idx.msk $0xffff, v25  }
0x81: {  	v46 =	vor.u32 v7, v28;
	v25 =	vor.u32 v7, v36;
	v47 =	vand.u32 $0x7F, v17;
	v45 =	vld.idx.msk [tilespmem:v33+s12+$0x0], $0xffff  }
.Ltmp0:
0x82: {  	v39 =	vor.u32 v8, v34;
	v41 =	vor.u32 v7, v54;
	v37 =	vld.idx.msk [tilespmem:v24+s12+$0x0], $0xffff;
	v24 =	vor.u32 v7, v47;
	(pc) =	sbr.rel @p0 .LBB2_3-.Ltmp0, $4  }
0x83: {  	v27 =	vor.u32 v8, v28;
	v21 =	vor.u32 v8, v55;
	v48 =	vand.u32 $0x7F, v23;
	[tilespmem:v20+s14+$0x0] =	vst.idx.msk $0xffff, v56  }
0x84: {  	v28 =	vand.u32 $0x7F, v52;
	v23 =	vor.u32 v8, v54;
	v17 =	vor.u32 v7, v48;
	[tilespmem:v18+s14+$0x0] =	vst.idx.msk $0xffff, v30  }
0x85: {  	v38 =	vor.u32 v7, v55;
	v33 =	vor.u32 v8, v53;
	v18 =	vor.u32 v8, v28;
	v35 =	vld.idx.msk [tilespmem:v35+s12+$0x0], $0xffff  }
0x86: {  	v20 =	vor.u32 v8, v50;
	v30 =	vor.u32 v7, v28;
	v28 =	vor.u32 v8, v57;
	v34 =	vld.idx.msk [tilespmem:v49+s12+$0x0], $0xffff  }
0x87: {  	s21 =	sor.u32 $0x1, s19  }
0x88: {  	s20 =	sshll.u32 s21, $0x4  }
0x89: {  	s20 =	sand.u32 $0x3FFFFFF0, s20  }
0x8a: {  	v10 =	vld [tilespmem:s20+$0x180];
	_ =	sdelay $0x4  }
0x8b: {  	vm0 =	vlt.f32 v9, v10  }
0x8c: {  	v9 =	vsel vm0, $0xBF, v4  }
0x8d: {  	v12 =	vadd.s32 $0x1, v9;
	_ =	sdelay $0x3  }
0x8e: {  	s20 =	simm.s32 $0x0  }
0x8f: {  	v49 =	vld.idx.msk [tilespmem:v12+s20+$0x0], $0xffff;
	_ =	sdelay $0x4  }
0x90: {  	v50 =	vsel vm0, $0xFF, v2;
	vm1 =	vlt.f32 v49, v10  }
0x91: {  	v58 =	vsel vm0, $0x80, v1;
	v9 =	vsel vm1, v50, v9  }
0x92: {  	v12 =	vsel vm1, v12, v58;
	v59 =	vadd.s32 $0xFFFFFFFF, v9  }
0x93: {  	v49 =	vadd.s32 v59, v12  }
0x94: {  	v49 =	vshrl.u32 v49, $0x1  }
0x95: {  	v60 =	vadd.s32 $0x1, v49;
	_ =	sdelay $0x4  }
0x96: {  	v51 =	vld.idx.msk [tilespmem:v60+s20+$0x0], $0xffff;
	_ =	sdelay $0x4  }
0x97: {  	vm10 =	vlt.f32 v51, v10  }
0x98: {  	v9 =	vsel vm10, v9, v49  }
0x99: {  	v12 =	vsel vm10, v60, v12;
	v49 =	vadd.s32 $0xFFFFFFFF, v9  }
0x9a: {  	v50 =	vxor.u32 v49, v12  }
0x9b: {  	v49 =	vor.u32 v49, v12;
	v50 =	vshrl.u32 v50, $0x1  }
0x9c: {  	v49 =	vsub.s32 v49, v50  }
0x9d: {  	v50 =	vadd.s32 $0x1, v49;
	_ =	sdelay $0x4  }
0x9e: {  	v61 =	vld.idx.msk [tilespmem:v50+s20+$0x0], $0xffff;
	_ =	sdelay $0x4  }
0x9f: {  	vm11 =	vlt.f32 v61, v10  }
0xa0: {  	v12 =	vsel vm11, v50, v12;
	v9 =	vsel vm11, v9, v49  }
0xa1: {  	v49 =	vadd.s32 v9, v12  }
0xa2: {  	v49 =	vshrl.u32 v49, $0x1  }
0xa3: {  	v62 =	vadd.s32 $0x1, v49;
	_ =	sdelay $0x4  }
0xa4: {  	v63 =	vld.idx.msk [tilespmem:v62+s20+$0x0], $0xffff;
	_ =	sdelay $0x4  }
0xa5: {  	vm12 =	vlt.f32 v63, v10  }
0xa6: {  	v12 =	vsel vm12, v62, v12;
	v9 =	vsel vm12, v9, v49  }
0xa7: {  	v49 =	vadd.s32 v9, v12  }
0xa8: {  	v49 =	vshrl.u32 v49, $0x1  }
0xa9: {  	v54 =	vadd.s32 $0x1, v49;
	_ =	sdelay $0x4  }
0xaa: {  	v55 =	vld.idx.msk [tilespmem:v54+s20+$0x0], $0xffff;
	_ =	sdelay $0x4  }
0xab: {  	vm13 =	vlt.f32 v55, v10  }
0xac: {  	v12 =	vsel vm13, v54, v12;
	v9 =	vsel vm13, v9, v49  }
0xad: {  	v49 =	vadd.s32 v9, v12  }
0xae: {  	v49 =	vshrl.u32 v49, $0x1  }
0xaf: {  	v56 =	vadd.s32 $0x1, v49;
	_ =	sdelay $0x4  }
0xb0: {  	v57 =	vld.idx.msk [tilespmem:v56+s20+$0x0], $0xffff;
	_ =	sdelay $0x4  }
0xb1: {  	vm14 =	vlt.f32 v57, v10  }
0xb2: {  	v43 =	vld.idx.msk [tilespmem:v43+s12+$0x0], $0xffff;
	v12 =	vsel vm14, v56, v12;
	v9 =	vsel vm14, v9, v49  }
0xb3: {  	[tilespmem:v44+s14+$0x0] =	vst.idx.msk $0xffff, v40;
	v19 =	vld.idx.msk [tilespmem:v19+s12+$0x0], $0xffff;
	v9 =	vadd.s32 v9, v12  }
0xb4: {  	[tilespmem:v11+s14+$0x0] =	vst.idx.msk $0xffff, v29;
	v29 =	vld.idx.msk [tilespmem:v38+s12+$0x0], $0xffff;
	v9 =	vshrl.u32 v9, $0x1  }
0xb5: {  	[tilespmem:v14+s14+$0x0] =	vst.idx.msk $0xffff, v26;
	v30 =	vld.idx.msk [tilespmem:v30+s12+$0x0], $0xffff;
	v9 =	vadd.s32 $0x1, v9  }
0xb6: {  	v48 =	vor.u32 v8, v48;
	[tilespmem:v15+s14+$0x0] =	vst.idx.msk $0xffff, v31;
	v24 =	vld.idx.msk [tilespmem:v24+s12+$0x0], $0xffff  }
0xb7: {  	v36 =	vor.u32 v8, v36;
	v14 =	vor.u32 v7, v32;
	[tilespmem:v39+s14+$0x0] =	vst.idx.msk $0xffff, v37;
	s22 =	simm.s32 $0x1;
	s23 =	simm.s32 $0x2;
	s29 =	simm.s32 $0x4;
	v17 =	vld.idx.msk [tilespmem:v17+s12+$0x0], $0xffff  }
0xb8: {  	s25 =	simm.s32 $0x3;
	s28 =	simm.s32 $0xE;
	v11 =	vadd.s32 s22, v3;
	v26 =	vadd.s32 s23, v3;
	v31 =	vadd.s32 s29, v3;
	[tilespmem:v22+s14+$0x0] =	vst.idx.msk $0xffff, v35  }
0xb9: {  	s21 =	sshll.u32 s21, $0xB;
	v52 =	vadd.s32 s25, v3;
	v53 =	vadd.s32 s28, v3;
	[tilespmem:v33+s14+$0x0] =	vst.idx.msk $0xffff, v34;
	v59 =	vor.u32 v8, v47;
	v60 =	vld.idx.msk [tilespmem:v46+s12+$0x0], $0xffff  }
0xba: {  	s22 =	simm.s32 $0x8;
	v7 =	vor.u32 s21, v5;
	v39 =	vand.u32 $0x7F, v53;
	v11 =	vand.u32 $0x7F, v11;
	[tilespmem:v13+s14+$0x0] =	vst.idx.msk $0xffff, v19;
	v58 =	vld.idx.msk [tilespmem:v9+s20+$0x0], $0xffff  }
0xbb: {  	v26 =	vand.u32 $0x7F, v26;
	v22 =	vadd.s32 s22, v3;
	s22 =	simm.s32 $0x6;
	v34 =	vand.u32 $0x7F, v52;
	v13 =	vld.idx.msk [tilespmem:v16+s12+$0x0], $0xffff;
	[tilespmem:v21+s14+$0x0] =	vst.idx.msk $0xffff, v29  }
0xbc: {  	v25 =	vld.idx.msk [tilespmem:v25+s12+$0x0], $0xffff;
	v22 =	vand.u32 $0x7F, v22;
	v29 =	vand.u32 $0x7F, v31;
	[tilespmem:v18+s14+$0x0] =	vst.idx.msk $0xffff, v30;
	v18 =	vadd.s32 s22, v3;
	s22 =	simm.s32 $0x1A  }
0xbd: {  	v30 =	vor.u32 v7, v11;
	[tilespmem:v48+s14+$0x0] =	vst.idx.msk $0xffff, v17;
	v44 =	vor.u32 v7, v22;
	v48 =	vadd.s32 s22, v3  }
0xbe: {  	s26 =	simm.s32 $0xB;
	s29 =	simm.s32 $0xD;
	v40 =	vor.u32 v7, v29;
	v48 =	vand.u32 $0x7F, v48;
	[tilespmem:v59+s14+$0x0] =	vst.idx.msk $0xffff, v24;
	v24 =	vor.u32 v7, v39  }
0xbf: {  	v15 =	vld.idx.msk [tilespmem:v41+s12+$0x0], $0xffff;
	s30 =	simm.s32 $0x5;
	v51 =	vadd.s32 s26, v3;
	[tilespmem:v27+s14+$0x0] =	vst.idx.msk $0xffff, v60;
	v27 =	vadd.s32 s29, v3;
	vm15 =	vlt.f32 v58, v10  }
0xc0: {  	s24 =	simm.s32 $0xA;
	[tilespmem:v20+s14+$0x0] =	vst.idx.msk $0xffff, v13;
	v13 =	vand.u32 $0x7F, v27;
	v61 =	vadd.s32 s30, v3;
	v9 =	vsel vm15, v9, v12  }
0xc1: {  	[tilespmem:v28+s14+$0x0] =	vst.idx.msk $0xffff, v43;
	s30 =	simm.s32 $0xF;
	v50 =	vadd.s32 s24, v3;
	v12 =	vor.u32 v8, v32;
	v8 =	vshll.u32 v9, $0x7  }
0xc2: {  	[tilespmem:v36+s14+$0x0] =	vst.idx.msk $0xffff, v25;
	v28 =	vadd.s32 s30, v3;
	v25 =	vand.u32 $0x7F, v61;
	v19 =	vor.u32 v8, v39  }
0xc3: {  	s31 =	simm.s32 $0x7;
	v14 =	vld.idx.msk [tilespmem:v14+s12+$0x0], $0xffff;
	v21 =	vand.u32 $0x7F, v28;
	v20 =	vor.u32 v7, v25;
	v54 =	vor.u32 v8, v11  }
0xc4: {  	[tilespmem:v23+s14+$0x0] =	vst.idx.msk $0xffff, v15;
	v38 =	vand.u32 $0x7F, v50;
	v62 =	vadd.s32 s31, v3;
	s31 =	simm.s32 $0x9;
	v23 =	vor.u32 v8, v26  }
0xc5: {  	s25 =	simm.s32 $0x12;
	v16 =	vand.u32 $0x7F, v62;
	v15 =	vadd.s32 s31, v3;
	v28 =	vor.u32 v8, v34  }
0xc6: {  	s23 =	simm.s32 $0xC;
	v62 =	vadd.s32 s25, v3;
	v15 =	vand.u32 $0x7F, v15;
	v27 =	vor.u32 v8, v13  }
0xc7: {  	v50 =	vor.u32 v7, v16;
	v11 =	vadd.s32 s23, v3;
	v60 =	vor.u32 v8, v21;
	v19 =	vld.idx.msk [tilespmem:v19+s12+$0x0], $0xffff  }
0xc8: {  	v29 =	vor.u32 v8, v29;
	[tilespmem:v12+s14+$0x0] =	vst.idx.msk $0xffff, v14;
	v14 =	vand.u32 $0x7F, v11;
	v11 =	vand.u32 $0x7F, v18;
	v18 =	vld.idx.msk [tilespmem:v54+s12+$0x0], $0xffff  }
0xc9: {  	v55 =	vand.u32 $0x7F, v51;
	v31 =	vor.u32 v8, v16;
	v16 =	vor.u32 v8, v38;
	v23 =	vld.idx.msk [tilespmem:v23+s12+$0x0], $0xffff  }
0xca: {  	v49 =	vor.u32 v7, v38;
	v10 =	vor.u32 s21, v6;
	v12 =	vor.u32 v8, v25;
	v28 =	vld.idx.msk [tilespmem:v28+s12+$0x0], $0xffff  }
0xcb: {  	v41 =	vor.u32 s20, v10;
	v32 =	vor.u32 v7, v55;
	v25 =	vor.u32 v8, v22;
	v17 =	vld.idx.msk [tilespmem:v27+s12+$0x0], $0xffff  }
0xcc: {  	v9 =	vor.u32 v3, v8;
	v33 =	vor.u32 v8, v55;
	v26 =	vor.u32 v7, v26;
	v39 =	vld.idx.msk [tilespmem:v60+s12+$0x0], $0xffff  }
0xcd: {  	v21 =	vor.u32 v7, v21;
	v34 =	vor.u32 v7, v34;
	v63 =	vor.u32 s20, v9;
	v29 =	vld.idx.msk [tilespmem:v29+s12+$0x0], $0xffff  }
0xce: {  	s29 =	simm.s32 $0x17;
	s31 =	simm.s32 $0x10;
	v38 =	vor.u32 v7, v13;
	v13 =	vor.u32 v7, v15;
	v35 =	vor.u32 v8, v15;
	v53 =	vld.idx.msk [tilespmem:v16+s12+$0x0], $0xffff  }
0xcf: {  	[tilespmem:v42+s14+$0x0] =	vst.idx.msk $0xffff, v45;
	v15 =	vor.u32 s31, v10;
	v22 =	vadd.s32 s29, v3;
	v56 =	vor.u32 v8, v14;
	v61 =	vld.idx.msk [tilespmem:v12+s12+$0x0], $0xffff  }
0xd0: {  	s24 =	simm.s32 $0x11;
	v37 =	vor.u32 v8, v11;
	v11 =	vor.u32 v7, v11;
	v58 =	vand.u32 $0x7F, v22;
	v25 =	vld.idx.msk [tilespmem:v25+s12+$0x0], $0xffff  }
0xd1: {  	s28 =	simm.s32 $0x15;
	s26 =	simm.s32 $0x14;
	v27 =	vadd.s32 s24, v3;
	v12 =	vor.u32 v7, v14;
	v14 =	vor.u32 s31, v9;
	[tilespmem:v24+s14+$0x0] =	vst.idx.msk $0xffff, v19;
	v19 =	vld.idx.msk [tilespmem:v33+s12+$0x0], $0xffff  }
0xd2: {  	s30 =	simm.s32 $0x18;
	s23 =	simm.s32 $0x1B;
	s24 =	simm.s32 $0x13;
	v16 =	vor.u32 v8, v58;
	v24 =	vadd.s32 s26, v3;
	v33 =	vadd.s32 s28, v3;
	[tilespmem:v30+s14+$0x0] =	vst.idx.msk $0xffff, v18;
	v18 =	vld.idx.msk [tilespmem:v63+s12+$0x0], $0xffff  }
0xd3: {  	s25 =	simm.s32 $0x1D;
	s29 =	simm.s32 $0x19;
	v30 =	vadd.s32 s30, v3;
	v63 =	vadd.s32 s23, v3;
	s26 =	simm.s32 $0x1E;
	[tilespmem:v26+s14+$0x0] =	vst.idx.msk $0xffff, v23;
	v23 =	vadd.s32 s24, v3  }
0xd4: {  	v26 =	vadd.s32 s25, v3;
	[tilespmem:v34+s14+$0x0] =	vst.idx.msk $0xffff, v28;
	v28 =	vadd.s32 s29, v3;
	v57 =	vadd.s32 s26, v3  }
0xd5: {  	[tilespmem:v38+s14+$0x0] =	vst.idx.msk $0xffff, v17;
	s30 =	simm.s32 $0x16;
	v55 =	vand.u32 $0x7F, v24;
	v24 =	vld.idx.msk [tilespmem:v31+s12+$0x0], $0xffff;
	v17 =	vand.u32 $0x7F, v63;
	v31 =	vand.u32 $0x7F, v26  }
0xd6: {  	[tilespmem:v40+s14+$0x0] =	vst.idx.msk $0xffff, v29;
	v30 =	vand.u32 $0x7F, v30;
	v29 =	vadd.s32 s30, v3;
	v46 =	vand.u32 $0x7F, v57  }
0xd7: {  	[tilespmem:v21+s14+$0x0] =	vst.idx.msk $0xffff, v39;
	v39 =	vor.u32 v8, v31;
	v26 =	vor.u32 v8, v30;
	v47 =	vand.u32 $0x7F, v29  }
0xd8: {  	s28 =	simm.s32 $0x1F;
	v29 =	vor.u32 v7, v17;
	v31 =	vor.u32 v7, v31;
	[tilespmem:v20+s14+$0x0] =	vst.idx.msk $0xffff, v61;
	v20 =	vand.u32 $0x7F, v27  }
0xd9: {  	[tilespmem:v49+s14+$0x0] =	vst.idx.msk $0xffff, v53;
	v59 =	vor.u32 v8, v46;
	v27 =	vadd.s32 s28, v3;
	v61 =	vand.u32 $0x7F, v62  }
0xda: {  	v22 =	vld.idx.msk [tilespmem:v56+s12+$0x0], $0xffff;
	v62 =	vand.u32 $0x7F, v23;
	v23 =	vand.u32 $0x7F, v28;
	[tilespmem:v44+s14+$0x0] =	vst.idx.msk $0xffff, v25;
	v60 =	vor.u32 v8, v20  }
0xdb: {  	v43 =	vor.u32 v7, v46;
	v28 =	vld.idx.msk [tilespmem:v37+s12+$0x0], $0xffff;
	v54 =	vor.u32 v8, v62;
	[tilespmem:v32+s14+$0x0] =	vst.idx.msk $0xffff, v19  }
0xdc: {  	v46 =	vor.u32 v8, v17;
	v19 =	vor.u32 v8, v61;
	[tilespmem:v41+s14+$0x0] =	vst.idx.msk $0xffff, v18;
	v18 =	vand.u32 $0x7F, v33  }
0xdd: {  	v37 =	vor.u32 v8, v55;
	v52 =	vand.u32 $0x7F, v27;
	v27 =	vld.idx.msk [tilespmem:v35+s12+$0x0], $0xffff;
	v63 =	vor.u32 v8, v18  }
0xde: {  	v17 =	vor.u32 v7, v48;
	v42 =	vor.u32 v7, v20;
	v35 =	vor.u32 v7, v61;
	v36 =	vld.idx.msk [tilespmem:v59+s12+$0x0], $0xffff  }
0xdf: {  	s31 =	simm.s32 $0x1C;
	v20 =	vor.u32 v8, v47;
	v41 =	vor.u32 v8, v52;
	v33 =	vor.u32 v7, v62;
	v45 =	vld.idx.msk [tilespmem:v60+s12+$0x0], $0xffff  }
0xe0: {  	v32 =	vor.u32 v8, v48;
	v21 =	vor.u32 v7, v18;
	v18 =	vadd.s32 s31, v3;
	v38 =	vld.idx.msk [tilespmem:v54+s12+$0x0], $0xffff  }
0xe1: {  	[tilespmem:v50+s14+$0x0] =	vst.idx.msk $0xffff, v24;
	v24 =	vor.u32 v7, v52;
	v44 =	vand.u32 $0x7F, v18;
	v34 =	vld.idx.msk [tilespmem:v19+s12+$0x0], $0xffff  }
0xe2: {  	s20 =	simm.s32 $0x20;
	v18 =	vor.u32 v7, v55;
	v25 =	vor.u32 v8, v44;
	v19 =	vor.u32 v7, v58;
	v40 =	vld.idx.msk [tilespmem:v63+s12+$0x0], $0xffff  }
.LBB2_5:
0xe3: {  	s21 =	sadd.s32 $0x1, s20;
	s22 =	sadd.s32 $0x2, s20;
	s23 =	sadd.s32 $0x3, s20;
	v47 =	vor.u32 v7, v47;
	v44 =	vor.u32 v7, v44;
	v39 =	vld.idx.msk [tilespmem:v39+s12+$0x0], $0xffff;
	[tilespmem:v43+s14+$0x0] =	vst.idx.msk $0xffff, v36  }
0xe4: {  	s24 =	sadd.s32 $0x7, s20;
	v36 =	vadd.s32 s21, v3;
	v43 =	vadd.s32 s22, v3;
	s21 =	sadd.s32 $0x4, s20;
	s22 =	sadd.s32 $0x5, s20;
	[tilespmem:v42+s14+$0x0] =	vst.idx.msk $0xffff, v45;
	v45 =	vor.u32 v7, v30;
	v30 =	vld.idx.msk [tilespmem:v46+s12+$0x0], $0xffff  }
0xe5: {  	s25 =	sadd.s32 $0xF, s20;
	v49 =	vor.u32 v7, v23;
	v42 =	vadd.s32 s21, v3;
	v46 =	vadd.s32 s22, v3;
	s21 =	sadd.s32 $0x8, s20;
	s22 =	sadd.s32 $0x9, s20;
	v48 =	vld.idx.msk [tilespmem:v14+s12+$0x0], $0xffff;
	[tilespmem:v12+s14+$0x0] =	vst.idx.msk $0xffff, v22  }
0xe6: {  	s26 =	sadd.s32 $0xB, s20;
	v23 =	vor.u32 v8, v23;
	v22 =	vadd.s32 s24, v3;
	s24 =	sadd.s32 $0xA, s20;
	v50 =	vadd.s32 s21, v3;
	s21 =	sadd.s32 $0xC, s20;
	v41 =	vld.idx.msk [tilespmem:v41+s12+$0x0], $0xffff;
	[tilespmem:v13+s14+$0x0] =	vst.idx.msk $0xffff, v27  }
0xe7: {  	s28 =	sadd.s32 $0x6, s20;
	v14 =	vor.u32 s20, v9;
	v12 =	vmovc v44;
	v51 =	vadd.s32 s24, v3;
	v27 =	vadd.s32 s26, v3;
	s24 =	sadd.s32 $0xD, s20;
	s26 =	sadd.s32 $0xE, s20;
	v13 =	vmovc v49;
	[tilespmem:v35+s14+$0x0] =	vst.idx.msk $0xffff, v34  }
0xe8: {  	p0 =	slt.u32 s20, $0x70;
	v34 =	vadd.s32 s23, v3;
	v35 =	vadd.s32 s24, v3;
	v44 =	vadd.s32 s26, v3;
	s23 =	smov.u32 s20;
	s20 =	sadd.s32 $0x10, s20;
	[tilespmem:v11+s14+$0x0] =	vst.idx.msk $0xffff, v28;
	v11 =	vmovc v47  }
0xe9: {  	v49 =	vand.u32 $0x7F, v22;
	v47 =	vor.u32 s23, v10;
	v28 =	vand.u32 $0x7F, v44;
	v37 =	vld.idx.msk [tilespmem:v37+s12+$0x0], $0xffff;
	[tilespmem:v21+s14+$0x0] =	vst.idx.msk $0xffff, v40  }
0xea: {  	v40 =	vand.u32 $0x7F, v36;
	v36 =	vor.u32 v8, v28;
	v21 =	vadd.s32 s25, v3;
	[tilespmem:v33+s14+$0x0] =	vst.idx.msk $0xffff, v38;
	v26 =	vld.idx.msk [tilespmem:v26+s12+$0x0], $0xffff  }
0xeb: {  	v33 =	vor.u32 v8, v40;
	v38 =	vand.u32 $0x7F, v43;
	v43 =	vadd.s32 s22, v3;
	[tilespmem:v29+s14+$0x0] =	vst.idx.msk $0xffff, v30;
	v22 =	vld.idx.msk [tilespmem:v25+s12+$0x0], $0xffff  }
0xec: {  	v52 =	vand.u32 $0x7F, v34;
	v53 =	vand.u32 $0x7F, v21;
	v25 =	vor.u32 v8, v38;
	[tilespmem:v15+s14+$0x0] =	vst.idx.msk $0xffff, v48;
	v32 =	vld.idx.msk [tilespmem:v32+s12+$0x0], $0xffff  }
0xed: {  	v54 =	vand.u32 $0x7F, v42;
	v29 =	vand.u32 $0x7F, v46;
	v48 =	vor.u32 v8, v52;
	v55 =	vld.idx.msk [tilespmem:v16+s12+$0x0], $0xffff;
	[tilespmem:v31+s14+$0x0] =	vst.idx.msk $0xffff, v39  }
0xee: {  	v56 =	vand.u32 $0x7F, v35;
	v16 =	vor.u32 v8, v49;
	v31 =	vand.u32 $0x7F, v27;
	v27 =	vld.idx.msk [tilespmem:v23+s12+$0x0], $0xffff;
	[tilespmem:v24+s14+$0x0] =	vst.idx.msk $0xffff, v41  }
0xef: {  	v30 =	vand.u32 $0x7F, v50;
	v21 =	vor.u32 v7, v29;
	v23 =	vand.u32 $0x7F, v43;
	v36 =	vld.idx.msk [tilespmem:v36+s12+$0x0], $0xffff;
	[tilespmem:v18+s14+$0x0] =	vst.idx.msk $0xffff, v37  }
0xf0: {  	v15 =	vmovc v47;
	v39 =	vor.u32 v8, v56;
	v24 =	vadd.s32 s28, v3;
	v43 =	vor.u32 v7, v28;
	v28 =	vld.idx.msk [tilespmem:v20+s12+$0x0], $0xffff  }
0xf1: {  	v42 =	vor.u32 v7, v40;
	v40 =	vor.u32 v8, v29;
	v18 =	vadd.s32 s21, v3;
	[tilespmem:v45+s14+$0x0] =	vst.idx.msk $0xffff, v26  }
0xf2: {  	v46 =	vor.u32 v8, v31;
	v44 =	vand.u32 $0x7F, v18;
	v26 =	vor.u32 v8, v30;
	v45 =	vld.idx.msk [tilespmem:v33+s12+$0x0], $0xffff  }
.Ltmp1:
0xf3: {  	v35 =	vor.u32 v7, v38;
	v41 =	vor.u32 v8, v53;
	v34 =	vld.idx.msk [tilespmem:v25+s12+$0x0], $0xffff;
	v25 =	vor.u32 v8, v44;
	(pc) =	sbr.rel @p0 .LBB2_5-.Ltmp1, $4  }
0xf4: {  	v29 =	vor.u32 v7, v31;
	v47 =	vand.u32 $0x7F, v24;
	v18 =	vor.u32 v7, v54;
	[tilespmem:v19+s14+$0x0] =	vst.idx.msk $0xffff, v55  }
0xf5: {  	v31 =	vand.u32 $0x7F, v51;
	v24 =	vor.u32 v7, v53;
	v20 =	vor.u32 v8, v47;
	[tilespmem:v17+s14+$0x0] =	vst.idx.msk $0xffff, v32  }
0xf6: {  	v37 =	vor.u32 v8, v54;
	v33 =	vor.u32 v7, v52;
	v17 =	vor.u32 v7, v31;
	v40 =	vld.idx.msk [tilespmem:v40+s12+$0x0], $0xffff  }
0xf7: {  	v19 =	vor.u32 v7, v49;
	v32 =	vor.u32 v8, v31;
	v31 =	vor.u32 v7, v56;
	v38 =	vld.idx.msk [tilespmem:v48+s12+$0x0], $0xffff  }
0xf8: {  	_ =	sdelay $0x3  }
0xf9: {  	[tilespmem:v43+s14+$0x0] =	vst.idx.msk $0xffff, v36  }
0xfa: {  	[tilespmem:v42+s14+$0x0] =	vst.idx.msk $0xffff, v45  }
0xfb: {  	[tilespmem:v12+s14+$0x0] =	vst.idx.msk $0xffff, v22  }
0xfc: {  	v9 =	vld.idx.msk [tilespmem:v46+s12+$0x0], $0xffff;
	[tilespmem:v13+s14+$0x0] =	vst.idx.msk $0xffff, v27  }
0xfd: {  	v10 =	vld.idx.msk [tilespmem:v14+s12+$0x0], $0xffff;
	[tilespmem:v35+s14+$0x0] =	vst.idx.msk $0xffff, v34  }
0xfe: {  	v53 =	vld.idx.msk [tilespmem:v39+s12+$0x0], $0xffff;
	[tilespmem:v11+s14+$0x0] =	vst.idx.msk $0xffff, v28  }
0xff: {  	v54 =	vld.idx.msk [tilespmem:v41+s12+$0x0], $0xffff;
	[tilespmem:v21+s14+$0x0] =	vst.idx.msk $0xffff, v40  }
0x100: {  	v55 =	vld.idx.msk [tilespmem:v37+s12+$0x0], $0xffff;
	[tilespmem:v33+s14+$0x0] =	vst.idx.msk $0xffff, v38  }
0x101: {  	v8 =	vor.u32 v8, v23;
	v56 =	vor.u32 v7, v30;
	v57 =	vld.idx.msk [tilespmem:v26+s12+$0x0], $0xffff;
	[tilespmem:v29+s14+$0x0] =	vst.idx.msk $0xffff, v9  }
0x102: {  	v58 =	vld.idx.msk [tilespmem:v16+s12+$0x0], $0xffff;
	[tilespmem:v15+s14+$0x0] =	vst.idx.msk $0xffff, v10  }
0x103: {  	v59 =	vld.idx.msk [tilespmem:v32+s12+$0x0], $0xffff;
	[tilespmem:v31+s14+$0x0] =	vst.idx.msk $0xffff, v53  }
0x104: {  	v60 =	vor.u32 v7, v44;
	v61 =	vld.idx.msk [tilespmem:v25+s12+$0x0], $0xffff;
	[tilespmem:v24+s14+$0x0] =	vst.idx.msk $0xffff, v54  }
0x105: {  	v62 =	vor.u32 v7, v23;
	v7 =	vor.u32 v7, v47;
	v63 =	vld.idx.msk [tilespmem:v20+s12+$0x0], $0xffff;
	[tilespmem:v18+s14+$0x0] =	vst.idx.msk $0xffff, v55  }
0x106: {  	p0 =	slt.u32 s19, $0x6;
	v8 =	vld.idx.msk [tilespmem:v8+s12+$0x0], $0xffff;
	[tilespmem:v56+s14+$0x0] =	vst.idx.msk $0xffff, v57  }
.Ltmp2:
0x107: {  	[tilespmem:v19+s14+$0x0] =	vst.idx.msk $0xffff, v58;
	(pc) =	sbr.rel @p0 .LBB2_2-.Ltmp2, $4  }
0x108: {  	[tilespmem:v17+s14+$0x0] =	vst.idx.msk $0xffff, v59  }
0x109: {  	[tilespmem:v60+s14+$0x0] =	vst.idx.msk $0xffff, v61  }
0x10a: {  	s20 =	sadd.s32 $0x2, s19;
	[tilespmem:v7+s14+$0x0] =	vst.idx.msk $0xffff, v63  }
0x10b: {  	s19 =	smov.u32 s20;
	[tilespmem:v62+s14+$0x0] =	vst.idx.msk $0xffff, v8  }
0x10c: {  	s19 =	simm.s32 $0x0;
	s20 =	simm.s32 $0x0  }
0x10d: {  	[hbm4b:s6+s19] =	stream.linear.scatter [tilespmem:s14], [sflag:$0x1], $0x4000, $0x38;
	[tilespmem:$0x11A80] =	vst v63  }
.LBB2_8:
0x10e: {  	_ =	sdelay $0x2  }
0x10f: {  	s21 =	sshll.u32 s20, $0x4  }
0x110: {  	v9 =	vld.idx.msk [tilespmem:v0+s19+$0x0], $0xffff;
	s21 =	sand.u32 $0x3FFFFFF0, s21  }
0x111: {  	v7 =	vld [tilespmem:s21+$0x200];
	_ =	sdelay $0x4  }
0x112: {  	vm0 =	vlt.f32 v9, v7  }
0x113: {  	v8 =	vsel vm0, $0xBF, v4  }
0x114: {  	v10 =	vadd.s32 $0x1, v8;
	_ =	sdelay $0x4  }
0x115: {  	v11 =	vld.idx.msk [tilespmem:v10+s19+$0x0], $0xffff;
	_ =	sdelay $0x4  }
0x116: {  	v12 =	vsel vm0, $0xFF, v2;
	vm1 =	vlt.f32 v11, v7  }
0x117: {  	v11 =	vsel vm0, $0x80, v1;
	v8 =	vsel vm1, v12, v8  }
0x118: {  	v10 =	vsel vm1, v10, v11;
	v11 =	vadd.s32 $0xFFFFFFFF, v8  }
0x119: {  	v11 =	vadd.s32 v11, v10  }
0x11a: {  	v11 =	vshrl.u32 v11, $0x1  }
0x11b: {  	v12 =	vadd.s32 $0x1, v11;
	_ =	sdelay $0x4  }
0x11c: {  	v13 =	vld.idx.msk [tilespmem:v12+s19+$0x0], $0xffff;
	_ =	sdelay $0x4  }
0x11d: {  	vm10 =	vlt.f32 v13, v7  }
0x11e: {  	v8 =	vsel vm10, v8, v11  }
0x11f: {  	v10 =	vsel vm10, v12, v10;
	v11 =	vadd.s32 $0xFFFFFFFF, v8  }
0x120: {  	v12 =	vxor.u32 v11, v10  }
0x121: {  	v11 =	vor.u32 v11, v10;
	v12 =	vshrl.u32 v12, $0x1  }
0x122: {  	v11 =	vsub.s32 v11, v12  }
0x123: {  	v12 =	vadd.s32 $0x1, v11;
	_ =	sdelay $0x4  }
0x124: {  	v13 =	vld.idx.msk [tilespmem:v12+s19+$0x0], $0xffff;
	_ =	sdelay $0x4  }
0x125: {  	vm11 =	vlt.f32 v13, v7  }
0x126: {  	v10 =	vsel vm11, v12, v10;
	v8 =	vsel vm11, v8, v11  }
0x127: {  	v11 =	vadd.s32 v8, v10  }
0x128: {  	v11 =	vshrl.u32 v11, $0x1  }
0x129: {  	v12 =	vadd.s32 $0x1, v11;
	_ =	sdelay $0x4  }
0x12a: {  	v13 =	vld.idx.msk [tilespmem:v12+s19+$0x0], $0xffff;
	_ =	sdelay $0x4  }
0x12b: {  	vm12 =	vlt.f32 v13, v7  }
0x12c: {  	v10 =	vsel vm12, v12, v10;
	v8 =	vsel vm12, v8, v11  }
0x12d: {  	v11 =	vadd.s32 v8, v10  }
0x12e: {  	v11 =	vshrl.u32 v11, $0x1  }
0x12f: {  	v12 =	vadd.s32 $0x1, v11;
	_ =	sdelay $0x4  }
0x130: {  	v13 =	vld.idx.msk [tilespmem:v12+s19+$0x0], $0xffff;
	_ =	sdelay $0x4  }
0x131: {  	vm13 =	vlt.f32 v13, v7  }
0x132: {  	v10 =	vsel vm13, v12, v10;
	v8 =	vsel vm13, v8, v11  }
0x133: {  	v11 =	vadd.s32 v8, v10  }
0x134: {  	v11 =	vshrl.u32 v11, $0x1  }
0x135: {  	v12 =	vadd.s32 $0x1, v11;
	_ =	sdelay $0x4  }
0x136: {  	v13 =	vld.idx.msk [tilespmem:v12+s19+$0x0], $0xffff;
	_ =	sdelay $0x4  }
0x137: {  	vm14 =	vlt.f32 v13, v7  }
0x138: {  	v10 =	vsel vm14, v12, v10;
	v8 =	vsel vm14, v8, v11  }
0x139: {  	s25 =	simm.s32 $0x4;
	v8 =	vadd.s32 v8, v10  }
0x13a: {  	s26 =	simm.s32 $0x5;
	s28 =	simm.s32 $0x7;
	v14 =	vadd.s32 s25, v3;
	v8 =	vshrl.u32 v8, $0x1  }
0x13b: {  	s29 =	simm.s32 $0x8;
	s30 =	simm.s32 $0xA;
	s31 =	simm.s32 $0x3;
	v15 =	vadd.s32 s26, v3;
	v16 =	vadd.s32 s28, v3;
	v8 =	vadd.s32 $0x1, v8  }
0x13c: {  	v17 =	vadd.s32 s29, v3;
	v19 =	vadd.s32 s30, v3;
	s25 =	simm.s32 $0xE;
	s26 =	simm.s32 $0xD;
	v21 =	vadd.s32 s31, v3  }
0x13d: {  	s28 =	simm.s32 $0xF;
	s29 =	simm.s32 $0x9;
	v22 =	vadd.s32 s25, v3;
	v23 =	vadd.s32 s26, v3;
	v16 =	vand.u32 $0x7F, v16  }
0x13e: {  	v26 =	vadd.s32 s28, v3;
	v28 =	vadd.s32 s29, v3;
	v21 =	vand.u32 $0x7F, v21  }
0x13f: {  	s30 =	simm.s32 $0x6;
	v14 =	vand.u32 $0x7F, v14;
	v15 =	vand.u32 $0x7F, v15;
	v17 =	vand.u32 $0x7F, v17  }
0x140: {  	v33 =	vadd.s32 s30, v3;
	v19 =	vand.u32 $0x7F, v19;
	s25 =	simm.s32 $0x15;
	v22 =	vand.u32 $0x7F, v22;
	v11 =	vld.idx.msk [tilespmem:v8+s19+$0x0], $0xffff  }
0x141: {  	s30 =	simm.s32 $0x1A;
	v26 =	vand.u32 $0x7F, v26;
	v23 =	vand.u32 $0x7F, v23;
	v62 =	vadd.s32 s25, v3;
	s25 =	simm.s32 $0x1D  }
0x142: {  	s24 =	sshll.u32 s20, $0xB;
	s23 =	simm.s32 $0x2;
	v28 =	vand.u32 $0x7F, v28;
	v51 =	vadd.s32 s30, v3;
	v46 =	vadd.s32 s25, v3  }
0x143: {  	v57 =	vand.u32 $0x7F, v46;
	v13 =	vadd.s32 s23, v3;
	s23 =	simm.s32 $0x12;
	v12 =	vor.u32 s24, v6  }
0x144: {  	s22 =	simm.s32 $0x1;
	v13 =	vand.u32 $0x7F, v13;
	v44 =	vadd.s32 s23, v3;
	v24 =	vor.u32 s19, v12  }
0x145: {  	v48 =	vand.u32 $0x7F, v44;
	vm15 =	vlt.f32 v11, v7;
	v11 =	vadd.s32 s22, v3  }
0x146: {  	s22 =	simm.s32 $0x11;
	v7 =	vsel vm15, v8, v10;
	v8 =	vor.u32 s24, v5;
	s24 =	simm.s32 $0xB;
	v11 =	vand.u32 $0x7F, v11  }
0x147: {  	v61 =	vadd.s32 s22, v3;
	v7 =	vshll.u32 v7, $0x7;
	v20 =	vadd.s32 s24, v3  }
0x148: {  	v32 =	vor.u32 v8, v15;
	v35 =	vor.u32 v8, v11;
	v25 =	vor.u32 v7, v22  }
0x149: {  	v41 =	vor.u32 v8, v14;
	v42 =	vor.u32 v8, v26;
	v27 =	vor.u32 v7, v11  }
0x14a: {  	v49 =	vor.u32 v8, v19;
	v50 =	vor.u32 v8, v16;
	v29 =	vor.u32 v7, v13  }
0x14b: {  	v10 =	vor.u32 v3, v7;
	v30 =	vor.u32 v7, v21;
	v15 =	vor.u32 v7, v15  }
0x14c: {  	s31 =	simm.s32 $0xC;
	v31 =	vor.u32 v7, v16;
	v20 =	vand.u32 $0x7F, v20;
	v34 =	vor.u32 v7, v23  }
0x14d: {  	v22 =	vor.u32 v8, v22;
	v11 =	vadd.s32 s31, v3;
	v36 =	vor.u32 v7, v17;
	v25 =	vld.idx.msk [tilespmem:v25+s12+$0x0], $0xffff  }
0x14e: {  	v13 =	vor.u32 v8, v13;
	v40 =	vor.u32 v7, v26;
	v21 =	vor.u32 v8, v21;
	v27 =	vld.idx.msk [tilespmem:v27+s12+$0x0], $0xffff  }
0x14f: {  	v26 =	vor.u32 v7, v14;
	v16 =	vor.u32 v7, v19;
	v18 =	vor.u32 s19, v10;
	v29 =	vld.idx.msk [tilespmem:v29+s12+$0x0], $0xffff  }
0x150: {  	v23 =	vor.u32 v8, v23;
	v17 =	vor.u32 v8, v17;
	v38 =	vor.u32 v7, v20;
	v43 =	vld.idx.msk [tilespmem:v15+s12+$0x0], $0xffff  }
0x151: {  	s29 =	simm.s32 $0x10;
	s31 =	simm.s32 $0x1B;
	v37 =	vand.u32 $0x7F, v11;
	v11 =	vand.u32 $0x7F, v33;
	v20 =	vor.u32 v8, v20;
	v30 =	vld.idx.msk [tilespmem:v30+s12+$0x0], $0xffff  }
0x152: {  	v19 =	vor.u32 s29, v10;
	v45 =	vadd.s32 s31, v3;
	v39 =	vor.u32 v7, v37;
	v34 =	vld.idx.msk [tilespmem:v34+s12+$0x0], $0xffff;
	[tilespmem:v22+s15+$0x0] =	vst.idx.msk $0xffff, v25  }
0x153: {  	v33 =	vor.u32 v7, v11;
	v11 =	vor.u32 v8, v11;
	v40 =	vld.idx.msk [tilespmem:v40+s12+$0x0], $0xffff;
	[tilespmem:v35+s15+$0x0] =	vst.idx.msk $0xffff, v27  }
0x154: {  	s24 =	simm.s32 $0x14;
	v14 =	vor.u32 v8, v37;
	v15 =	vor.u32 v8, v28;
	v18 =	vld.idx.msk [tilespmem:v18+s12+$0x0], $0xffff;
	[tilespmem:v13+s15+$0x0] =	vst.idx.msk $0xffff, v29  }
0x155: {  	s26 =	simm.s32 $0x17;
	s28 =	simm.s32 $0x18;
	v37 =	vand.u32 $0x7F, v61;
	v28 =	vor.u32 v7, v28;
	v22 =	vld.idx.msk [tilespmem:v38+s12+$0x0], $0xffff;
	v25 =	vadd.s32 s24, v3;
	[tilespmem:v32+s15+$0x0] =	vst.idx.msk $0xffff, v43  }
0x156: {  	v27 =	vadd.s32 s26, v3;
	v35 =	vadd.s32 s28, v3;
	v13 =	vor.u32 s29, v12;
	[tilespmem:v21+s15+$0x0] =	vst.idx.msk $0xffff, v30  }
0x157: {  	s24 =	simm.s32 $0x13;
	s26 =	simm.s32 $0x1E;
	v30 =	vor.u32 v7, v37;
	[tilespmem:v23+s15+$0x0] =	vst.idx.msk $0xffff, v34;
	v23 =	vand.u32 $0x7F, v45;
	v43 =	vor.u32 v7, v57  }
0x158: {  	s28 =	simm.s32 $0x1F;
	v21 =	vld.idx.msk [tilespmem:v36+s12+$0x0], $0xffff;
	[tilespmem:v42+s15+$0x0] =	vst.idx.msk $0xffff, v40;
	v42 =	vor.u32 v8, v37;
	v29 =	vadd.s32 s24, v3;
	v47 =	vadd.s32 s26, v3  }
0x159: {  	v52 =	vand.u32 $0x7F, v27;
	v60 =	vadd.s32 s28, v3;
	[tilespmem:v24+s15+$0x0] =	vst.idx.msk $0xffff, v18;
	v18 =	vld.idx.msk [tilespmem:v16+s12+$0x0], $0xffff;
	v56 =	vand.u32 $0x7F, v25  }
0x15a: {  	s30 =	simm.s32 $0x16;
	v24 =	vand.u32 $0x7F, v62;
	v62 =	vld.idx.msk [tilespmem:v31+s12+$0x0], $0xffff;
	v36 =	vand.u32 $0x7F, v35;
	v27 =	vand.u32 $0x7F, v47  }
0x15b: {  	v31 =	vld.idx.msk [tilespmem:v28+s12+$0x0], $0xffff;
	v28 =	vadd.s32 s30, v3;
	v46 =	vor.u32 v7, v23;
	v63 =	vor.u32 v7, v27  }
0x15c: {  	v47 =	vld.idx.msk [tilespmem:v26+s12+$0x0], $0xffff;
	v53 =	vand.u32 $0x7F, v29;
	v54 =	vand.u32 $0x7F, v60;
	v16 =	vor.u32 v7, v52  }
0x15d: {  	v26 =	vld.idx.msk [tilespmem:v39+s12+$0x0], $0xffff;
	v25 =	vor.u32 v7, v36;
	v39 =	vor.u32 v8, v48;
	v38 =	vor.u32 v7, v56  }
0x15e: {  	v55 =	vor.u32 v7, v53;
	v44 =	vor.u32 v8, v27;
	v27 =	vor.u32 v8, v23  }
0x15f: {  	v29 =	vld.idx.msk [tilespmem:v33+s12+$0x0], $0xffff;
	v23 =	vor.u32 v8, v54;
	[tilespmem:v20+s15+$0x0] =	vst.idx.msk $0xffff, v22;
	v20 =	vor.u32 v7, v48  }
0x160: {  	s29 =	simm.s32 $0x19;
	v33 =	vor.u32 v8, v53;
	[tilespmem:v17+s15+$0x0] =	vst.idx.msk $0xffff, v21;
	v40 =	vld.idx.msk [tilespmem:v63+s12+$0x0], $0xffff;
	v63 =	vor.u32 v7, v24  }
0x161: {  	v61 =	vadd.s32 s29, v3;
	v22 =	vor.u32 v8, v24;
	v45 =	vld.idx.msk [tilespmem:v30+s12+$0x0], $0xffff;
	v48 =	vand.u32 $0x7F, v28;
	[tilespmem:v50+s15+$0x0] =	vst.idx.msk $0xffff, v62  }
0x162: {  	s31 =	simm.s32 $0x1C;
	v21 =	vor.u32 v8, v56;
	v28 =	vand.u32 $0x7F, v51;
	v17 =	vor.u32 v7, v48;
	[tilespmem:v49+s15+$0x0] =	vst.idx.msk $0xffff, v18  }
0x163: {  	v18 =	vor.u32 v8, v28;
	v30 =	vor.u32 v7, v28;
	v24 =	vadd.s32 s31, v3;
	v34 =	vld.idx.msk [tilespmem:v55+s12+$0x0], $0xffff  }
0x164: {  	v32 =	vand.u32 $0x7F, v61;
	[tilespmem:v41+s15+$0x0] =	vst.idx.msk $0xffff, v47;
	v41 =	vor.u32 v7, v54;
	v47 =	vand.u32 $0x7F, v24;
	v37 =	vld.idx.msk [tilespmem:v20+s12+$0x0], $0xffff  }
0x165: {  	s21 =	simm.s32 $0x20;
	v28 =	vor.u32 v8, v57;
	v24 =	vor.u32 v7, v47;
	v20 =	vor.u32 v8, v52;
	v35 =	vld.idx.msk [tilespmem:v63+s12+$0x0], $0xffff  }
.LBB2_9:
0x166: {  	s22 =	sadd.s32 $0x1, s21;
	s23 =	sadd.s32 $0x2, s21;
	s24 =	sadd.s32 $0x3, s21;
	v48 =	vor.u32 v8, v48;
	v47 =	vor.u32 v8, v47;
	v43 =	vld.idx.msk [tilespmem:v43+s12+$0x0], $0xffff;
	[tilespmem:v44+s15+$0x0] =	vst.idx.msk $0xffff, v40  }
0x167: {  	s25 =	sadd.s32 $0x7, s21;
	v40 =	vadd.s32 s22, v3;
	v44 =	vadd.s32 s23, v3;
	s22 =	sadd.s32 $0x4, s21;
	s23 =	sadd.s32 $0x5, s21;
	[tilespmem:v42+s15+$0x0] =	vst.idx.msk $0xffff, v45;
	v45 =	vor.u32 v8, v36;
	v36 =	vld.idx.msk [tilespmem:v46+s12+$0x0], $0xffff  }
0x168: {  	s26 =	sadd.s32 $0xF, s21;
	v50 =	vor.u32 v8, v32;
	v42 =	vadd.s32 s22, v3;
	v46 =	vadd.s32 s23, v3;
	s22 =	sadd.s32 $0x8, s21;
	s23 =	sadd.s32 $0x9, s21;
	v49 =	vld.idx.msk [tilespmem:v19+s12+$0x0], $0xffff;
	[tilespmem:v14+s15+$0x0] =	vst.idx.msk $0xffff, v26  }
0x169: {  	s28 =	sadd.s32 $0xB, s21;
	v32 =	vor.u32 v7, v32;
	v26 =	vadd.s32 s25, v3;
	s25 =	sadd.s32 $0xA, s21;
	v51 =	vadd.s32 s22, v3;
	s22 =	sadd.s32 $0xC, s21;
	v41 =	vld.idx.msk [tilespmem:v41+s12+$0x0], $0xffff;
	[tilespmem:v15+s15+$0x0] =	vst.idx.msk $0xffff, v31  }
0x16a: {  	s29 =	sadd.s32 $0x6, s21;
	v19 =	vor.u32 s21, v10;
	v14 =	vmovc v47;
	v52 =	vadd.s32 s25, v3;
	v31 =	vadd.s32 s28, v3;
	s25 =	sadd.s32 $0xD, s21;
	s28 =	sadd.s32 $0xE, s21;
	v15 =	vmovc v50;
	[tilespmem:v39+s15+$0x0] =	vst.idx.msk $0xffff, v37  }
0x16b: {  	p0 =	slt.u32 s21, $0x70;
	v37 =	vadd.s32 s24, v3;
	v39 =	vadd.s32 s25, v3;
	v47 =	vadd.s32 s28, v3;
	s24 =	smov.u32 s21;
	s21 =	sadd.s32 $0x10, s21;
	[tilespmem:v11+s15+$0x0] =	vst.idx.msk $0xffff, v29;
	v11 =	vmovc v48  }
0x16c: {  	v50 =	vand.u32 $0x7F, v26;
	v48 =	vor.u32 s24, v12;
	v29 =	vand.u32 $0x7F, v47;
	v38 =	vld.idx.msk [tilespmem:v38+s12+$0x0], $0xffff;
	[tilespmem:v22+s15+$0x0] =	vst.idx.msk $0xffff, v35  }
0x16d: {  	v35 =	vand.u32 $0x7F, v40;
	v40 =	vor.u32 v7, v29;
	v22 =	vadd.s32 s26, v3;
	[tilespmem:v33+s15+$0x0] =	vst.idx.msk $0xffff, v34;
	v25 =	vld.idx.msk [tilespmem:v25+s12+$0x0], $0xffff  }
0x16e: {  	v33 =	vor.u32 v7, v35;
	v34 =	vand.u32 $0x7F, v44;
	v44 =	vadd.s32 s23, v3;
	[tilespmem:v27+s15+$0x0] =	vst.idx.msk $0xffff, v36;
	v26 =	vld.idx.msk [tilespmem:v24+s12+$0x0], $0xffff  }
0x16f: {  	v53 =	vand.u32 $0x7F, v37;
	v54 =	vand.u32 $0x7F, v22;
	v24 =	vor.u32 v7, v34;
	[tilespmem:v13+s15+$0x0] =	vst.idx.msk $0xffff, v49;
	v30 =	vld.idx.msk [tilespmem:v30+s12+$0x0], $0xffff  }
0x170: {  	v55 =	vand.u32 $0x7F, v42;
	v27 =	vand.u32 $0x7F, v46;
	v49 =	vor.u32 v7, v53;
	v56 =	vld.idx.msk [tilespmem:v16+s12+$0x0], $0xffff;
	[tilespmem:v28+s15+$0x0] =	vst.idx.msk $0xffff, v43  }
0x171: {  	v57 =	vand.u32 $0x7F, v39;
	v16 =	vor.u32 v7, v50;
	v28 =	vand.u32 $0x7F, v31;
	v31 =	vld.idx.msk [tilespmem:v32+s12+$0x0], $0xffff;
	[tilespmem:v23+s15+$0x0] =	vst.idx.msk $0xffff, v41  }
0x172: {  	v36 =	vand.u32 $0x7F, v51;
	v22 =	vor.u32 v8, v27;
	v32 =	vand.u32 $0x7F, v44;
	v40 =	vld.idx.msk [tilespmem:v40+s12+$0x0], $0xffff;
	[tilespmem:v21+s15+$0x0] =	vst.idx.msk $0xffff, v38  }
0x173: {  	v13 =	vmovc v48;
	v43 =	vor.u32 v7, v57;
	v23 =	vadd.s32 s29, v3;
	v44 =	vor.u32 v8, v29;
	v29 =	vld.idx.msk [tilespmem:v17+s12+$0x0], $0xffff  }
0x174: {  	v42 =	vor.u32 v8, v35;
	v35 =	vor.u32 v7, v27;
	v17 =	vadd.s32 s22, v3;
	[tilespmem:v45+s15+$0x0] =	vst.idx.msk $0xffff, v25  }
0x175: {  	v46 =	vor.u32 v7, v28;
	v25 =	vor.u32 v7, v36;
	v47 =	vand.u32 $0x7F, v17;
	v45 =	vld.idx.msk [tilespmem:v33+s12+$0x0], $0xffff  }
.Ltmp3:
0x176: {  	v39 =	vor.u32 v8, v34;
	v41 =	vor.u32 v7, v54;
	v37 =	vld.idx.msk [tilespmem:v24+s12+$0x0], $0xffff;
	v24 =	vor.u32 v7, v47;
	(pc) =	sbr.rel @p0 .LBB2_9-.Ltmp3, $4  }
0x177: {  	v27 =	vor.u32 v8, v28;
	v21 =	vor.u32 v8, v55;
	v48 =	vand.u32 $0x7F, v23;
	[tilespmem:v20+s15+$0x0] =	vst.idx.msk $0xffff, v56  }
0x178: {  	v28 =	vand.u32 $0x7F, v52;
	v23 =	vor.u32 v8, v54;
	v17 =	vor.u32 v7, v48;
	[tilespmem:v18+s15+$0x0] =	vst.idx.msk $0xffff, v30  }
0x179: {  	v38 =	vor.u32 v7, v55;
	v33 =	vor.u32 v8, v53;
	v18 =	vor.u32 v8, v28;
	v35 =	vld.idx.msk [tilespmem:v35+s12+$0x0], $0xffff  }
0x17a: {  	v20 =	vor.u32 v8, v50;
	v30 =	vor.u32 v7, v28;
	v28 =	vor.u32 v8, v57;
	v34 =	vld.idx.msk [tilespmem:v49+s12+$0x0], $0xffff  }
0x17b: {  	s22 =	sor.u32 $0x1, s20  }
0x17c: {  	s21 =	sshll.u32 s22, $0x4  }
0x17d: {  	s21 =	sand.u32 $0x3FFFFFF0, s21  }
0x17e: {  	v10 =	vld [tilespmem:s21+$0x200];
	_ =	sdelay $0x4  }
0x17f: {  	vm0 =	vlt.f32 v9, v10  }
0x180: {  	v9 =	vsel vm0, $0xBF, v4  }
0x181: {  	v12 =	vadd.s32 $0x1, v9;
	_ =	sdelay $0x3  }
0x182: {  	s21 =	simm.s32 $0x0  }
0x183: {  	v49 =	vld.idx.msk [tilespmem:v12+s21+$0x0], $0xffff;
	_ =	sdelay $0x4  }
0x184: {  	v50 =	vsel vm0, $0xFF, v2;
	vm1 =	vlt.f32 v49, v10  }
0x185: {  	v58 =	vsel vm0, $0x80, v1;
	v9 =	vsel vm1, v50, v9  }
0x186: {  	v12 =	vsel vm1, v12, v58;
	v59 =	vadd.s32 $0xFFFFFFFF, v9  }
0x187: {  	v49 =	vadd.s32 v59, v12  }
0x188: {  	v49 =	vshrl.u32 v49, $0x1  }
0x189: {  	v60 =	vadd.s32 $0x1, v49;
	_ =	sdelay $0x4  }
0x18a: {  	v51 =	vld.idx.msk [tilespmem:v60+s21+$0x0], $0xffff;
	_ =	sdelay $0x4  }
0x18b: {  	vm10 =	vlt.f32 v51, v10  }
0x18c: {  	v9 =	vsel vm10, v9, v49  }
0x18d: {  	v12 =	vsel vm10, v60, v12;
	v49 =	vadd.s32 $0xFFFFFFFF, v9  }
0x18e: {  	v50 =	vxor.u32 v49, v12  }
0x18f: {  	v49 =	vor.u32 v49, v12;
	v50 =	vshrl.u32 v50, $0x1  }
0x190: {  	v49 =	vsub.s32 v49, v50  }
0x191: {  	v50 =	vadd.s32 $0x1, v49;
	_ =	sdelay $0x4  }
0x192: {  	v61 =	vld.idx.msk [tilespmem:v50+s21+$0x0], $0xffff;
	_ =	sdelay $0x4  }
0x193: {  	vm11 =	vlt.f32 v61, v10  }
0x194: {  	v12 =	vsel vm11, v50, v12;
	v9 =	vsel vm11, v9, v49  }
0x195: {  	v49 =	vadd.s32 v9, v12  }
0x196: {  	v49 =	vshrl.u32 v49, $0x1  }
0x197: {  	v62 =	vadd.s32 $0x1, v49;
	_ =	sdelay $0x4  }
0x198: {  	v63 =	vld.idx.msk [tilespmem:v62+s21+$0x0], $0xffff;
	_ =	sdelay $0x4  }
0x199: {  	vm12 =	vlt.f32 v63, v10  }
0x19a: {  	v12 =	vsel vm12, v62, v12;
	v9 =	vsel vm12, v9, v49  }
0x19b: {  	v49 =	vadd.s32 v9, v12  }
0x19c: {  	v49 =	vshrl.u32 v49, $0x1  }
0x19d: {  	v54 =	vadd.s32 $0x1, v49;
	_ =	sdelay $0x4  }
0x19e: {  	v55 =	vld.idx.msk [tilespmem:v54+s21+$0x0], $0xffff;
	_ =	sdelay $0x4  }
0x19f: {  	vm13 =	vlt.f32 v55, v10  }
0x1a0: {  	v12 =	vsel vm13, v54, v12;
	v9 =	vsel vm13, v9, v49  }
0x1a1: {  	v49 =	vadd.s32 v9, v12  }
0x1a2: {  	v49 =	vshrl.u32 v49, $0x1  }
0x1a3: {  	v56 =	vadd.s32 $0x1, v49;
	_ =	sdelay $0x4  }
0x1a4: {  	v57 =	vld.idx.msk [tilespmem:v56+s21+$0x0], $0xffff;
	_ =	sdelay $0x3  }
0x1a5: {  	[tilespmem:v44+s15+$0x0] =	vst.idx.msk $0xffff, v40  }
0x1a6: {  	v43 =	vld.idx.msk [tilespmem:v43+s12+$0x0], $0xffff;
	[tilespmem:v14+s15+$0x0] =	vst.idx.msk $0xffff, v26;
	vm14 =	vlt.f32 v57, v10  }
0x1a7: {  	v19 =	vld.idx.msk [tilespmem:v19+s12+$0x0], $0xffff;
	[tilespmem:v15+s15+$0x0] =	vst.idx.msk $0xffff, v31;
	v12 =	vsel vm14, v56, v12;
	v9 =	vsel vm14, v9, v49  }
0x1a8: {  	v15 =	vld.idx.msk [tilespmem:v41+s12+$0x0], $0xffff;
	[tilespmem:v39+s15+$0x0] =	vst.idx.msk $0xffff, v37;
	v9 =	vadd.s32 v9, v12  }
0x1a9: {  	v48 =	vor.u32 v8, v48;
	[tilespmem:v11+s15+$0x0] =	vst.idx.msk $0xffff, v29;
	v29 =	vld.idx.msk [tilespmem:v38+s12+$0x0], $0xffff;
	v9 =	vshrl.u32 v9, $0x1  }
0x1aa: {  	v36 =	vor.u32 v8, v36;
	s23 =	simm.s32 $0x1;
	s24 =	simm.s32 $0x2;
	v30 =	vld.idx.msk [tilespmem:v30+s12+$0x0], $0xffff;
	[tilespmem:v22+s15+$0x0] =	vst.idx.msk $0xffff, v35;
	v9 =	vadd.s32 $0x1, v9  }
0x1ab: {  	v14 =	vor.u32 v7, v32;
	s30 =	simm.s32 $0x3;
	v25 =	vld.idx.msk [tilespmem:v25+s12+$0x0], $0xffff;
	s22 =	sshll.u32 s22, $0xB;
	v11 =	vadd.s32 s23, v3;
	v26 =	vadd.s32 s24, v3;
	s24 =	simm.s32 $0x4;
	[tilespmem:v33+s15+$0x0] =	vst.idx.msk $0xffff, v34  }
0x1ac: {  	s28 =	simm.s32 $0x8;
	v52 =	vadd.s32 s30, v3;
	v7 =	vor.u32 s22, v5;
	v31 =	vadd.s32 s24, v3;
	[tilespmem:v13+s15+$0x0] =	vst.idx.msk $0xffff, v19  }
0x1ad: {  	v17 =	vld.idx.msk [tilespmem:v17+s12+$0x0], $0xffff;
	v11 =	vand.u32 $0x7F, v11;
	v26 =	vand.u32 $0x7F, v26;
	v22 =	vadd.s32 s28, v3;
	s28 =	simm.s32 $0xF;
	[tilespmem:v28+s15+$0x0] =	vst.idx.msk $0xffff, v43  }
0x1ae: {  	s30 =	simm.s32 $0x6;
	v34 =	vand.u32 $0x7F, v52;
	v22 =	vand.u32 $0x7F, v22;
	v13 =	vld.idx.msk [tilespmem:v16+s12+$0x0], $0xffff;
	v28 =	vadd.s32 s28, v3;
	[tilespmem:v21+s15+$0x0] =	vst.idx.msk $0xffff, v29  }
0x1af: {  	v29 =	vand.u32 $0x7F, v31;
	[tilespmem:v18+s15+$0x0] =	vst.idx.msk $0xffff, v30;
	v18 =	vadd.s32 s30, v3;
	v30 =	vor.u32 v7, v11;
	v58 =	vld.idx.msk [tilespmem:v9+s21+$0x0], $0xffff  }
0x1b0: {  	s25 =	simm.s32 $0x5;
	s31 =	simm.s32 $0xB;
	v24 =	vld.idx.msk [tilespmem:v24+s12+$0x0], $0xffff;
	v44 =	vor.u32 v7, v22;
	v21 =	vand.u32 $0x7F, v28;
	v59 =	vor.u32 v8, v47  }
0x1b1: {  	s29 =	simm.s32 $0xA;
	[tilespmem:v23+s15+$0x0] =	vst.idx.msk $0xffff, v15;
	v40 =	vor.u32 v7, v29;
	v51 =	vadd.s32 s31, v3;
	v61 =	vadd.s32 s25, v3;
	s25 =	simm.s32 $0xE  }
0x1b2: {  	[tilespmem:v36+s15+$0x0] =	vst.idx.msk $0xffff, v25;
	v60 =	vld.idx.msk [tilespmem:v46+s12+$0x0], $0xffff;
	v50 =	vadd.s32 s29, v3;
	v53 =	vadd.s32 s25, v3;
	s29 =	simm.s32 $0x9;
	v25 =	vand.u32 $0x7F, v61  }
0x1b3: {  	[tilespmem:v20+s15+$0x0] =	vst.idx.msk $0xffff, v13;
	v39 =	vand.u32 $0x7F, v53;
	v15 =	vadd.s32 s29, v3;
	v20 =	vor.u32 v7, v25  }
0x1b4: {  	[tilespmem:v48+s15+$0x0] =	vst.idx.msk $0xffff, v17;
	v38 =	vand.u32 $0x7F, v50;
	s29 =	simm.s32 $0x1A;
	v15 =	vand.u32 $0x7F, v15;
	vm15 =	vlt.f32 v58, v10  }
0x1b5: {  	s26 =	simm.s32 $0x7;
	[tilespmem:v59+s15+$0x0] =	vst.idx.msk $0xffff, v24;
	v24 =	vor.u32 v7, v39;
	v48 =	vadd.s32 s29, v3;
	v9 =	vsel vm15, v9, v12  }
0x1b6: {  	v62 =	vadd.s32 s26, v3;
	s26 =	simm.s32 $0xD;
	v12 =	vor.u32 v8, v32;
	v8 =	vshll.u32 v9, $0x7  }
0x1b7: {  	s23 =	simm.s32 $0x12;
	[tilespmem:v27+s15+$0x0] =	vst.idx.msk $0xffff, v60;
	v48 =	vand.u32 $0x7F, v48;
	v27 =	vadd.s32 s26, v3;
	v19 =	vor.u32 v8, v39  }
0x1b8: {  	v14 =	vld.idx.msk [tilespmem:v14+s12+$0x0], $0xffff;
	v16 =	vand.u32 $0x7F, v62;
	v62 =	vadd.s32 s23, v3;
	v54 =	vor.u32 v8, v11  }
0x1b9: {  	v13 =	vand.u32 $0x7F, v27;
	v50 =	vor.u32 v7, v16;
	v23 =	vor.u32 v8, v26  }
0x1ba: {  	v55 =	vand.u32 $0x7F, v51;
	v10 =	vor.u32 s22, v6;
	v28 =	vor.u32 v8, v34  }
0x1bb: {  	s31 =	simm.s32 $0xC;
	v49 =	vor.u32 v7, v38;
	v41 =	vor.u32 s21, v10;
	v27 =	vor.u32 v8, v13  }
0x1bc: {  	v32 =	vor.u32 v7, v55;
	v11 =	vadd.s32 s31, v3;
	v60 =	vor.u32 v8, v21;
	v19 =	vld.idx.msk [tilespmem:v19+s12+$0x0], $0xffff  }
0x1bd: {  	v29 =	vor.u32 v8, v29;
	[tilespmem:v12+s15+$0x0] =	vst.idx.msk $0xffff, v14;
	v14 =	vand.u32 $0x7F, v11;
	v11 =	vand.u32 $0x7F, v18;
	v18 =	vld.idx.msk [tilespmem:v54+s12+$0x0], $0xffff  }
0x1be: {  	v9 =	vor.u32 v3, v8;
	v31 =	vor.u32 v8, v16;
	v16 =	vor.u32 v8, v38;
	v23 =	vld.idx.msk [tilespmem:v23+s12+$0x0], $0xffff  }
0x1bf: {  	v33 =	vor.u32 v8, v55;
	v26 =	vor.u32 v7, v26;
	v12 =	vor.u32 v8, v25;
	v28 =	vld.idx.msk [tilespmem:v28+s12+$0x0], $0xffff  }
0x1c0: {  	v21 =	vor.u32 v7, v21;
	v34 =	vor.u32 v7, v34;
	v25 =	vor.u32 v8, v22;
	v17 =	vld.idx.msk [tilespmem:v27+s12+$0x0], $0xffff  }
0x1c1: {  	s26 =	simm.s32 $0x17;
	v38 =	vor.u32 v7, v13;
	v13 =	vor.u32 v7, v15;
	v35 =	vor.u32 v8, v15;
	v39 =	vld.idx.msk [tilespmem:v60+s12+$0x0], $0xffff  }
0x1c2: {  	[tilespmem:v42+s15+$0x0] =	vst.idx.msk $0xffff, v45;
	v63 =	vor.u32 s21, v9;
	v22 =	vadd.s32 s26, v3;
	s26 =	simm.s32 $0x1E;
	v56 =	vor.u32 v8, v14;
	v29 =	vld.idx.msk [tilespmem:v29+s12+$0x0], $0xffff  }
0x1c3: {  	s22 =	simm.s32 $0x11;
	v37 =	vor.u32 v8, v11;
	v11 =	vor.u32 v7, v11;
	v57 =	vadd.s32 s26, v3;
	v53 =	vld.idx.msk [tilespmem:v16+s12+$0x0], $0xffff  }
0x1c4: {  	v58 =	vand.u32 $0x7F, v22;
	v27 =	vadd.s32 s22, v3;
	v46 =	vand.u32 $0x7F, v57;
	v61 =	vld.idx.msk [tilespmem:v12+s12+$0x0], $0xffff;
	[tilespmem:v24+s15+$0x0] =	vst.idx.msk $0xffff, v19  }
0x1c5: {  	s24 =	simm.s32 $0x14;
	s22 =	simm.s32 $0x10;
	v16 =	vor.u32 v8, v58;
	v59 =	vor.u32 v8, v46;
	v25 =	vld.idx.msk [tilespmem:v25+s12+$0x0], $0xffff;
	[tilespmem:v30+s15+$0x0] =	vst.idx.msk $0xffff, v18  }
0x1c6: {  	s28 =	simm.s32 $0x18;
	s25 =	simm.s32 $0x15;
	v12 =	vor.u32 v7, v14;
	v14 =	vor.u32 s22, v9;
	v19 =	vld.idx.msk [tilespmem:v33+s12+$0x0], $0xffff;
	v24 =	vadd.s32 s24, v3;
	[tilespmem:v26+s15+$0x0] =	vst.idx.msk $0xffff, v23  }
0x1c7: {  	s30 =	simm.s32 $0x1B;
	s29 =	simm.s32 $0x19;
	s31 =	simm.s32 $0x13;
	v43 =	vor.u32 v7, v46;
	v33 =	vadd.s32 s25, v3;
	v18 =	vld.idx.msk [tilespmem:v63+s12+$0x0], $0xffff;
	v30 =	vadd.s32 s28, v3;
	[tilespmem:v34+s15+$0x0] =	vst.idx.msk $0xffff, v28  }
0x1c8: {  	v63 =	vadd.s32 s30, v3;
	s25 =	simm.s32 $0x1D;
	v23 =	vadd.s32 s31, v3;
	v28 =	vadd.s32 s29, v3;
	[tilespmem:v38+s15+$0x0] =	vst.idx.msk $0xffff, v17  }
0x1c9: {  	[tilespmem:v21+s15+$0x0] =	vst.idx.msk $0xffff, v39;
	s30 =	simm.s32 $0x16;
	v26 =	vadd.s32 s25, v3;
	v55 =	vand.u32 $0x7F, v24;
	v17 =	vand.u32 $0x7F, v63  }
0x1ca: {  	[tilespmem:v40+s15+$0x0] =	vst.idx.msk $0xffff, v29;
	v24 =	vld.idx.msk [tilespmem:v31+s12+$0x0], $0xffff;
	v30 =	vand.u32 $0x7F, v30;
	v29 =	vadd.s32 s30, v3;
	v31 =	vand.u32 $0x7F, v26  }
0x1cb: {  	[tilespmem:v49+s15+$0x0] =	vst.idx.msk $0xffff, v53;
	v26 =	vor.u32 v8, v30;
	v46 =	vor.u32 v8, v17;
	v47 =	vand.u32 $0x7F, v29  }
0x1cc: {  	v29 =	vor.u32 v7, v17;
	v17 =	vor.u32 v7, v48;
	[tilespmem:v20+s15+$0x0] =	vst.idx.msk $0xffff, v61;
	v20 =	vand.u32 $0x7F, v27  }
0x1cd: {  	v22 =	vld.idx.msk [tilespmem:v56+s12+$0x0], $0xffff;
	s28 =	simm.s32 $0x1F;
	v61 =	vand.u32 $0x7F, v62;
	v62 =	vand.u32 $0x7F, v23;
	[tilespmem:v44+s15+$0x0] =	vst.idx.msk $0xffff, v25;
	v60 =	vor.u32 v8, v20  }
0x1ce: {  	v36 =	vld.idx.msk [tilespmem:v59+s12+$0x0], $0xffff;
	v27 =	vadd.s32 s28, v3;
	v23 =	vand.u32 $0x7F, v28;
	v54 =	vor.u32 v8, v62;
	[tilespmem:v32+s15+$0x0] =	vst.idx.msk $0xffff, v19  }
0x1cf: {  	v39 =	vor.u32 v8, v31;
	v19 =	vor.u32 v8, v61;
	[tilespmem:v41+s15+$0x0] =	vst.idx.msk $0xffff, v18;
	v18 =	vand.u32 $0x7F, v33  }
0x1d0: {  	v28 =	vld.idx.msk [tilespmem:v37+s12+$0x0], $0xffff;
	v37 =	vor.u32 v8, v55;
	v31 =	vor.u32 v7, v31;
	v63 =	vor.u32 v8, v18  }
0x1d1: {  	v52 =	vand.u32 $0x7F, v27;
	v27 =	vld.idx.msk [tilespmem:v35+s12+$0x0], $0xffff;
	v42 =	vor.u32 v7, v20;
	v35 =	vor.u32 v7, v61  }
0x1d2: {  	s31 =	simm.s32 $0x1C;
	v20 =	vor.u32 v8, v47;
	v41 =	vor.u32 v8, v52;
	v33 =	vor.u32 v7, v62;
	v45 =	vld.idx.msk [tilespmem:v60+s12+$0x0], $0xffff  }
0x1d3: {  	v32 =	vor.u32 v8, v48;
	v21 =	vor.u32 v7, v18;
	v18 =	vadd.s32 s31, v3;
	v38 =	vld.idx.msk [tilespmem:v54+s12+$0x0], $0xffff  }
0x1d4: {  	v15 =	vor.u32 s22, v10;
	[tilespmem:v50+s15+$0x0] =	vst.idx.msk $0xffff, v24;
	v24 =	vor.u32 v7, v52;
	v44 =	vand.u32 $0x7F, v18;
	v34 =	vld.idx.msk [tilespmem:v19+s12+$0x0], $0xffff  }
0x1d5: {  	s21 =	simm.s32 $0x20;
	v18 =	vor.u32 v7, v55;
	v25 =	vor.u32 v8, v44;
	v19 =	vor.u32 v7, v58;
	v40 =	vld.idx.msk [tilespmem:v63+s12+$0x0], $0xffff  }
.LBB2_11:
0x1d6: {  	s22 =	sadd.s32 $0x1, s21;
	s23 =	sadd.s32 $0x2, s21;
	s24 =	sadd.s32 $0x3, s21;
	v47 =	vor.u32 v7, v47;
	v44 =	vor.u32 v7, v44;
	v39 =	vld.idx.msk [tilespmem:v39+s12+$0x0], $0xffff;
	[tilespmem:v43+s15+$0x0] =	vst.idx.msk $0xffff, v36  }
0x1d7: {  	s25 =	sadd.s32 $0x7, s21;
	v36 =	vadd.s32 s22, v3;
	v43 =	vadd.s32 s23, v3;
	s22 =	sadd.s32 $0x4, s21;
	s23 =	sadd.s32 $0x5, s21;
	[tilespmem:v42+s15+$0x0] =	vst.idx.msk $0xffff, v45;
	v45 =	vor.u32 v7, v30;
	v30 =	vld.idx.msk [tilespmem:v46+s12+$0x0], $0xffff  }
0x1d8: {  	s26 =	sadd.s32 $0xF, s21;
	v49 =	vor.u32 v7, v23;
	v42 =	vadd.s32 s22, v3;
	v46 =	vadd.s32 s23, v3;
	s22 =	sadd.s32 $0x8, s21;
	s23 =	sadd.s32 $0x9, s21;
	v48 =	vld.idx.msk [tilespmem:v14+s12+$0x0], $0xffff;
	[tilespmem:v12+s15+$0x0] =	vst.idx.msk $0xffff, v22  }
0x1d9: {  	s28 =	sadd.s32 $0xB, s21;
	v23 =	vor.u32 v8, v23;
	v22 =	vadd.s32 s25, v3;
	s25 =	sadd.s32 $0xA, s21;
	v50 =	vadd.s32 s22, v3;
	s22 =	sadd.s32 $0xC, s21;
	v41 =	vld.idx.msk [tilespmem:v41+s12+$0x0], $0xffff;
	[tilespmem:v13+s15+$0x0] =	vst.idx.msk $0xffff, v27  }
0x1da: {  	s29 =	sadd.s32 $0x6, s21;
	v14 =	vor.u32 s21, v9;
	v12 =	vmovc v44;
	v51 =	vadd.s32 s25, v3;
	v27 =	vadd.s32 s28, v3;
	s25 =	sadd.s32 $0xD, s21;
	s28 =	sadd.s32 $0xE, s21;
	v13 =	vmovc v49;
	[tilespmem:v35+s15+$0x0] =	vst.idx.msk $0xffff, v34  }
0x1db: {  	p0 =	slt.u32 s21, $0x70;
	v34 =	vadd.s32 s24, v3;
	v35 =	vadd.s32 s25, v3;
	v44 =	vadd.s32 s28, v3;
	s24 =	smov.u32 s21;
	s21 =	sadd.s32 $0x10, s21;
	[tilespmem:v11+s15+$0x0] =	vst.idx.msk $0xffff, v28;
	v11 =	vmovc v47  }
0x1dc: {  	v49 =	vand.u32 $0x7F, v22;
	v47 =	vor.u32 s24, v10;
	v28 =	vand.u32 $0x7F, v44;
	v37 =	vld.idx.msk [tilespmem:v37+s12+$0x0], $0xffff;
	[tilespmem:v21+s15+$0x0] =	vst.idx.msk $0xffff, v40  }
0x1dd: {  	v40 =	vand.u32 $0x7F, v36;
	v36 =	vor.u32 v8, v28;
	v21 =	vadd.s32 s26, v3;
	[tilespmem:v33+s15+$0x0] =	vst.idx.msk $0xffff, v38;
	v26 =	vld.idx.msk [tilespmem:v26+s12+$0x0], $0xffff  }
0x1de: {  	v33 =	vor.u32 v8, v40;
	v38 =	vand.u32 $0x7F, v43;
	v43 =	vadd.s32 s23, v3;
	[tilespmem:v29+s15+$0x0] =	vst.idx.msk $0xffff, v30;
	v22 =	vld.idx.msk [tilespmem:v25+s12+$0x0], $0xffff  }
0x1df: {  	v52 =	vand.u32 $0x7F, v34;
	v53 =	vand.u32 $0x7F, v21;
	v25 =	vor.u32 v8, v38;
	[tilespmem:v15+s15+$0x0] =	vst.idx.msk $0xffff, v48;
	v32 =	vld.idx.msk [tilespmem:v32+s12+$0x0], $0xffff  }
0x1e0: {  	v54 =	vand.u32 $0x7F, v42;
	v29 =	vand.u32 $0x7F, v46;
	v48 =	vor.u32 v8, v52;
	v55 =	vld.idx.msk [tilespmem:v16+s12+$0x0], $0xffff;
	[tilespmem:v31+s15+$0x0] =	vst.idx.msk $0xffff, v39  }
0x1e1: {  	v56 =	vand.u32 $0x7F, v35;
	v16 =	vor.u32 v8, v49;
	v31 =	vand.u32 $0x7F, v27;
	v27 =	vld.idx.msk [tilespmem:v23+s12+$0x0], $0xffff;
	[tilespmem:v24+s15+$0x0] =	vst.idx.msk $0xffff, v41  }
0x1e2: {  	v30 =	vand.u32 $0x7F, v50;
	v21 =	vor.u32 v7, v29;
	v23 =	vand.u32 $0x7F, v43;
	v36 =	vld.idx.msk [tilespmem:v36+s12+$0x0], $0xffff;
	[tilespmem:v18+s15+$0x0] =	vst.idx.msk $0xffff, v37  }
0x1e3: {  	v15 =	vmovc v47;
	v39 =	vor.u32 v8, v56;
	v24 =	vadd.s32 s29, v3;
	v43 =	vor.u32 v7, v28;
	v28 =	vld.idx.msk [tilespmem:v20+s12+$0x0], $0xffff  }
0x1e4: {  	v42 =	vor.u32 v7, v40;
	v40 =	vor.u32 v8, v29;
	v18 =	vadd.s32 s22, v3;
	[tilespmem:v45+s15+$0x0] =	vst.idx.msk $0xffff, v26  }
0x1e5: {  	v46 =	vor.u32 v8, v31;
	v44 =	vand.u32 $0x7F, v18;
	v26 =	vor.u32 v8, v30;
	v45 =	vld.idx.msk [tilespmem:v33+s12+$0x0], $0xffff  }
.Ltmp4:
0x1e6: {  	v35 =	vor.u32 v7, v38;
	v41 =	vor.u32 v8, v53;
	v34 =	vld.idx.msk [tilespmem:v25+s12+$0x0], $0xffff;
	v25 =	vor.u32 v8, v44;
	(pc) =	sbr.rel @p0 .LBB2_11-.Ltmp4, $4  }
0x1e7: {  	v29 =	vor.u32 v7, v31;
	v47 =	vand.u32 $0x7F, v24;
	v18 =	vor.u32 v7, v54;
	[tilespmem:v19+s15+$0x0] =	vst.idx.msk $0xffff, v55  }
0x1e8: {  	v31 =	vand.u32 $0x7F, v51;
	v24 =	vor.u32 v7, v53;
	v20 =	vor.u32 v8, v47;
	[tilespmem:v17+s15+$0x0] =	vst.idx.msk $0xffff, v32  }
0x1e9: {  	v37 =	vor.u32 v8, v54;
	v33 =	vor.u32 v7, v52;
	v17 =	vor.u32 v7, v31;
	v40 =	vld.idx.msk [tilespmem:v40+s12+$0x0], $0xffff  }
0x1ea: {  	v19 =	vor.u32 v7, v49;
	v32 =	vor.u32 v8, v31;
	v31 =	vor.u32 v7, v56;
	v38 =	vld.idx.msk [tilespmem:v48+s12+$0x0], $0xffff  }
0x1eb: {  	_ =	sdelay $0x3  }
0x1ec: {  	[tilespmem:v43+s15+$0x0] =	vst.idx.msk $0xffff, v36  }
0x1ed: {  	[tilespmem:v42+s15+$0x0] =	vst.idx.msk $0xffff, v45  }
0x1ee: {  	[tilespmem:v12+s15+$0x0] =	vst.idx.msk $0xffff, v22  }
0x1ef: {  	v9 =	vld.idx.msk [tilespmem:v46+s12+$0x0], $0xffff;
	[tilespmem:v13+s15+$0x0] =	vst.idx.msk $0xffff, v27  }
0x1f0: {  	v10 =	vld.idx.msk [tilespmem:v14+s12+$0x0], $0xffff;
	[tilespmem:v35+s15+$0x0] =	vst.idx.msk $0xffff, v34  }
0x1f1: {  	v53 =	vld.idx.msk [tilespmem:v39+s12+$0x0], $0xffff;
	[tilespmem:v11+s15+$0x0] =	vst.idx.msk $0xffff, v28  }
0x1f2: {  	v54 =	vld.idx.msk [tilespmem:v41+s12+$0x0], $0xffff;
	[tilespmem:v21+s15+$0x0] =	vst.idx.msk $0xffff, v40  }
0x1f3: {  	v55 =	vld.idx.msk [tilespmem:v37+s12+$0x0], $0xffff;
	[tilespmem:v33+s15+$0x0] =	vst.idx.msk $0xffff, v38  }
0x1f4: {  	v8 =	vor.u32 v8, v23;
	v56 =	vor.u32 v7, v30;
	v57 =	vld.idx.msk [tilespmem:v26+s12+$0x0], $0xffff;
	[tilespmem:v29+s15+$0x0] =	vst.idx.msk $0xffff, v9  }
0x1f5: {  	v58 =	vld.idx.msk [tilespmem:v16+s12+$0x0], $0xffff;
	[tilespmem:v15+s15+$0x0] =	vst.idx.msk $0xffff, v10  }
0x1f6: {  	v59 =	vld.idx.msk [tilespmem:v32+s12+$0x0], $0xffff;
	[tilespmem:v31+s15+$0x0] =	vst.idx.msk $0xffff, v53  }
0x1f7: {  	v60 =	vor.u32 v7, v44;
	v61 =	vld.idx.msk [tilespmem:v25+s12+$0x0], $0xffff;
	[tilespmem:v24+s15+$0x0] =	vst.idx.msk $0xffff, v54  }
0x1f8: {  	v62 =	vor.u32 v7, v23;
	v7 =	vor.u32 v7, v47;
	v63 =	vld.idx.msk [tilespmem:v20+s12+$0x0], $0xffff;
	[tilespmem:v18+s15+$0x0] =	vst.idx.msk $0xffff, v55  }
0x1f9: {  	p0 =	slt.u32 s20, $0x6;
	v8 =	vld.idx.msk [tilespmem:v8+s12+$0x0], $0xffff;
	[tilespmem:v56+s15+$0x0] =	vst.idx.msk $0xffff, v57  }
.Ltmp5:
0x1fa: {  	[tilespmem:v19+s15+$0x0] =	vst.idx.msk $0xffff, v58;
	(pc) =	sbr.rel @p0 .LBB2_8-.Ltmp5, $4  }
0x1fb: {  	[tilespmem:v17+s15+$0x0] =	vst.idx.msk $0xffff, v59  }
0x1fc: {  	[tilespmem:v60+s15+$0x0] =	vst.idx.msk $0xffff, v61  }
0x1fd: {  	s21 =	sadd.s32 $0x2, s20;
	[tilespmem:v7+s15+$0x0] =	vst.idx.msk $0xffff, v63  }
0x1fe: {  	s20 =	smov.u32 s21;
	[tilespmem:v62+s15+$0x0] =	vst.idx.msk $0xffff, v8  }
0x1ff: {  	s19 =	simm.s32 $0x0  }
0x200: {  	[hbm4b:s8+s19] =	stream.linear.scatter [tilespmem:s15], [sflag:$0x2], $0x4000, $0x38;
	[tilespmem:$0x11A80] =	vst v63  }
.LBB2_14:
0x201: {  	s20 =	sshll.u32 s19, $0x1  }
0x202: {  	s21 =	sadd.s32 $0x2, s20  }
0x203: {  	s22 =	sshll.u32 s21, $0x7  }
0x204: {  	_ =	swait.ge [sflag:s16], $0x4000;
	s22 =	sand.u32 $0x3FFFFF00, s22  }
0x205: {  	[sflag:s16] =	ssyncset.done $0x0;
	s22 =	sadd.s32 $0x180, s22  }
0x206: {  	[sflag:s16] =	ssyncadd.s32 $0xFFFFC000;
	v7 =	vmov s22;
	s22 =	simm.s32 $0x0  }
.LBB2_15:
0x207: {  	_ =	sdelay $0x1  }
0x208: {  	s23 =	sshll.u32 s22, $0x4  }
0x209: {  	s23 =	sand.u32 $0x3FFFFFF0, s23  }
0x20a: {  	v8 =	vld.idx.msk [tilespmem:v7+s23+$0x0 ss:$0x1], $0xffff;
	s23 =	simm.s32 $0x0  }
0x20b: {  	v10 =	vld.idx.msk [tilespmem:v0+s23+$0x0], $0xffff;
	_ =	sdelay $0x4  }
0x20c: {  	vm0 =	vlt.f32 v10, v8  }
0x20d: {  	v9 =	vsel vm0, $0xBF, v4  }
0x20e: {  	v11 =	vadd.s32 $0x1, v9;
	_ =	sdelay $0x4  }
0x20f: {  	v12 =	vld.idx.msk [tilespmem:v11+s23+$0x0], $0xffff;
	_ =	sdelay $0x4  }
0x210: {  	v13 =	vsel vm0, $0xFF, v2;
	vm1 =	vlt.f32 v12, v8  }
0x211: {  	v12 =	vsel vm0, $0x80, v1;
	v9 =	vsel vm1, v13, v9  }
0x212: {  	v11 =	vsel vm1, v11, v12;
	v12 =	vadd.s32 $0xFFFFFFFF, v9  }
0x213: {  	v12 =	vadd.s32 v12, v11  }
0x214: {  	v12 =	vshrl.u32 v12, $0x1  }
0x215: {  	v13 =	vadd.s32 $0x1, v12;
	_ =	sdelay $0x4  }
0x216: {  	v14 =	vld.idx.msk [tilespmem:v13+s23+$0x0], $0xffff;
	_ =	sdelay $0x4  }
0x217: {  	vm10 =	vlt.f32 v14, v8  }
0x218: {  	v9 =	vsel vm10, v9, v12  }
0x219: {  	v11 =	vsel vm10, v13, v11;
	v12 =	vadd.s32 $0xFFFFFFFF, v9  }
0x21a: {  	v13 =	vxor.u32 v12, v11  }
0x21b: {  	v12 =	vor.u32 v12, v11;
	v13 =	vshrl.u32 v13, $0x1  }
0x21c: {  	v12 =	vsub.s32 v12, v13  }
0x21d: {  	v13 =	vadd.s32 $0x1, v12;
	_ =	sdelay $0x4  }
0x21e: {  	v14 =	vld.idx.msk [tilespmem:v13+s23+$0x0], $0xffff;
	_ =	sdelay $0x4  }
0x21f: {  	vm11 =	vlt.f32 v14, v8  }
0x220: {  	v11 =	vsel vm11, v13, v11;
	v9 =	vsel vm11, v9, v12  }
0x221: {  	v12 =	vadd.s32 v9, v11  }
0x222: {  	v12 =	vshrl.u32 v12, $0x1  }
0x223: {  	v13 =	vadd.s32 $0x1, v12;
	_ =	sdelay $0x4  }
0x224: {  	v14 =	vld.idx.msk [tilespmem:v13+s23+$0x0], $0xffff;
	_ =	sdelay $0x4  }
0x225: {  	vm12 =	vlt.f32 v14, v8  }
0x226: {  	v11 =	vsel vm12, v13, v11;
	v9 =	vsel vm12, v9, v12  }
0x227: {  	v12 =	vadd.s32 v9, v11  }
0x228: {  	v12 =	vshrl.u32 v12, $0x1  }
0x229: {  	v13 =	vadd.s32 $0x1, v12;
	_ =	sdelay $0x4  }
0x22a: {  	v14 =	vld.idx.msk [tilespmem:v13+s23+$0x0], $0xffff;
	_ =	sdelay $0x4  }
0x22b: {  	vm13 =	vlt.f32 v14, v8  }
0x22c: {  	v11 =	vsel vm13, v13, v11;
	v9 =	vsel vm13, v9, v12  }
0x22d: {  	v12 =	vadd.s32 v9, v11  }
0x22e: {  	v12 =	vshrl.u32 v12, $0x1  }
0x22f: {  	v13 =	vadd.s32 $0x1, v12;
	_ =	sdelay $0x4  }
0x230: {  	v14 =	vld.idx.msk [tilespmem:v13+s23+$0x0], $0xffff;
	_ =	sdelay $0x4  }
0x231: {  	vm14 =	vlt.f32 v14, v8  }
0x232: {  	v11 =	vsel vm14, v13, v11;
	v9 =	vsel vm14, v9, v12  }
0x233: {  	v9 =	vadd.s32 v9, v11  }
0x234: {  	s29 =	simm.s32 $0x4;
	v9 =	vshrl.u32 v9, $0x1  }
0x235: {  	s30 =	simm.s32 $0x5;
	s31 =	simm.s32 $0x7;
	s28 =	simm.s32 $0x3;
	v15 =	vadd.s32 s29, v3;
	v9 =	vadd.s32 $0x1, v9  }
0x236: {  	v16 =	vadd.s32 s30, v3;
	v17 =	vadd.s32 s31, v3;
	s29 =	simm.s32 $0xB;
	s30 =	simm.s32 $0xE;
	s31 =	simm.s32 $0xD;
	v22 =	vadd.s32 s28, v3  }
0x237: {  	s28 =	simm.s32 $0xF;
	v21 =	vadd.s32 s29, v3;
	v23 =	vadd.s32 s30, v3;
	v24 =	vadd.s32 s31, v3  }
0x238: {  	v17 =	vand.u32 $0x7F, v17;
	v27 =	vadd.s32 s28, v3;
	v22 =	vand.u32 $0x7F, v22  }
0x239: {  	s29 =	simm.s32 $0x9;
	v15 =	vand.u32 $0x7F, v15;
	v16 =	vand.u32 $0x7F, v16;
	v23 =	vand.u32 $0x7F, v23  }
0x23a: {  	s26 =	simm.s32 $0x2;
	s30 =	simm.s32 $0x6;
	v29 =	vadd.s32 s29, v3;
	v27 =	vand.u32 $0x7F, v27;
	v21 =	vand.u32 $0x7F, v21;
	v12 =	vld.idx.msk [tilespmem:v9+s23+$0x0], $0xffff  }
0x23b: {  	v24 =	vand.u32 $0x7F, v24;
	v34 =	vadd.s32 s30, v3;
	s29 =	simm.s32 $0x15;
	v14 =	vadd.s32 s26, v3;
	s26 =	simm.s32 $0xA  }
0x23c: {  	s24 =	sshll.u32 s22, $0xB;
	v29 =	vand.u32 $0x7F, v29;
	v62 =	vadd.s32 s29, v3;
	v20 =	vadd.s32 s26, v3;
	s26 =	simm.s32 $0x12  }
0x23d: {  	v13 =	vor.u32 s24, v6;
	v14 =	vand.u32 $0x7F, v14;
	v45 =	vadd.s32 s26, v3;
	s26 =	simm.s32 $0x1A  }
0x23e: {  	s25 =	simm.s32 $0x1;
	v25 =	vor.u32 s23, v13;
	v20 =	vand.u32 $0x7F, v20;
	v52 =	vadd.s32 s26, v3  }
0x23f: {  	v49 =	vand.u32 $0x7F, v45;
	vm15 =	vlt.f32 v12, v8;
	v12 =	vadd.s32 s25, v3;
	s25 =	simm.s32 $0x8  }
0x240: {  	v8 =	vsel vm15, v9, v11;
	v9 =	vor.u32 s24, v5;
	v18 =	vadd.s32 s25, v3  }
0x241: {  	v12 =	vand.u32 $0x7F, v12;
	v8 =	vshll.u32 v8, $0x7;
	v33 =	vor.u32 v9, v16  }
0x242: {  	v18 =	vand.u32 $0x7F, v18;
	v36 =	vor.u32 v9, v12;
	v26 =	vor.u32 v8, v23  }
0x243: {  	v42 =	vor.u32 v9, v15;
	v43 =	vor.u32 v9, v27;
	v28 =	vor.u32 v8, v12  }
0x244: {  	s25 =	simm.s32 $0x11;
	v50 =	vor.u32 v9, v20;
	v51 =	vor.u32 v9, v17;
	v30 =	vor.u32 v8, v14  }
0x245: {  	v61 =	vadd.s32 s25, v3;
	v11 =	vor.u32 v3, v8;
	v16 =	vor.u32 v8, v16  }
0x246: {  	s31 =	simm.s32 $0xC;
	v31 =	vor.u32 v8, v22;
	v32 =	vor.u32 v8, v17;
	v35 =	vor.u32 v8, v24  }
0x247: {  	v23 =	vor.u32 v9, v23;
	v12 =	vadd.s32 s31, v3;
	v41 =	vor.u32 v8, v27;
	v26 =	vld.idx.msk [tilespmem:v26+s12+$0x0], $0xffff  }
0x248: {  	v37 =	vor.u32 v8, v18;
	v39 =	vor.u32 v8, v21;
	v19 =	vor.u32 s23, v11;
	v28 =	vld.idx.msk [tilespmem:v28+s12+$0x0], $0xffff  }
0x249: {  	v14 =	vor.u32 v9, v14;
	v21 =	vor.u32 v9, v21;
	v22 =	vor.u32 v9, v22;
	v30 =	vld.idx.msk [tilespmem:v30+s12+$0x0], $0xffff  }
0x24a: {  	v27 =	vor.u32 v8, v15;
	v17 =	vor.u32 v8, v20;
	v24 =	vor.u32 v9, v24;
	v44 =	vld.idx.msk [tilespmem:v16+s12+$0x0], $0xffff  }
0x24b: {  	v18 =	vor.u32 v9, v18;
	v38 =	vand.u32 $0x7F, v12;
	v12 =	vand.u32 $0x7F, v34;
	v31 =	vld.idx.msk [tilespmem:v31+s12+$0x0], $0xffff  }
0x24c: {  	s24 =	simm.s32 $0x10;
	v40 =	vor.u32 v8, v38;
	v34 =	vor.u32 v8, v12;
	v12 =	vor.u32 v9, v12;
	v41 =	vld.idx.msk [tilespmem:v41+s12+$0x0], $0xffff  }
0x24d: {  	v20 =	vor.u32 s24, v11;
	v15 =	vor.u32 v9, v38;
	v38 =	vand.u32 $0x7F, v61;
	v19 =	vld.idx.msk [tilespmem:v19+s12+$0x0], $0xffff;
	[tilespmem:v23+s14+$0x0] =	vst.idx.msk $0xffff, v26  }
0x24e: {  	s28 =	simm.s32 $0x14;
	s30 =	simm.s32 $0x17;
	s31 =	simm.s32 $0x18;
	v35 =	vld.idx.msk [tilespmem:v35+s12+$0x0], $0xffff;
	v16 =	vor.u32 v9, v29;
	v29 =	vor.u32 v8, v29;
	[tilespmem:v36+s14+$0x0] =	vst.idx.msk $0xffff, v28  }
0x24f: {  	s29 =	simm.s32 $0x13;
	v26 =	vadd.s32 s28, v3;
	v28 =	vadd.s32 s30, v3;
	v36 =	vadd.s32 s31, v3;
	[tilespmem:v14+s14+$0x0] =	vst.idx.msk $0xffff, v30  }
0x250: {  	v23 =	vld.idx.msk [tilespmem:v39+s12+$0x0], $0xffff;
	s28 =	simm.s32 $0x1B;
	s30 =	simm.s32 $0x1D;
	v30 =	vadd.s32 s29, v3;
	v14 =	vor.u32 s24, v13;
	[tilespmem:v22+s14+$0x0] =	vst.idx.msk $0xffff, v31;
	v31 =	vor.u32 v8, v38  }
0x251: {  	s31 =	simm.s32 $0x1E;
	v22 =	vld.idx.msk [tilespmem:v37+s12+$0x0], $0xffff;
	[tilespmem:v43+s14+$0x0] =	vst.idx.msk $0xffff, v41;
	v43 =	vor.u32 v9, v38;
	v46 =	vadd.s32 s28, v3;
	v47 =	vadd.s32 s30, v3  }
0x252: {  	v48 =	vadd.s32 s31, v3;
	v53 =	vand.u32 $0x7F, v28;
	v54 =	vand.u32 $0x7F, v30;
	[tilespmem:v25+s14+$0x0] =	vst.idx.msk $0xffff, v19;
	v19 =	vld.idx.msk [tilespmem:v17+s12+$0x0], $0xffff  }
0x253: {  	s28 =	simm.s32 $0x1F;
	v57 =	vand.u32 $0x7F, v26;
	v25 =	vand.u32 $0x7F, v62;
	v62 =	vld.idx.msk [tilespmem:v32+s12+$0x0], $0xffff;
	v37 =	vand.u32 $0x7F, v36  }
0x254: {  	[tilespmem:v24+s14+$0x0] =	vst.idx.msk $0xffff, v35;
	v32 =	vld.idx.msk [tilespmem:v29+s12+$0x0], $0xffff;
	v28 =	vand.u32 $0x7F, v48;
	v60 =	vadd.s32 s28, v3;
	v56 =	vor.u32 v8, v54  }
0x255: {  	s30 =	simm.s32 $0x16;
	v30 =	vld.idx.msk [tilespmem:v34+s12+$0x0], $0xffff;
	v17 =	vor.u32 v8, v53;
	v24 =	vand.u32 $0x7F, v46;
	v63 =	vor.u32 v8, v28  }
0x256: {  	[tilespmem:v33+s14+$0x0] =	vst.idx.msk $0xffff, v44;
	v48 =	vld.idx.msk [tilespmem:v27+s12+$0x0], $0xffff;
	v58 =	vand.u32 $0x7F, v47;
	v29 =	vadd.s32 s30, v3;
	v26 =	vor.u32 v8, v37  }
0x257: {  	v27 =	vld.idx.msk [tilespmem:v40+s12+$0x0], $0xffff;
	v40 =	vor.u32 v9, v49;
	v34 =	vor.u32 v9, v54;
	v39 =	vor.u32 v8, v57  }
0x258: {  	v44 =	vor.u32 v8, v58;
	v45 =	vor.u32 v9, v28;
	v47 =	vor.u32 v8, v24  }
0x259: {  	v55 =	vand.u32 $0x7F, v60;
	v28 =	vor.u32 v9, v24;
	[tilespmem:v21+s14+$0x0] =	vst.idx.msk $0xffff, v23;
	v21 =	vor.u32 v8, v49  }
0x25a: {  	s29 =	simm.s32 $0x19;
	v24 =	vor.u32 v9, v55;
	[tilespmem:v18+s14+$0x0] =	vst.idx.msk $0xffff, v22;
	v41 =	vld.idx.msk [tilespmem:v63+s12+$0x0], $0xffff;
	v63 =	vor.u32 v8, v25  }
0x25b: {  	v61 =	vadd.s32 s29, v3;
	v23 =	vor.u32 v9, v25;
	v46 =	vld.idx.msk [tilespmem:v31+s12+$0x0], $0xffff;
	v49 =	vand.u32 $0x7F, v29;
	[tilespmem:v51+s14+$0x0] =	vst.idx.msk $0xffff, v62  }
0x25c: {  	s31 =	simm.s32 $0x1C;
	v22 =	vor.u32 v9, v57;
	v29 =	vand.u32 $0x7F, v52;
	v18 =	vor.u32 v8, v49;
	[tilespmem:v50+s14+$0x0] =	vst.idx.msk $0xffff, v19  }
0x25d: {  	v19 =	vor.u32 v9, v29;
	v31 =	vor.u32 v8, v29;
	v35 =	vld.idx.msk [tilespmem:v56+s12+$0x0], $0xffff;
	v25 =	vadd.s32 s31, v3  }
0x25e: {  	v33 =	vand.u32 $0x7F, v61;
	[tilespmem:v42+s14+$0x0] =	vst.idx.msk $0xffff, v48;
	v42 =	vor.u32 v8, v55;
	v48 =	vand.u32 $0x7F, v25;
	v38 =	vld.idx.msk [tilespmem:v21+s12+$0x0], $0xffff  }
0x25f: {  	s23 =	simm.s32 $0x20;
	v29 =	vor.u32 v9, v58;
	v25 =	vor.u32 v8, v48;
	v21 =	vor.u32 v9, v53;
	v36 =	vld.idx.msk [tilespmem:v63+s12+$0x0], $0xffff  }
.LBB2_16:
0x260: {  	s24 =	sadd.s32 $0x1, s23;
	s25 =	sadd.s32 $0x2, s23;
	s26 =	sadd.s32 $0x3, s23;
	v49 =	vor.u32 v9, v49;
	v48 =	vor.u32 v9, v48;
	v44 =	vld.idx.msk [tilespmem:v44+s12+$0x0], $0xffff;
	[tilespmem:v45+s14+$0x0] =	vst.idx.msk $0xffff, v41  }
0x261: {  	s28 =	sadd.s32 $0x7, s23;
	v41 =	vadd.s32 s24, v3;
	v45 =	vadd.s32 s25, v3;
	s24 =	sadd.s32 $0x4, s23;
	s25 =	sadd.s32 $0x5, s23;
	[tilespmem:v43+s14+$0x0] =	vst.idx.msk $0xffff, v46;
	v46 =	vor.u32 v9, v37;
	v37 =	vld.idx.msk [tilespmem:v47+s12+$0x0], $0xffff  }
0x262: {  	s29 =	sadd.s32 $0xF, s23;
	v51 =	vor.u32 v9, v33;
	v43 =	vadd.s32 s24, v3;
	v47 =	vadd.s32 s25, v3;
	s24 =	sadd.s32 $0x8, s23;
	s25 =	sadd.s32 $0x9, s23;
	v50 =	vld.idx.msk [tilespmem:v20+s12+$0x0], $0xffff;
	[tilespmem:v15+s14+$0x0] =	vst.idx.msk $0xffff, v27  }
0x263: {  	s30 =	sadd.s32 $0xB, s23;
	v33 =	vor.u32 v8, v33;
	v27 =	vadd.s32 s28, v3;
	s28 =	sadd.s32 $0xA, s23;
	v52 =	vadd.s32 s24, v3;
	s24 =	sadd.s32 $0xC, s23;
	v42 =	vld.idx.msk [tilespmem:v42+s12+$0x0], $0xffff;
	[tilespmem:v16+s14+$0x0] =	vst.idx.msk $0xffff, v32  }
0x264: {  	s31 =	sadd.s32 $0x6, s23;
	v20 =	vor.u32 s23, v11;
	v15 =	vmovc v48;
	v53 =	vadd.s32 s28, v3;
	v32 =	vadd.s32 s30, v3;
	s28 =	sadd.s32 $0xD, s23;
	s30 =	sadd.s32 $0xE, s23;
	v16 =	vmovc v51;
	[tilespmem:v40+s14+$0x0] =	vst.idx.msk $0xffff, v38  }
0x265: {  	p0 =	slt.u32 s23, $0x70;
	v38 =	vadd.s32 s26, v3;
	v40 =	vadd.s32 s28, v3;
	v48 =	vadd.s32 s30, v3;
	s26 =	smov.u32 s23;
	s23 =	sadd.s32 $0x10, s23;
	[tilespmem:v12+s14+$0x0] =	vst.idx.msk $0xffff, v30;
	v12 =	vmovc v49  }
0x266: {  	v51 =	vand.u32 $0x7F, v27;
	v49 =	vor.u32 s26, v13;
	v30 =	vand.u32 $0x7F, v48;
	v39 =	vld.idx.msk [tilespmem:v39+s12+$0x0], $0xffff;
	[tilespmem:v23+s14+$0x0] =	vst.idx.msk $0xffff, v36  }
0x267: {  	v36 =	vand.u32 $0x7F, v41;
	v41 =	vor.u32 v8, v30;
	v23 =	vadd.s32 s29, v3;
	[tilespmem:v34+s14+$0x0] =	vst.idx.msk $0xffff, v35;
	v26 =	vld.idx.msk [tilespmem:v26+s12+$0x0], $0xffff  }
0x268: {  	v34 =	vor.u32 v8, v36;
	v35 =	vand.u32 $0x7F, v45;
	v45 =	vadd.s32 s25, v3;
	[tilespmem:v28+s14+$0x0] =	vst.idx.msk $0xffff, v37;
	v27 =	vld.idx.msk [tilespmem:v25+s12+$0x0], $0xffff  }
0x269: {  	v54 =	vand.u32 $0x7F, v38;
	v55 =	vand.u32 $0x7F, v23;
	v25 =	vor.u32 v8, v35;
	[tilespmem:v14+s14+$0x0] =	vst.idx.msk $0xffff, v50;
	v31 =	vld.idx.msk [tilespmem:v31+s12+$0x0], $0xffff  }
0x26a: {  	v56 =	vand.u32 $0x7F, v43;
	v28 =	vand.u32 $0x7F, v47;
	v50 =	vor.u32 v8, v54;
	v57 =	vld.idx.msk [tilespmem:v17+s12+$0x0], $0xffff;
	[tilespmem:v29+s14+$0x0] =	vst.idx.msk $0xffff, v44  }
0x26b: {  	v58 =	vand.u32 $0x7F, v40;
	v17 =	vor.u32 v8, v51;
	v29 =	vand.u32 $0x7F, v32;
	v32 =	vld.idx.msk [tilespmem:v33+s12+$0x0], $0xffff;
	[tilespmem:v24+s14+$0x0] =	vst.idx.msk $0xffff, v42  }
0x26c: {  	v37 =	vand.u32 $0x7F, v52;
	v23 =	vor.u32 v9, v28;
	v33 =	vand.u32 $0x7F, v45;
	v41 =	vld.idx.msk [tilespmem:v41+s12+$0x0], $0xffff;
	[tilespmem:v22+s14+$0x0] =	vst.idx.msk $0xffff, v39  }
0x26d: {  	v14 =	vmovc v49;
	v44 =	vor.u32 v8, v58;
	v24 =	vadd.s32 s31, v3;
	v45 =	vor.u32 v9, v30;
	v30 =	vld.idx.msk [tilespmem:v18+s12+$0x0], $0xffff  }
0x26e: {  	v43 =	vor.u32 v9, v36;
	v36 =	vor.u32 v8, v28;
	v18 =	vadd.s32 s24, v3;
	[tilespmem:v46+s14+$0x0] =	vst.idx.msk $0xffff, v26  }
0x26f: {  	v47 =	vor.u32 v8, v29;
	v26 =	vor.u32 v8, v37;
	v48 =	vand.u32 $0x7F, v18;
	v46 =	vld.idx.msk [tilespmem:v34+s12+$0x0], $0xffff  }
.Ltmp6:
0x270: {  	v40 =	vor.u32 v9, v35;
	v42 =	vor.u32 v8, v55;
	v38 =	vld.idx.msk [tilespmem:v25+s12+$0x0], $0xffff;
	v25 =	vor.u32 v8, v48;
	(pc) =	sbr.rel @p0 .LBB2_16-.Ltmp6, $4  }
0x271: {  	v28 =	vor.u32 v9, v29;
	v22 =	vor.u32 v9, v56;
	v49 =	vand.u32 $0x7F, v24;
	[tilespmem:v21+s14+$0x0] =	vst.idx.msk $0xffff, v57  }
0x272: {  	v29 =	vand.u32 $0x7F, v53;
	v24 =	vor.u32 v9, v55;
	v18 =	vor.u32 v8, v49;
	[tilespmem:v19+s14+$0x0] =	vst.idx.msk $0xffff, v31  }
0x273: {  	v39 =	vor.u32 v8, v56;
	v34 =	vor.u32 v9, v54;
	v19 =	vor.u32 v9, v29;
	v36 =	vld.idx.msk [tilespmem:v36+s12+$0x0], $0xffff  }
0x274: {  	v21 =	vor.u32 v9, v51;
	v31 =	vor.u32 v8, v29;
	v29 =	vor.u32 v9, v58;
	v35 =	vld.idx.msk [tilespmem:v50+s12+$0x0], $0xffff  }
0x275: {  	_ = 	snop  }
0x276: {  	s24 =	sor.u32 $0x1, s22  }
0x277: {  	s23 =	sshll.u32 s24, $0x4  }
0x278: {  	s23 =	sand.u32 $0x3FFFFFF0, s23  }
0x279: {  	v11 =	vld.idx.msk [tilespmem:v7+s23+$0x0 ss:$0x1], $0xffff;
	_ =	sdelay $0x4  }
0x27a: {  	vm0 =	vlt.f32 v10, v11  }
0x27b: {  	v10 =	vsel vm0, $0xBF, v4  }
0x27c: {  	v13 =	vadd.s32 $0x1, v10;
	_ =	sdelay $0x3  }
0x27d: {  	s23 =	simm.s32 $0x0  }
0x27e: {  	v50 =	vld.idx.msk [tilespmem:v13+s23+$0x0], $0xffff;
	_ =	sdelay $0x4  }
0x27f: {  	v51 =	vsel vm0, $0xFF, v2;
	vm1 =	vlt.f32 v50, v11  }
0x280: {  	v55 =	vsel vm0, $0x80, v1;
	v10 =	vsel vm1, v51, v10  }
0x281: {  	v13 =	vsel vm1, v13, v55;
	v56 =	vadd.s32 $0xFFFFFFFF, v10  }
0x282: {  	v50 =	vadd.s32 v56, v13  }
0x283: {  	v50 =	vshrl.u32 v50, $0x1  }
0x284: {  	v57 =	vadd.s32 $0x1, v50;
	_ =	sdelay $0x4  }
0x285: {  	v52 =	vld.idx.msk [tilespmem:v57+s23+$0x0], $0xffff;
	_ =	sdelay $0x4  }
0x286: {  	vm10 =	vlt.f32 v52, v11  }
0x287: {  	v10 =	vsel vm10, v10, v50  }
0x288: {  	v13 =	vsel vm10, v57, v13;
	v50 =	vadd.s32 $0xFFFFFFFF, v10  }
0x289: {  	v51 =	vxor.u32 v50, v13  }
0x28a: {  	v50 =	vor.u32 v50, v13;
	v51 =	vshrl.u32 v51, $0x1  }
0x28b: {  	v50 =	vsub.s32 v50, v51  }
0x28c: {  	v51 =	vadd.s32 $0x1, v50;
	_ =	sdelay $0x4  }
0x28d: {  	v58 =	vld.idx.msk [tilespmem:v51+s23+$0x0], $0xffff;
	_ =	sdelay $0x4  }
0x28e: {  	vm11 =	vlt.f32 v58, v11  }
0x28f: {  	v13 =	vsel vm11, v51, v13;
	v10 =	vsel vm11, v10, v50  }
0x290: {  	v50 =	vadd.s32 v10, v13  }
0x291: {  	v50 =	vshrl.u32 v50, $0x1  }
0x292: {  	v59 =	vadd.s32 $0x1, v50;
	_ =	sdelay $0x4  }
0x293: {  	v60 =	vld.idx.msk [tilespmem:v59+s23+$0x0], $0xffff;
	_ =	sdelay $0x4  }
0x294: {  	vm12 =	vlt.f32 v60, v11  }
0x295: {  	v13 =	vsel vm12, v59, v13;
	v10 =	vsel vm12, v10, v50  }
0x296: {  	v50 =	vadd.s32 v10, v13  }
0x297: {  	v50 =	vshrl.u32 v50, $0x1  }
0x298: {  	v61 =	vadd.s32 $0x1, v50;
	_ =	sdelay $0x4  }
0x299: {  	v62 =	vld.idx.msk [tilespmem:v61+s23+$0x0], $0xffff;
	_ =	sdelay $0x4  }
0x29a: {  	vm13 =	vlt.f32 v62, v11  }
0x29b: {  	v13 =	vsel vm13, v61, v13;
	v10 =	vsel vm13, v10, v50  }
0x29c: {  	v50 =	vadd.s32 v10, v13  }
0x29d: {  	v50 =	vshrl.u32 v50, $0x1  }
0x29e: {  	v63 =	vadd.s32 $0x1, v50;
	_ =	sdelay $0x4  }
0x29f: {  	v56 =	vld.idx.msk [tilespmem:v63+s23+$0x0], $0xffff;
	_ =	sdelay $0x4  }
0x2a0: {  	vm14 =	vlt.f32 v56, v11  }
0x2a1: {  	[tilespmem:v45+s14+$0x0] =	vst.idx.msk $0xffff, v41;
	v13 =	vsel vm14, v63, v13;
	v10 =	vsel vm14, v10, v50  }
0x2a2: {  	v44 =	vld.idx.msk [tilespmem:v44+s12+$0x0], $0xffff;
	[tilespmem:v15+s14+$0x0] =	vst.idx.msk $0xffff, v27;
	v10 =	vadd.s32 v10, v13  }
0x2a3: {  	v49 =	vor.u32 v9, v49;
	[tilespmem:v16+s14+$0x0] =	vst.idx.msk $0xffff, v32;
	v31 =	vld.idx.msk [tilespmem:v31+s12+$0x0], $0xffff;
	v10 =	vshrl.u32 v10, $0x1  }
0x2a4: {  	v37 =	vor.u32 v9, v37;
	v20 =	vld.idx.msk [tilespmem:v20+s12+$0x0], $0xffff;
	s25 =	simm.s32 $0x1;
	s26 =	simm.s32 $0x2;
	[tilespmem:v12+s14+$0x0] =	vst.idx.msk $0xffff, v30;
	v10 =	vadd.s32 $0x1, v10  }
0x2a5: {  	v15 =	vor.u32 v8, v33;
	v30 =	vld.idx.msk [tilespmem:v39+s12+$0x0], $0xffff;
	s28 =	simm.s32 $0x3;
	s24 =	sshll.u32 s24, $0xB;
	v12 =	vadd.s32 s25, v3;
	v27 =	vadd.s32 s26, v3;
	[tilespmem:v23+s14+$0x0] =	vst.idx.msk $0xffff, v36  }
0x2a6: {  	v16 =	vld.idx.msk [tilespmem:v42+s12+$0x0], $0xffff;
	s25 =	simm.s32 $0x8;
	v54 =	vadd.s32 s28, v3;
	v8 =	vor.u32 s24, v5;
	v12 =	vand.u32 $0x7F, v12;
	[tilespmem:v34+s14+$0x0] =	vst.idx.msk $0xffff, v35  }
0x2a7: {  	v26 =	vld.idx.msk [tilespmem:v26+s12+$0x0], $0xffff;
	s28 =	simm.s32 $0xF;
	v27 =	vand.u32 $0x7F, v27;
	v23 =	vadd.s32 s25, v3;
	v35 =	vand.u32 $0x7F, v54;
	[tilespmem:v29+s14+$0x0] =	vst.idx.msk $0xffff, v44  }
0x2a8: {  	s29 =	simm.s32 $0x4;
	s26 =	simm.s32 $0xA;
	v23 =	vand.u32 $0x7F, v23;
	v29 =	vadd.s32 s28, v3;
	[tilespmem:v19+s14+$0x0] =	vst.idx.msk $0xffff, v31;
	v31 =	vor.u32 v8, v12;
	v59 =	vld.idx.msk [tilespmem:v47+s12+$0x0], $0xffff  }
0x2a9: {  	[tilespmem:v14+s14+$0x0] =	vst.idx.msk $0xffff, v20;
	v45 =	vor.u32 v8, v23;
	v52 =	vadd.s32 s26, v3;
	v60 =	vadd.s32 s29, v3;
	s29 =	simm.s32 $0xB;
	v57 =	vld.idx.msk [tilespmem:v10+s23+$0x0], $0xffff  }
0x2aa: {  	v14 =	vld.idx.msk [tilespmem:v17+s12+$0x0], $0xffff;
	[tilespmem:v22+s14+$0x0] =	vst.idx.msk $0xffff, v30;
	v22 =	vand.u32 $0x7F, v29;
	v39 =	vand.u32 $0x7F, v52;
	v53 =	vadd.s32 s29, v3;
	s29 =	simm.s32 $0x9  }
0x2ab: {  	s31 =	simm.s32 $0x7;
	[tilespmem:v24+s14+$0x0] =	vst.idx.msk $0xffff, v16;
	v58 =	vor.u32 v9, v48;
	v30 =	vand.u32 $0x7F, v60;
	v16 =	vadd.s32 s29, v3  }
0x2ac: {  	s30 =	simm.s32 $0x5;
	v41 =	vor.u32 v8, v30;
	v16 =	vand.u32 $0x7F, v16;
	v62 =	vadd.s32 s31, v3;
	s31 =	simm.s32 $0xD  }
0x2ad: {  	v18 =	vld.idx.msk [tilespmem:v18+s12+$0x0], $0xffff;
	[tilespmem:v28+s14+$0x0] =	vst.idx.msk $0xffff, v59;
	v61 =	vadd.s32 s30, v3;
	s30 =	simm.s32 $0xE;
	v28 =	vadd.s32 s31, v3;
	v17 =	vand.u32 $0x7F, v62  }
0x2ae: {  	v25 =	vld.idx.msk [tilespmem:v25+s12+$0x0], $0xffff;
	[tilespmem:v37+s14+$0x0] =	vst.idx.msk $0xffff, v26;
	v55 =	vadd.s32 s30, v3;
	v26 =	vand.u32 $0x7F, v61;
	vm15 =	vlt.f32 v57, v11  }
0x2af: {  	[tilespmem:v21+s14+$0x0] =	vst.idx.msk $0xffff, v14;
	v14 =	vand.u32 $0x7F, v28;
	v51 =	vor.u32 v8, v17;
	v10 =	vsel vm15, v10, v13  }
0x2b0: {  	[tilespmem:v40+s14+$0x0] =	vst.idx.msk $0xffff, v38;
	s26 =	simm.s32 $0x12;
	v40 =	vand.u32 $0x7F, v55;
	v13 =	vor.u32 v9, v33;
	v9 =	vshll.u32 v10, $0x7  }
0x2b1: {  	s30 =	simm.s32 $0x6;
	v61 =	vadd.s32 s26, v3;
	s26 =	simm.s32 $0x1A;
	v21 =	vor.u32 v8, v26;
	v20 =	vor.u32 v9, v40  }
0x2b2: {  	v15 =	vld.idx.msk [tilespmem:v15+s12+$0x0], $0xffff;
	[tilespmem:v49+s14+$0x0] =	vst.idx.msk $0xffff, v18;
	v19 =	vadd.s32 s30, v3;
	v49 =	vadd.s32 s26, v3;
	v56 =	vor.u32 v9, v12  }
0x2b3: {  	[tilespmem:v58+s14+$0x0] =	vst.idx.msk $0xffff, v25;
	v25 =	vor.u32 v8, v40;
	v49 =	vand.u32 $0x7F, v49;
	v24 =	vor.u32 v9, v27  }
0x2b4: {  	v50 =	vor.u32 v8, v39;
	v11 =	vor.u32 s24, v6;
	v29 =	vor.u32 v9, v35  }
0x2b5: {  	[tilespmem:v43+s14+$0x0] =	vst.idx.msk $0xffff, v46;
	s31 =	simm.s32 $0xC;
	v57 =	vand.u32 $0x7F, v53;
	v42 =	vor.u32 s23, v11;
	v28 =	vor.u32 v9, v14  }
0x2b6: {  	v33 =	vor.u32 v8, v57;
	v12 =	vadd.s32 s31, v3;
	v59 =	vor.u32 v9, v22;
	v20 =	vld.idx.msk [tilespmem:v20+s12+$0x0], $0xffff  }
0x2b7: {  	v30 =	vor.u32 v9, v30;
	[tilespmem:v13+s14+$0x0] =	vst.idx.msk $0xffff, v15;
	v15 =	vand.u32 $0x7F, v12;
	v12 =	vand.u32 $0x7F, v19;
	v19 =	vld.idx.msk [tilespmem:v56+s12+$0x0], $0xffff  }
0x2b8: {  	v10 =	vor.u32 v3, v9;
	v32 =	vor.u32 v9, v17;
	v17 =	vor.u32 v9, v39;
	v24 =	vld.idx.msk [tilespmem:v24+s12+$0x0], $0xffff  }
0x2b9: {  	v34 =	vor.u32 v9, v57;
	v27 =	vor.u32 v8, v27;
	v13 =	vor.u32 v9, v26;
	v29 =	vld.idx.msk [tilespmem:v29+s12+$0x0], $0xffff  }
0x2ba: {  	v22 =	vor.u32 v8, v22;
	v35 =	vor.u32 v8, v35;
	v39 =	vor.u32 v8, v14;
	v18 =	vld.idx.msk [tilespmem:v28+s12+$0x0], $0xffff  }
0x2bb: {  	s30 =	simm.s32 $0x17;
	v14 =	vor.u32 v8, v16;
	v36 =	vor.u32 v9, v16;
	v26 =	vor.u32 v9, v23;
	v40 =	vld.idx.msk [tilespmem:v59+s12+$0x0], $0xffff  }
0x2bc: {  	v23 =	vadd.s32 s30, v3;
	v58 =	vor.u32 v9, v15;
	v38 =	vor.u32 v9, v12;
	v30 =	vld.idx.msk [tilespmem:v30+s12+$0x0], $0xffff  }
0x2bd: {  	s25 =	simm.s32 $0x11;
	s24 =	simm.s32 $0x10;
	v63 =	vor.u32 s23, v10;
	v12 =	vor.u32 v8, v12;
	v52 =	vand.u32 $0x7F, v23;
	v54 =	vld.idx.msk [tilespmem:v17+s12+$0x0], $0xffff;
	[tilespmem:v25+s14+$0x0] =	vst.idx.msk $0xffff, v20  }
0x2be: {  	s28 =	simm.s32 $0x14;
	s29 =	simm.s32 $0x15;
	v28 =	vadd.s32 s25, v3;
	v60 =	vld.idx.msk [tilespmem:v13+s12+$0x0], $0xffff;
	v13 =	vor.u32 v8, v15;
	v15 =	vor.u32 s24, v10;
	[tilespmem:v31+s14+$0x0] =	vst.idx.msk $0xffff, v19  }
0x2bf: {  	s31 =	simm.s32 $0x18;
	s30 =	simm.s32 $0x1D;
	v17 =	vor.u32 v9, v52;
	v20 =	vld.idx.msk [tilespmem:v34+s12+$0x0], $0xffff;
	v25 =	vadd.s32 s28, v3;
	v34 =	vadd.s32 s29, v3;
	s28 =	simm.s32 $0x1B;
	[tilespmem:v27+s14+$0x0] =	vst.idx.msk $0xffff, v24  }
0x2c0: {  	v31 =	vadd.s32 s31, v3;
	s29 =	simm.s32 $0x13;
	s31 =	simm.s32 $0x1E;
	v27 =	vadd.s32 s30, v3;
	[tilespmem:v35+s14+$0x0] =	vst.idx.msk $0xffff, v29;
	v46 =	vadd.s32 s28, v3  }
0x2c1: {  	[tilespmem:v39+s14+$0x0] =	vst.idx.msk $0xffff, v18;
	s30 =	simm.s32 $0x16;
	v24 =	vadd.s32 s29, v3;
	v62 =	vadd.s32 s31, v3;
	v56 =	vand.u32 $0x7F, v25  }
0x2c2: {  	v26 =	vld.idx.msk [tilespmem:v26+s12+$0x0], $0xffff;
	[tilespmem:v41+s14+$0x0] =	vst.idx.msk $0xffff, v30;
	s29 =	simm.s32 $0x19;
	v31 =	vand.u32 $0x7F, v31;
	v30 =	vadd.s32 s30, v3;
	v47 =	vand.u32 $0x7F, v62  }
0x2c3: {  	[tilespmem:v22+s14+$0x0] =	vst.idx.msk $0xffff, v40;
	v29 =	vadd.s32 s29, v3;
	v18 =	vand.u32 $0x7F, v46;
	v62 =	vand.u32 $0x7F, v27  }
0x2c4: {  	v19 =	vld.idx.msk [tilespmem:v63+s12+$0x0], $0xffff;
	s28 =	simm.s32 $0x1F;
	v27 =	vor.u32 v9, v31;
	v48 =	vand.u32 $0x7F, v30;
	[tilespmem:v21+s14+$0x0] =	vst.idx.msk $0xffff, v60;
	v21 =	vand.u32 $0x7F, v28  }
0x2c5: {  	v23 =	vld.idx.msk [tilespmem:v58+s12+$0x0], $0xffff;
	[tilespmem:v50+s14+$0x0] =	vst.idx.msk $0xffff, v54;
	v63 =	vor.u32 v9, v47;
	v28 =	vadd.s32 s28, v3;
	v60 =	vand.u32 $0x7F, v61  }
0x2c6: {  	v25 =	vld.idx.msk [tilespmem:v32+s12+$0x0], $0xffff;
	v61 =	vand.u32 $0x7F, v24;
	v40 =	vor.u32 v9, v62;
	v44 =	vor.u32 v8, v47  }
0x2c7: {  	v24 =	vand.u32 $0x7F, v29;
	[tilespmem:v45+s14+$0x0] =	vst.idx.msk $0xffff, v26;
	v47 =	vor.u32 v9, v18;
	v35 =	vor.u32 v9, v21  }
0x2c8: {  	v29 =	vld.idx.msk [tilespmem:v38+s12+$0x0], $0xffff;
	v30 =	vor.u32 v8, v18;
	v55 =	vor.u32 v9, v61;
	[tilespmem:v33+s14+$0x0] =	vst.idx.msk $0xffff, v20  }
0x2c9: {  	v38 =	vor.u32 v9, v56;
	v20 =	vor.u32 v9, v60;
	[tilespmem:v42+s14+$0x0] =	vst.idx.msk $0xffff, v19;
	v19 =	vand.u32 $0x7F, v34  }
0x2ca: {  	v18 =	vor.u32 v8, v49;
	v32 =	vor.u32 v8, v62;
	v37 =	vld.idx.msk [tilespmem:v63+s12+$0x0], $0xffff;
	v63 =	vor.u32 v9, v19  }
0x2cb: {  	v53 =	vand.u32 $0x7F, v28;
	v28 =	vld.idx.msk [tilespmem:v36+s12+$0x0], $0xffff;
	v43 =	vor.u32 v8, v21;
	v36 =	vor.u32 v8, v60  }
0x2cc: {  	s31 =	simm.s32 $0x1C;
	v21 =	vor.u32 v9, v48;
	v42 =	vor.u32 v9, v53;
	v34 =	vor.u32 v8, v61;
	v46 =	vld.idx.msk [tilespmem:v35+s12+$0x0], $0xffff  }
0x2cd: {  	v33 =	vor.u32 v9, v49;
	v22 =	vor.u32 v8, v19;
	v19 =	vadd.s32 s31, v3;
	v39 =	vld.idx.msk [tilespmem:v55+s12+$0x0], $0xffff  }
0x2ce: {  	v16 =	vor.u32 s24, v11;
	[tilespmem:v51+s14+$0x0] =	vst.idx.msk $0xffff, v25;
	v25 =	vor.u32 v8, v53;
	v45 =	vand.u32 $0x7F, v19;
	v35 =	vld.idx.msk [tilespmem:v20+s12+$0x0], $0xffff  }
0x2cf: {  	s23 =	simm.s32 $0x20;
	v19 =	vor.u32 v8, v56;
	v26 =	vor.u32 v9, v45;
	v20 =	vor.u32 v8, v52;
	v41 =	vld.idx.msk [tilespmem:v63+s12+$0x0], $0xffff  }
.LBB2_18:
0x2d0: {  	s24 =	sadd.s32 $0x1, s23;
	s25 =	sadd.s32 $0x2, s23;
	s26 =	sadd.s32 $0x3, s23;
	v48 =	vor.u32 v8, v48;
	v45 =	vor.u32 v8, v45;
	v40 =	vld.idx.msk [tilespmem:v40+s12+$0x0], $0xffff;
	[tilespmem:v44+s14+$0x0] =	vst.idx.msk $0xffff, v37  }
0x2d1: {  	s28 =	sadd.s32 $0x7, s23;
	v37 =	vadd.s32 s24, v3;
	v44 =	vadd.s32 s25, v3;
	s24 =	sadd.s32 $0x4, s23;
	s25 =	sadd.s32 $0x5, s23;
	[tilespmem:v43+s14+$0x0] =	vst.idx.msk $0xffff, v46;
	v46 =	vor.u32 v8, v31;
	v31 =	vld.idx.msk [tilespmem:v47+s12+$0x0], $0xffff  }
0x2d2: {  	s29 =	sadd.s32 $0xF, s23;
	v50 =	vor.u32 v8, v24;
	v43 =	vadd.s32 s24, v3;
	v47 =	vadd.s32 s25, v3;
	s24 =	sadd.s32 $0x8, s23;
	s25 =	sadd.s32 $0x9, s23;
	v49 =	vld.idx.msk [tilespmem:v15+s12+$0x0], $0xffff;
	[tilespmem:v13+s14+$0x0] =	vst.idx.msk $0xffff, v23  }
0x2d3: {  	s30 =	sadd.s32 $0xB, s23;
	v24 =	vor.u32 v9, v24;
	v23 =	vadd.s32 s28, v3;
	s28 =	sadd.s32 $0xA, s23;
	v51 =	vadd.s32 s24, v3;
	s24 =	sadd.s32 $0xC, s23;
	v42 =	vld.idx.msk [tilespmem:v42+s12+$0x0], $0xffff;
	[tilespmem:v14+s14+$0x0] =	vst.idx.msk $0xffff, v28  }
0x2d4: {  	s31 =	sadd.s32 $0x6, s23;
	v15 =	vor.u32 s23, v10;
	v13 =	vmovc v45;
	v52 =	vadd.s32 s28, v3;
	v28 =	vadd.s32 s30, v3;
	s28 =	sadd.s32 $0xD, s23;
	s30 =	sadd.s32 $0xE, s23;
	v14 =	vmovc v50;
	[tilespmem:v36+s14+$0x0] =	vst.idx.msk $0xffff, v35  }
0x2d5: {  	p0 =	slt.u32 s23, $0x70;
	v35 =	vadd.s32 s26, v3;
	v36 =	vadd.s32 s28, v3;
	v45 =	vadd.s32 s30, v3;
	s26 =	smov.u32 s23;
	s23 =	sadd.s32 $0x10, s23;
	[tilespmem:v12+s14+$0x0] =	vst.idx.msk $0xffff, v29;
	v12 =	vmovc v48  }
0x2d6: {  	v50 =	vand.u32 $0x7F, v23;
	v48 =	vor.u32 s26, v11;
	v29 =	vand.u32 $0x7F, v45;
	v38 =	vld.idx.msk [tilespmem:v38+s12+$0x0], $0xffff;
	[tilespmem:v22+s14+$0x0] =	vst.idx.msk $0xffff, v41  }
0x2d7: {  	v41 =	vand.u32 $0x7F, v37;
	v37 =	vor.u32 v9, v29;
	v22 =	vadd.s32 s29, v3;
	[tilespmem:v34+s14+$0x0] =	vst.idx.msk $0xffff, v39;
	v27 =	vld.idx.msk [tilespmem:v27+s12+$0x0], $0xffff  }
0x2d8: {  	v34 =	vor.u32 v9, v41;
	v39 =	vand.u32 $0x7F, v44;
	v44 =	vadd.s32 s25, v3;
	[tilespmem:v30+s14+$0x0] =	vst.idx.msk $0xffff, v31;
	v23 =	vld.idx.msk [tilespmem:v26+s12+$0x0], $0xffff  }
0x2d9: {  	v53 =	vand.u32 $0x7F, v35;
	v54 =	vand.u32 $0x7F, v22;
	v26 =	vor.u32 v9, v39;
	[tilespmem:v16+s14+$0x0] =	vst.idx.msk $0xffff, v49;
	v33 =	vld.idx.msk [tilespmem:v33+s12+$0x0], $0xffff  }
0x2da: {  	v55 =	vand.u32 $0x7F, v43;
	v30 =	vand.u32 $0x7F, v47;
	v49 =	vor.u32 v9, v53;
	v56 =	vld.idx.msk [tilespmem:v17+s12+$0x0], $0xffff;
	[tilespmem:v32+s14+$0x0] =	vst.idx.msk $0xffff, v40  }
0x2db: {  	v57 =	vand.u32 $0x7F, v36;
	v17 =	vor.u32 v9, v50;
	v32 =	vand.u32 $0x7F, v28;
	v28 =	vld.idx.msk [tilespmem:v24+s12+$0x0], $0xffff;
	[tilespmem:v25+s14+$0x0] =	vst.idx.msk $0xffff, v42  }
0x2dc: {  	v31 =	vand.u32 $0x7F, v51;
	v22 =	vor.u32 v8, v30;
	v24 =	vand.u32 $0x7F, v44;
	v37 =	vld.idx.msk [tilespmem:v37+s12+$0x0], $0xffff;
	[tilespmem:v19+s14+$0x0] =	vst.idx.msk $0xffff, v38  }
0x2dd: {  	v16 =	vmovc v48;
	v40 =	vor.u32 v9, v57;
	v25 =	vadd.s32 s31, v3;
	v44 =	vor.u32 v8, v29;
	v29 =	vld.idx.msk [tilespmem:v21+s12+$0x0], $0xffff  }
0x2de: {  	v43 =	vor.u32 v8, v41;
	v41 =	vor.u32 v9, v30;
	v19 =	vadd.s32 s24, v3;
	[tilespmem:v46+s14+$0x0] =	vst.idx.msk $0xffff, v27  }
0x2df: {  	v47 =	vor.u32 v9, v32;
	v45 =	vand.u32 $0x7F, v19;
	v27 =	vor.u32 v9, v31;
	v46 =	vld.idx.msk [tilespmem:v34+s12+$0x0], $0xffff  }
.Ltmp7:
0x2e0: {  	v36 =	vor.u32 v8, v39;
	v42 =	vor.u32 v9, v54;
	v35 =	vld.idx.msk [tilespmem:v26+s12+$0x0], $0xffff;
	v26 =	vor.u32 v9, v45;
	(pc) =	sbr.rel @p0 .LBB2_18-.Ltmp7, $4  }
0x2e1: {  	v30 =	vor.u32 v8, v32;
	v48 =	vand.u32 $0x7F, v25;
	v19 =	vor.u32 v8, v55;
	[tilespmem:v20+s14+$0x0] =	vst.idx.msk $0xffff, v56  }
0x2e2: {  	v32 =	vand.u32 $0x7F, v52;
	v25 =	vor.u32 v8, v54;
	v21 =	vor.u32 v9, v48;
	[tilespmem:v18+s14+$0x0] =	vst.idx.msk $0xffff, v33  }
0x2e3: {  	v38 =	vor.u32 v9, v55;
	v34 =	vor.u32 v8, v53;
	v18 =	vor.u32 v8, v32;
	v41 =	vld.idx.msk [tilespmem:v41+s12+$0x0], $0xffff  }
0x2e4: {  	v20 =	vor.u32 v8, v50;
	v33 =	vor.u32 v9, v32;
	v32 =	vor.u32 v8, v57;
	v39 =	vld.idx.msk [tilespmem:v49+s12+$0x0], $0xffff  }
0x2e5: {  	_ =	sdelay $0x3  }
0x2e6: {  	[tilespmem:v44+s14+$0x0] =	vst.idx.msk $0xffff, v37  }
0x2e7: {  	[tilespmem:v43+s14+$0x0] =	vst.idx.msk $0xffff, v46  }
0x2e8: {  	[tilespmem:v13+s14+$0x0] =	vst.idx.msk $0xffff, v23  }
0x2e9: {  	v10 =	vld.idx.msk [tilespmem:v47+s12+$0x0], $0xffff;
	[tilespmem:v14+s14+$0x0] =	vst.idx.msk $0xffff, v28  }
0x2ea: {  	v11 =	vld.idx.msk [tilespmem:v15+s12+$0x0], $0xffff;
	[tilespmem:v36+s14+$0x0] =	vst.idx.msk $0xffff, v35  }
0x2eb: {  	v53 =	vld.idx.msk [tilespmem:v40+s12+$0x0], $0xffff;
	[tilespmem:v12+s14+$0x0] =	vst.idx.msk $0xffff, v29  }
0x2ec: {  	v54 =	vld.idx.msk [tilespmem:v42+s12+$0x0], $0xffff;
	[tilespmem:v22+s14+$0x0] =	vst.idx.msk $0xffff, v41  }
0x2ed: {  	v55 =	vld.idx.msk [tilespmem:v38+s12+$0x0], $0xffff;
	[tilespmem:v34+s14+$0x0] =	vst.idx.msk $0xffff, v39  }
0x2ee: {  	v9 =	vor.u32 v9, v24;
	v56 =	vor.u32 v8, v31;
	v57 =	vld.idx.msk [tilespmem:v27+s12+$0x0], $0xffff;
	[tilespmem:v30+s14+$0x0] =	vst.idx.msk $0xffff, v10  }
0x2ef: {  	v58 =	vld.idx.msk [tilespmem:v17+s12+$0x0], $0xffff;
	[tilespmem:v16+s14+$0x0] =	vst.idx.msk $0xffff, v11  }
0x2f0: {  	v59 =	vld.idx.msk [tilespmem:v33+s12+$0x0], $0xffff;
	[tilespmem:v32+s14+$0x0] =	vst.idx.msk $0xffff, v53  }
0x2f1: {  	v60 =	vor.u32 v8, v45;
	v61 =	vld.idx.msk [tilespmem:v26+s12+$0x0], $0xffff;
	[tilespmem:v25+s14+$0x0] =	vst.idx.msk $0xffff, v54  }
0x2f2: {  	v62 =	vor.u32 v8, v24;
	v8 =	vor.u32 v8, v48;
	v63 =	vld.idx.msk [tilespmem:v21+s12+$0x0], $0xffff;
	[tilespmem:v19+s14+$0x0] =	vst.idx.msk $0xffff, v55  }
0x2f3: {  	p0 =	slt.u32 s22, $0x6;
	v9 =	vld.idx.msk [tilespmem:v9+s12+$0x0], $0xffff;
	[tilespmem:v56+s14+$0x0] =	vst.idx.msk $0xffff, v57  }
.Ltmp8:
0x2f4: {  	[tilespmem:v20+s14+$0x0] =	vst.idx.msk $0xffff, v58;
	(pc) =	sbr.rel @p0 .LBB2_15-.Ltmp8, $4  }
0x2f5: {  	[tilespmem:v18+s14+$0x0] =	vst.idx.msk $0xffff, v59  }
0x2f6: {  	[tilespmem:v60+s14+$0x0] =	vst.idx.msk $0xffff, v61  }
0x2f7: {  	s23 =	sadd.s32 $0x2, s22;
	[tilespmem:v8+s14+$0x0] =	vst.idx.msk $0xffff, v63  }
0x2f8: {  	s22 =	smov.u32 s23;
	[tilespmem:v62+s14+$0x0] =	vst.idx.msk $0xffff, v9  }
0x2f9: {  	s21 =	sshll.u32 s21, $0xE  }
0x2fa: {  	s21 =	sadd.s32 s9, s21  }
0x2fb: {  	s20 =	sadd.s32 $0x3, s20;
	s21 =	sshrl.u32 s21, $0x3  }
0x2fc: {  	s31 =	sshll.u32 s20, $0x7;
	s22 =	sadd.s32 s4, s21;
	s21 =	simm.s32 $0x0  }
0x2fd: {  	[hbm4b:s22+s21] =	stream.linear.scatter [tilespmem:s14], [sflag:$0x1], $0x4000, $0x38;
	[tilespmem:$0x11A80] =	vst v63  }
0x2fe: {  	s22 =	sand.u32 $0x3FFFFF80, s31;
	_ =	swait.ge [sflag:s17], $0x4000  }
0x2ff: {  	s22 =	sadd.s32 $0x180, s22;
	[sflag:s17] =	ssyncset.done $0x0  }
0x300: {  	v7 =	vmov s22;
	s22 =	simm.s32 $0x0;
	[sflag:s17] =	ssyncadd.s32 $0xFFFFC000  }
.LBB2_21:
0x301: {  	_ =	sdelay $0x2  }
0x302: {  	s23 =	sshll.u32 s22, $0x4  }
0x303: {  	v10 =	vld.idx.msk [tilespmem:v0+s21+$0x0], $0xffff;
	s23 =	sand.u32 $0x3FFFFFF0, s23  }
0x304: {  	v8 =	vld.idx.msk [tilespmem:v7+s23+$0x0 ss:$0x1], $0xffff;
	_ =	sdelay $0x4  }
0x305: {  	vm0 =	vlt.f32 v10, v8  }
0x306: {  	v9 =	vsel vm0, $0xBF, v4  }
0x307: {  	v11 =	vadd.s32 $0x1, v9;
	_ =	sdelay $0x4  }
0x308: {  	v12 =	vld.idx.msk [tilespmem:v11+s21+$0x0], $0xffff;
	_ =	sdelay $0x4  }
0x309: {  	v13 =	vsel vm0, $0xFF, v2;
	vm1 =	vlt.f32 v12, v8  }
0x30a: {  	v12 =	vsel vm0, $0x80, v1;
	v9 =	vsel vm1, v13, v9  }
0x30b: {  	v11 =	vsel vm1, v11, v12;
	v12 =	vadd.s32 $0xFFFFFFFF, v9  }
0x30c: {  	v12 =	vadd.s32 v12, v11  }
0x30d: {  	v12 =	vshrl.u32 v12, $0x1  }
0x30e: {  	v13 =	vadd.s32 $0x1, v12;
	_ =	sdelay $0x4  }
0x30f: {  	v14 =	vld.idx.msk [tilespmem:v13+s21+$0x0], $0xffff;
	_ =	sdelay $0x4  }
0x310: {  	vm10 =	vlt.f32 v14, v8  }
0x311: {  	v9 =	vsel vm10, v9, v12  }
0x312: {  	v11 =	vsel vm10, v13, v11;
	v12 =	vadd.s32 $0xFFFFFFFF, v9  }
0x313: {  	v13 =	vxor.u32 v12, v11  }
0x314: {  	v12 =	vor.u32 v12, v11;
	v13 =	vshrl.u32 v13, $0x1  }
0x315: {  	v12 =	vsub.s32 v12, v13  }
0x316: {  	v13 =	vadd.s32 $0x1, v12;
	_ =	sdelay $0x4  }
0x317: {  	v14 =	vld.idx.msk [tilespmem:v13+s21+$0x0], $0xffff;
	_ =	sdelay $0x4  }
0x318: {  	vm11 =	vlt.f32 v14, v8  }
0x319: {  	v11 =	vsel vm11, v13, v11;
	v9 =	vsel vm11, v9, v12  }
0x31a: {  	v12 =	vadd.s32 v9, v11  }
0x31b: {  	v12 =	vshrl.u32 v12, $0x1  }
0x31c: {  	v13 =	vadd.s32 $0x1, v12;
	_ =	sdelay $0x4  }
0x31d: {  	v14 =	vld.idx.msk [tilespmem:v13+s21+$0x0], $0xffff;
	_ =	sdelay $0x4  }
0x31e: {  	vm12 =	vlt.f32 v14, v8  }
0x31f: {  	v11 =	vsel vm12, v13, v11;
	v9 =	vsel vm12, v9, v12  }
0x320: {  	v12 =	vadd.s32 v9, v11  }
0x321: {  	v12 =	vshrl.u32 v12, $0x1  }
0x322: {  	v13 =	vadd.s32 $0x1, v12;
	_ =	sdelay $0x4  }
0x323: {  	v14 =	vld.idx.msk [tilespmem:v13+s21+$0x0], $0xffff;
	_ =	sdelay $0x4  }
0x324: {  	vm13 =	vlt.f32 v14, v8  }
0x325: {  	v11 =	vsel vm13, v13, v11;
	v9 =	vsel vm13, v9, v12  }
0x326: {  	v12 =	vadd.s32 v9, v11  }
0x327: {  	v12 =	vshrl.u32 v12, $0x1  }
0x328: {  	v13 =	vadd.s32 $0x1, v12;
	_ =	sdelay $0x4  }
0x329: {  	v14 =	vld.idx.msk [tilespmem:v13+s21+$0x0], $0xffff;
	_ =	sdelay $0x4  }
0x32a: {  	vm14 =	vlt.f32 v14, v8  }
0x32b: {  	v11 =	vsel vm14, v13, v11;
	v9 =	vsel vm14, v9, v12  }
0x32c: {  	v9 =	vadd.s32 v9, v11  }
0x32d: {  	s26 =	simm.s32 $0x5;
	v9 =	vshrl.u32 v9, $0x1  }
0x32e: {  	s28 =	simm.s32 $0x7;
	s29 =	simm.s32 $0x8;
	s30 =	simm.s32 $0xA;
	v16 =	vadd.s32 s26, v3;
	v9 =	vadd.s32 $0x1, v9  }
0x32f: {  	v17 =	vadd.s32 s28, v3;
	v18 =	vadd.s32 s29, v3;
	s26 =	simm.s32 $0xB;
	v20 =	vadd.s32 s30, v3;
	s28 =	simm.s32 $0xE;
	s29 =	simm.s32 $0xD  }
0x330: {  	s30 =	simm.s32 $0xF;
	v21 =	vadd.s32 s26, v3;
	v23 =	vadd.s32 s28, v3;
	v24 =	vadd.s32 s29, v3  }
0x331: {  	v17 =	vand.u32 $0x7F, v17;
	v27 =	vadd.s32 s30, v3;
	v16 =	vand.u32 $0x7F, v16  }
0x332: {  	v18 =	vand.u32 $0x7F, v18;
	v20 =	vand.u32 $0x7F, v20;
	v23 =	vand.u32 $0x7F, v23  }
0x333: {  	s26 =	simm.s32 $0x11;
	s28 =	simm.s32 $0x12;
	s30 =	simm.s32 $0x15;
	v27 =	vand.u32 $0x7F, v27;
	v21 =	vand.u32 $0x7F, v21;
	v24 =	vand.u32 $0x7F, v24;
	v12 =	vld.idx.msk [tilespmem:v9+s21+$0x0], $0xffff  }
0x334: {  	v61 =	vadd.s32 s26, v3;
	v45 =	vadd.s32 s28, v3;
	v62 =	vadd.s32 s30, v3;
	s28 =	simm.s32 $0x1A;
	s30 =	simm.s32 $0x1D  }
0x335: {  	s25 =	simm.s32 $0x2;
	v52 =	vadd.s32 s28, v3;
	v47 =	vadd.s32 s30, v3;
	s28 =	simm.s32 $0x1F;
	v49 =	vand.u32 $0x7F, v45  }
0x336: {  	s31 =	sshll.u32 s22, $0xB;
	v60 =	vadd.s32 s28, v3;
	v58 =	vand.u32 $0x7F, v47;
	v14 =	vadd.s32 s25, v3;
	s25 =	simm.s32 $0x4  }
0x337: {  	v55 =	vand.u32 $0x7F, v60;
	v13 =	vor.u32 s31, v6;
	v15 =	vadd.s32 s25, v3  }
0x338: {  	s24 =	simm.s32 $0x1;
	v14 =	vand.u32 $0x7F, v14;
	v25 =	vor.u32 s21, v13;
	vm15 =	vlt.f32 v12, v8  }
0x339: {  	v15 =	vand.u32 $0x7F, v15;
	v12 =	vadd.s32 s24, v3;
	s24 =	simm.s32 $0x6;
	v8 =	vsel vm15, v9, v11  }
0x33a: {  	v9 =	vor.u32 s31, v5;
	s31 =	simm.s32 $0x3;
	v12 =	vand.u32 $0x7F, v12;
	v34 =	vadd.s32 s24, v3  }
0x33b: {  	v8 =	vshll.u32 v8, $0x7;
	v22 =	vadd.s32 s31, v3;
	v33 =	vor.u32 v9, v16  }
0x33c: {  	v36 =	vor.u32 v9, v12;
	v42 =	vor.u32 v9, v15;
	v26 =	vor.u32 v8, v23  }
0x33d: {  	v43 =	vor.u32 v9, v27;
	v50 =	vor.u32 v9, v20;
	v28 =	vor.u32 v8, v12  }
0x33e: {  	s31 =	simm.s32 $0x9;
	v51 =	vor.u32 v9, v17;
	v11 =	vor.u32 v3, v8;
	v30 =	vor.u32 v8, v14  }
0x33f: {  	v29 =	vadd.s32 s31, v3;
	v22 =	vand.u32 $0x7F, v22;
	v16 =	vor.u32 v8, v16  }
0x340: {  	s25 =	simm.s32 $0xC;
	v32 =	vor.u32 v8, v17;
	v35 =	vor.u32 v8, v24;
	v23 =	vor.u32 v9, v23  }
0x341: {  	v12 =	vadd.s32 s25, v3;
	v37 =	vor.u32 v8, v18;
	v41 =	vor.u32 v8, v27;
	v26 =	vld.idx.msk [tilespmem:v26+s12+$0x0], $0xffff  }
0x342: {  	v39 =	vor.u32 v8, v21;
	v14 =	vor.u32 v9, v14;
	v31 =	vor.u32 v8, v22;
	v28 =	vld.idx.msk [tilespmem:v28+s12+$0x0], $0xffff  }
0x343: {  	v21 =	vor.u32 v9, v21;
	v27 =	vor.u32 v8, v15;
	v19 =	vor.u32 s21, v11;
	v30 =	vld.idx.msk [tilespmem:v30+s12+$0x0], $0xffff  }
0x344: {  	v17 =	vor.u32 v8, v20;
	v24 =	vor.u32 v9, v24;
	v18 =	vor.u32 v9, v18;
	v44 =	vld.idx.msk [tilespmem:v16+s12+$0x0], $0xffff  }
0x345: {  	s24 =	simm.s32 $0x10;
	v29 =	vand.u32 $0x7F, v29;
	v38 =	vand.u32 $0x7F, v12;
	v12 =	vand.u32 $0x7F, v34;
	v35 =	vld.idx.msk [tilespmem:v35+s12+$0x0], $0xffff  }
0x346: {  	v22 =	vor.u32 v9, v22;
	v20 =	vor.u32 s24, v11;
	v40 =	vor.u32 v8, v38;
	v41 =	vld.idx.msk [tilespmem:v41+s12+$0x0], $0xffff  }
0x347: {  	v34 =	vor.u32 v8, v12;
	v12 =	vor.u32 v9, v12;
	v31 =	vld.idx.msk [tilespmem:v31+s12+$0x0], $0xffff;
	[tilespmem:v23+s15+$0x0] =	vst.idx.msk $0xffff, v26  }
0x348: {  	s29 =	simm.s32 $0x14;
	v15 =	vor.u32 v9, v38;
	v16 =	vor.u32 v9, v29;
	v19 =	vld.idx.msk [tilespmem:v19+s12+$0x0], $0xffff;
	[tilespmem:v36+s15+$0x0] =	vst.idx.msk $0xffff, v28  }
0x349: {  	s26 =	simm.s32 $0x18;
	s31 =	simm.s32 $0x17;
	v38 =	vand.u32 $0x7F, v61;
	v29 =	vor.u32 v8, v29;
	v23 =	vld.idx.msk [tilespmem:v39+s12+$0x0], $0xffff;
	v26 =	vadd.s32 s29, v3;
	[tilespmem:v14+s15+$0x0] =	vst.idx.msk $0xffff, v30  }
0x34a: {  	v28 =	vadd.s32 s31, v3;
	v36 =	vadd.s32 s26, v3;
	s29 =	simm.s32 $0x1B;
	v14 =	vor.u32 s24, v13;
	[tilespmem:v33+s15+$0x0] =	vst.idx.msk $0xffff, v44  }
0x34b: {  	s26 =	simm.s32 $0x13;
	s31 =	simm.s32 $0x1E;
	[tilespmem:v43+s15+$0x0] =	vst.idx.msk $0xffff, v41;
	v44 =	vor.u32 v8, v58;
	v43 =	vor.u32 v9, v38;
	v46 =	vadd.s32 s29, v3  }
0x34c: {  	v30 =	vadd.s32 s26, v3;
	v48 =	vadd.s32 s31, v3;
	v53 =	vand.u32 $0x7F, v28;
	[tilespmem:v22+s15+$0x0] =	vst.idx.msk $0xffff, v31;
	v22 =	vld.idx.msk [tilespmem:v37+s12+$0x0], $0xffff  }
0x34d: {  	s30 =	simm.s32 $0x16;
	v31 =	vor.u32 v8, v38;
	[tilespmem:v25+s15+$0x0] =	vst.idx.msk $0xffff, v19;
	v57 =	vand.u32 $0x7F, v26;
	v25 =	vand.u32 $0x7F, v62;
	v62 =	vld.idx.msk [tilespmem:v32+s12+$0x0], $0xffff  }
0x34e: {  	s29 =	simm.s32 $0x19;
	v32 =	vld.idx.msk [tilespmem:v29+s12+$0x0], $0xffff;
	v37 =	vand.u32 $0x7F, v36;
	v29 =	vadd.s32 s30, v3;
	v28 =	vand.u32 $0x7F, v48  }
0x34f: {  	[tilespmem:v24+s15+$0x0] =	vst.idx.msk $0xffff, v35;
	v19 =	vld.idx.msk [tilespmem:v17+s12+$0x0], $0xffff;
	v61 =	vadd.s32 s29, v3;
	v54 =	vand.u32 $0x7F, v30;
	v63 =	vor.u32 v8, v28  }
0x350: {  	v48 =	vld.idx.msk [tilespmem:v27+s12+$0x0], $0xffff;
	v17 =	vor.u32 v8, v53;
	v24 =	vand.u32 $0x7F, v46;
	v26 =	vor.u32 v8, v37  }
0x351: {  	v27 =	vld.idx.msk [tilespmem:v40+s12+$0x0], $0xffff;
	v40 =	vor.u32 v9, v49;
	v39 =	vor.u32 v8, v57;
	v56 =	vor.u32 v8, v54  }
0x352: {  	v45 =	vor.u32 v9, v28;
	v47 =	vor.u32 v8, v24;
	v28 =	vor.u32 v9, v24  }
0x353: {  	v30 =	vld.idx.msk [tilespmem:v34+s12+$0x0], $0xffff;
	v24 =	vor.u32 v9, v55;
	[tilespmem:v21+s15+$0x0] =	vst.idx.msk $0xffff, v23;
	v21 =	vor.u32 v8, v49  }
0x354: {  	v34 =	vor.u32 v9, v54;
	[tilespmem:v18+s15+$0x0] =	vst.idx.msk $0xffff, v22;
	v41 =	vld.idx.msk [tilespmem:v63+s12+$0x0], $0xffff;
	v63 =	vor.u32 v8, v25  }
0x355: {  	v23 =	vor.u32 v9, v25;
	v49 =	vand.u32 $0x7F, v29;
	v29 =	vand.u32 $0x7F, v52;
	[tilespmem:v51+s15+$0x0] =	vst.idx.msk $0xffff, v62  }
0x356: {  	s31 =	simm.s32 $0x1C;
	v46 =	vld.idx.msk [tilespmem:v31+s12+$0x0], $0xffff;
	v22 =	vor.u32 v9, v57;
	v18 =	vor.u32 v8, v49;
	[tilespmem:v50+s15+$0x0] =	vst.idx.msk $0xffff, v19  }
0x357: {  	v19 =	vor.u32 v9, v29;
	v31 =	vor.u32 v8, v29;
	v25 =	vadd.s32 s31, v3;
	v35 =	vld.idx.msk [tilespmem:v56+s12+$0x0], $0xffff  }
0x358: {  	v33 =	vand.u32 $0x7F, v61;
	[tilespmem:v42+s15+$0x0] =	vst.idx.msk $0xffff, v48;
	v42 =	vor.u32 v8, v55;
	v48 =	vand.u32 $0x7F, v25;
	v38 =	vld.idx.msk [tilespmem:v21+s12+$0x0], $0xffff  }
0x359: {  	s23 =	simm.s32 $0x20;
	v29 =	vor.u32 v9, v58;
	v25 =	vor.u32 v8, v48;
	v21 =	vor.u32 v9, v53;
	v36 =	vld.idx.msk [tilespmem:v63+s12+$0x0], $0xffff  }
.LBB2_22:
0x35a: {  	s24 =	sadd.s32 $0x1, s23;
	s25 =	sadd.s32 $0x2, s23;
	s26 =	sadd.s32 $0x3, s23;
	v49 =	vor.u32 v9, v49;
	v48 =	vor.u32 v9, v48;
	v44 =	vld.idx.msk [tilespmem:v44+s12+$0x0], $0xffff;
	[tilespmem:v45+s15+$0x0] =	vst.idx.msk $0xffff, v41  }
0x35b: {  	s28 =	sadd.s32 $0x7, s23;
	v41 =	vadd.s32 s24, v3;
	v45 =	vadd.s32 s25, v3;
	s24 =	sadd.s32 $0x4, s23;
	s25 =	sadd.s32 $0x5, s23;
	[tilespmem:v43+s15+$0x0] =	vst.idx.msk $0xffff, v46;
	v46 =	vor.u32 v9, v37;
	v37 =	vld.idx.msk [tilespmem:v47+s12+$0x0], $0xffff  }
0x35c: {  	s29 =	sadd.s32 $0xF, s23;
	v51 =	vor.u32 v9, v33;
	v43 =	vadd.s32 s24, v3;
	v47 =	vadd.s32 s25, v3;
	s24 =	sadd.s32 $0x8, s23;
	s25 =	sadd.s32 $0x9, s23;
	v50 =	vld.idx.msk [tilespmem:v20+s12+$0x0], $0xffff;
	[tilespmem:v15+s15+$0x0] =	vst.idx.msk $0xffff, v27  }
0x35d: {  	s30 =	sadd.s32 $0xB, s23;
	v33 =	vor.u32 v8, v33;
	v27 =	vadd.s32 s28, v3;
	s28 =	sadd.s32 $0xA, s23;
	v52 =	vadd.s32 s24, v3;
	s24 =	sadd.s32 $0xC, s23;
	v42 =	vld.idx.msk [tilespmem:v42+s12+$0x0], $0xffff;
	[tilespmem:v16+s15+$0x0] =	vst.idx.msk $0xffff, v32  }
0x35e: {  	s31 =	sadd.s32 $0x6, s23;
	v20 =	vor.u32 s23, v11;
	v15 =	vmovc v48;
	v53 =	vadd.s32 s28, v3;
	v32 =	vadd.s32 s30, v3;
	s28 =	sadd.s32 $0xD, s23;
	s30 =	sadd.s32 $0xE, s23;
	v16 =	vmovc v51;
	[tilespmem:v40+s15+$0x0] =	vst.idx.msk $0xffff, v38  }
0x35f: {  	p0 =	slt.u32 s23, $0x70;
	v38 =	vadd.s32 s26, v3;
	v40 =	vadd.s32 s28, v3;
	v48 =	vadd.s32 s30, v3;
	s26 =	smov.u32 s23;
	s23 =	sadd.s32 $0x10, s23;
	[tilespmem:v12+s15+$0x0] =	vst.idx.msk $0xffff, v30;
	v12 =	vmovc v49  }
0x360: {  	v51 =	vand.u32 $0x7F, v27;
	v49 =	vor.u32 s26, v13;
	v30 =	vand.u32 $0x7F, v48;
	v39 =	vld.idx.msk [tilespmem:v39+s12+$0x0], $0xffff;
	[tilespmem:v23+s15+$0x0] =	vst.idx.msk $0xffff, v36  }
0x361: {  	v36 =	vand.u32 $0x7F, v41;
	v41 =	vor.u32 v8, v30;
	v23 =	vadd.s32 s29, v3;
	[tilespmem:v34+s15+$0x0] =	vst.idx.msk $0xffff, v35;
	v26 =	vld.idx.msk [tilespmem:v26+s12+$0x0], $0xffff  }
0x362: {  	v34 =	vor.u32 v8, v36;
	v35 =	vand.u32 $0x7F, v45;
	v45 =	vadd.s32 s25, v3;
	[tilespmem:v28+s15+$0x0] =	vst.idx.msk $0xffff, v37;
	v27 =	vld.idx.msk [tilespmem:v25+s12+$0x0], $0xffff  }
0x363: {  	v54 =	vand.u32 $0x7F, v38;
	v55 =	vand.u32 $0x7F, v23;
	v25 =	vor.u32 v8, v35;
	[tilespmem:v14+s15+$0x0] =	vst.idx.msk $0xffff, v50;
	v31 =	vld.idx.msk [tilespmem:v31+s12+$0x0], $0xffff  }
0x364: {  	v56 =	vand.u32 $0x7F, v43;
	v28 =	vand.u32 $0x7F, v47;
	v50 =	vor.u32 v8, v54;
	v57 =	vld.idx.msk [tilespmem:v17+s12+$0x0], $0xffff;
	[tilespmem:v29+s15+$0x0] =	vst.idx.msk $0xffff, v44  }
0x365: {  	v58 =	vand.u32 $0x7F, v40;
	v17 =	vor.u32 v8, v51;
	v29 =	vand.u32 $0x7F, v32;
	v32 =	vld.idx.msk [tilespmem:v33+s12+$0x0], $0xffff;
	[tilespmem:v24+s15+$0x0] =	vst.idx.msk $0xffff, v42  }
0x366: {  	v37 =	vand.u32 $0x7F, v52;
	v23 =	vor.u32 v9, v28;
	v33 =	vand.u32 $0x7F, v45;
	v41 =	vld.idx.msk [tilespmem:v41+s12+$0x0], $0xffff;
	[tilespmem:v22+s15+$0x0] =	vst.idx.msk $0xffff, v39  }
0x367: {  	v14 =	vmovc v49;
	v44 =	vor.u32 v8, v58;
	v24 =	vadd.s32 s31, v3;
	v45 =	vor.u32 v9, v30;
	v30 =	vld.idx.msk [tilespmem:v18+s12+$0x0], $0xffff  }
0x368: {  	v43 =	vor.u32 v9, v36;
	v36 =	vor.u32 v8, v28;
	v18 =	vadd.s32 s24, v3;
	[tilespmem:v46+s15+$0x0] =	vst.idx.msk $0xffff, v26  }
0x369: {  	v47 =	vor.u32 v8, v29;
	v26 =	vor.u32 v8, v37;
	v48 =	vand.u32 $0x7F, v18;
	v46 =	vld.idx.msk [tilespmem:v34+s12+$0x0], $0xffff  }
.Ltmp9:
0x36a: {  	v40 =	vor.u32 v9, v35;
	v42 =	vor.u32 v8, v55;
	v38 =	vld.idx.msk [tilespmem:v25+s12+$0x0], $0xffff;
	v25 =	vor.u32 v8, v48;
	(pc) =	sbr.rel @p0 .LBB2_22-.Ltmp9, $4  }
0x36b: {  	v28 =	vor.u32 v9, v29;
	v22 =	vor.u32 v9, v56;
	v49 =	vand.u32 $0x7F, v24;
	[tilespmem:v21+s15+$0x0] =	vst.idx.msk $0xffff, v57  }
0x36c: {  	v29 =	vand.u32 $0x7F, v53;
	v24 =	vor.u32 v9, v55;
	v18 =	vor.u32 v8, v49;
	[tilespmem:v19+s15+$0x0] =	vst.idx.msk $0xffff, v31  }
0x36d: {  	v39 =	vor.u32 v8, v56;
	v34 =	vor.u32 v9, v54;
	v19 =	vor.u32 v9, v29;
	v36 =	vld.idx.msk [tilespmem:v36+s12+$0x0], $0xffff  }
0x36e: {  	v21 =	vor.u32 v9, v51;
	v31 =	vor.u32 v8, v29;
	v29 =	vor.u32 v9, v58;
	v35 =	vld.idx.msk [tilespmem:v50+s12+$0x0], $0xffff  }
0x36f: {  	_ = 	snop  }
0x370: {  	s24 =	sor.u32 $0x1, s22  }
0x371: {  	s23 =	sshll.u32 s24, $0x4  }
0x372: {  	s23 =	sand.u32 $0x3FFFFFF0, s23  }
0x373: {  	v11 =	vld.idx.msk [tilespmem:v7+s23+$0x0 ss:$0x1], $0xffff;
	_ =	sdelay $0x4  }
0x374: {  	vm0 =	vlt.f32 v10, v11  }
0x375: {  	v10 =	vsel vm0, $0xBF, v4  }
0x376: {  	v13 =	vadd.s32 $0x1, v10;
	_ =	sdelay $0x3  }
0x377: {  	s23 =	simm.s32 $0x0  }
0x378: {  	v50 =	vld.idx.msk [tilespmem:v13+s23+$0x0], $0xffff;
	_ =	sdelay $0x4  }
0x379: {  	v51 =	vsel vm0, $0xFF, v2;
	vm1 =	vlt.f32 v50, v11  }
0x37a: {  	v55 =	vsel vm0, $0x80, v1;
	v10 =	vsel vm1, v51, v10  }
0x37b: {  	v13 =	vsel vm1, v13, v55;
	v56 =	vadd.s32 $0xFFFFFFFF, v10  }
0x37c: {  	v50 =	vadd.s32 v56, v13  }
0x37d: {  	v50 =	vshrl.u32 v50, $0x1  }
0x37e: {  	v57 =	vadd.s32 $0x1, v50;
	_ =	sdelay $0x4  }
0x37f: {  	v52 =	vld.idx.msk [tilespmem:v57+s23+$0x0], $0xffff;
	_ =	sdelay $0x4  }
0x380: {  	vm10 =	vlt.f32 v52, v11  }
0x381: {  	v10 =	vsel vm10, v10, v50  }
0x382: {  	v13 =	vsel vm10, v57, v13;
	v50 =	vadd.s32 $0xFFFFFFFF, v10  }
0x383: {  	v51 =	vxor.u32 v50, v13  }
0x384: {  	v50 =	vor.u32 v50, v13;
	v51 =	vshrl.u32 v51, $0x1  }
0x385: {  	v50 =	vsub.s32 v50, v51  }
0x386: {  	v51 =	vadd.s32 $0x1, v50;
	_ =	sdelay $0x4  }
0x387: {  	v58 =	vld.idx.msk [tilespmem:v51+s23+$0x0], $0xffff;
	_ =	sdelay $0x4  }
0x388: {  	vm11 =	vlt.f32 v58, v11  }
0x389: {  	v13 =	vsel vm11, v51, v13;
	v10 =	vsel vm11, v10, v50  }
0x38a: {  	v50 =	vadd.s32 v10, v13  }
0x38b: {  	v50 =	vshrl.u32 v50, $0x1  }
0x38c: {  	v59 =	vadd.s32 $0x1, v50;
	_ =	sdelay $0x4  }
0x38d: {  	v60 =	vld.idx.msk [tilespmem:v59+s23+$0x0], $0xffff;
	_ =	sdelay $0x4  }
0x38e: {  	vm12 =	vlt.f32 v60, v11  }
0x38f: {  	v13 =	vsel vm12, v59, v13;
	v10 =	vsel vm12, v10, v50  }
0x390: {  	v50 =	vadd.s32 v10, v13  }
0x391: {  	v50 =	vshrl.u32 v50, $0x1  }
0x392: {  	v61 =	vadd.s32 $0x1, v50;
	_ =	sdelay $0x4  }
0x393: {  	v62 =	vld.idx.msk [tilespmem:v61+s23+$0x0], $0xffff;
	_ =	sdelay $0x4  }
0x394: {  	vm13 =	vlt.f32 v62, v11  }
0x395: {  	v13 =	vsel vm13, v61, v13;
	v10 =	vsel vm13, v10, v50  }
0x396: {  	v50 =	vadd.s32 v10, v13  }
0x397: {  	v50 =	vshrl.u32 v50, $0x1  }
0x398: {  	v63 =	vadd.s32 $0x1, v50;
	_ =	sdelay $0x4  }
0x399: {  	v56 =	vld.idx.msk [tilespmem:v63+s23+$0x0], $0xffff;
	_ =	sdelay $0x4  }
0x39a: {  	vm14 =	vlt.f32 v56, v11  }
0x39b: {  	[tilespmem:v45+s15+$0x0] =	vst.idx.msk $0xffff, v41;
	v13 =	vsel vm14, v63, v13;
	v10 =	vsel vm14, v10, v50  }
0x39c: {  	v44 =	vld.idx.msk [tilespmem:v44+s12+$0x0], $0xffff;
	[tilespmem:v15+s15+$0x0] =	vst.idx.msk $0xffff, v27;
	v10 =	vadd.s32 v10, v13  }
0x39d: {  	v49 =	vor.u32 v9, v49;
	[tilespmem:v16+s15+$0x0] =	vst.idx.msk $0xffff, v32;
	v31 =	vld.idx.msk [tilespmem:v31+s12+$0x0], $0xffff;
	v10 =	vshrl.u32 v10, $0x1  }
0x39e: {  	v37 =	vor.u32 v9, v37;
	v20 =	vld.idx.msk [tilespmem:v20+s12+$0x0], $0xffff;
	s25 =	simm.s32 $0x1;
	s26 =	simm.s32 $0x2;
	[tilespmem:v12+s15+$0x0] =	vst.idx.msk $0xffff, v30;
	v10 =	vadd.s32 $0x1, v10  }
0x39f: {  	v15 =	vor.u32 v8, v33;
	v30 =	vld.idx.msk [tilespmem:v39+s12+$0x0], $0xffff;
	s28 =	simm.s32 $0x3;
	s24 =	sshll.u32 s24, $0xB;
	v12 =	vadd.s32 s25, v3;
	v27 =	vadd.s32 s26, v3;
	[tilespmem:v23+s15+$0x0] =	vst.idx.msk $0xffff, v36  }
0x3a0: {  	v16 =	vld.idx.msk [tilespmem:v42+s12+$0x0], $0xffff;
	s25 =	simm.s32 $0x8;
	v54 =	vadd.s32 s28, v3;
	v8 =	vor.u32 s24, v5;
	v12 =	vand.u32 $0x7F, v12;
	[tilespmem:v34+s15+$0x0] =	vst.idx.msk $0xffff, v35  }
0x3a1: {  	v26 =	vld.idx.msk [tilespmem:v26+s12+$0x0], $0xffff;
	s28 =	simm.s32 $0xF;
	v27 =	vand.u32 $0x7F, v27;
	v23 =	vadd.s32 s25, v3;
	v35 =	vand.u32 $0x7F, v54;
	[tilespmem:v29+s15+$0x0] =	vst.idx.msk $0xffff, v44  }
0x3a2: {  	s29 =	simm.s32 $0x4;
	s26 =	simm.s32 $0xA;
	v23 =	vand.u32 $0x7F, v23;
	v29 =	vadd.s32 s28, v3;
	[tilespmem:v19+s15+$0x0] =	vst.idx.msk $0xffff, v31;
	v31 =	vor.u32 v8, v12;
	v59 =	vld.idx.msk [tilespmem:v47+s12+$0x0], $0xffff  }
0x3a3: {  	[tilespmem:v14+s15+$0x0] =	vst.idx.msk $0xffff, v20;
	v45 =	vor.u32 v8, v23;
	v52 =	vadd.s32 s26, v3;
	v60 =	vadd.s32 s29, v3;
	s29 =	simm.s32 $0xB;
	v57 =	vld.idx.msk [tilespmem:v10+s23+$0x0], $0xffff  }
0x3a4: {  	v14 =	vld.idx.msk [tilespmem:v17+s12+$0x0], $0xffff;
	[tilespmem:v22+s15+$0x0] =	vst.idx.msk $0xffff, v30;
	v22 =	vand.u32 $0x7F, v29;
	v39 =	vand.u32 $0x7F, v52;
	v53 =	vadd.s32 s29, v3;
	s29 =	simm.s32 $0x9  }
0x3a5: {  	s31 =	simm.s32 $0x7;
	[tilespmem:v24+s15+$0x0] =	vst.idx.msk $0xffff, v16;
	v58 =	vor.u32 v9, v48;
	v30 =	vand.u32 $0x7F, v60;
	v16 =	vadd.s32 s29, v3  }
0x3a6: {  	s30 =	simm.s32 $0x5;
	v41 =	vor.u32 v8, v30;
	v16 =	vand.u32 $0x7F, v16;
	v62 =	vadd.s32 s31, v3;
	s31 =	simm.s32 $0xD  }
0x3a7: {  	v18 =	vld.idx.msk [tilespmem:v18+s12+$0x0], $0xffff;
	[tilespmem:v28+s15+$0x0] =	vst.idx.msk $0xffff, v59;
	v61 =	vadd.s32 s30, v3;
	s30 =	simm.s32 $0xE;
	v28 =	vadd.s32 s31, v3;
	v17 =	vand.u32 $0x7F, v62  }
0x3a8: {  	v25 =	vld.idx.msk [tilespmem:v25+s12+$0x0], $0xffff;
	[tilespmem:v37+s15+$0x0] =	vst.idx.msk $0xffff, v26;
	v55 =	vadd.s32 s30, v3;
	v26 =	vand.u32 $0x7F, v61;
	vm15 =	vlt.f32 v57, v11  }
0x3a9: {  	[tilespmem:v21+s15+$0x0] =	vst.idx.msk $0xffff, v14;
	v14 =	vand.u32 $0x7F, v28;
	v51 =	vor.u32 v8, v17;
	v10 =	vsel vm15, v10, v13  }
0x3aa: {  	[tilespmem:v40+s15+$0x0] =	vst.idx.msk $0xffff, v38;
	s26 =	simm.s32 $0x12;
	v40 =	vand.u32 $0x7F, v55;
	v13 =	vor.u32 v9, v33;
	v9 =	vshll.u32 v10, $0x7  }
0x3ab: {  	s30 =	simm.s32 $0x6;
	v61 =	vadd.s32 s26, v3;
	s26 =	simm.s32 $0x1A;
	v21 =	vor.u32 v8, v26;
	v20 =	vor.u32 v9, v40  }
0x3ac: {  	v15 =	vld.idx.msk [tilespmem:v15+s12+$0x0], $0xffff;
	[tilespmem:v49+s15+$0x0] =	vst.idx.msk $0xffff, v18;
	v19 =	vadd.s32 s30, v3;
	v49 =	vadd.s32 s26, v3;
	v56 =	vor.u32 v9, v12  }
0x3ad: {  	[tilespmem:v58+s15+$0x0] =	vst.idx.msk $0xffff, v25;
	v25 =	vor.u32 v8, v40;
	v49 =	vand.u32 $0x7F, v49;
	v24 =	vor.u32 v9, v27  }
0x3ae: {  	v50 =	vor.u32 v8, v39;
	v11 =	vor.u32 s24, v6;
	v29 =	vor.u32 v9, v35  }
0x3af: {  	[tilespmem:v43+s15+$0x0] =	vst.idx.msk $0xffff, v46;
	s31 =	simm.s32 $0xC;
	v57 =	vand.u32 $0x7F, v53;
	v42 =	vor.u32 s23, v11;
	v28 =	vor.u32 v9, v14  }
0x3b0: {  	v33 =	vor.u32 v8, v57;
	v12 =	vadd.s32 s31, v3;
	v59 =	vor.u32 v9, v22;
	v20 =	vld.idx.msk [tilespmem:v20+s12+$0x0], $0xffff  }
0x3b1: {  	v30 =	vor.u32 v9, v30;
	[tilespmem:v13+s15+$0x0] =	vst.idx.msk $0xffff, v15;
	v15 =	vand.u32 $0x7F, v12;
	v12 =	vand.u32 $0x7F, v19;
	v19 =	vld.idx.msk [tilespmem:v56+s12+$0x0], $0xffff  }
0x3b2: {  	v10 =	vor.u32 v3, v9;
	v32 =	vor.u32 v9, v17;
	v17 =	vor.u32 v9, v39;
	v24 =	vld.idx.msk [tilespmem:v24+s12+$0x0], $0xffff  }
0x3b3: {  	v34 =	vor.u32 v9, v57;
	v27 =	vor.u32 v8, v27;
	v13 =	vor.u32 v9, v26;
	v29 =	vld.idx.msk [tilespmem:v29+s12+$0x0], $0xffff  }
0x3b4: {  	v22 =	vor.u32 v8, v22;
	v35 =	vor.u32 v8, v35;
	v39 =	vor.u32 v8, v14;
	v18 =	vld.idx.msk [tilespmem:v28+s12+$0x0], $0xffff  }
0x3b5: {  	s30 =	simm.s32 $0x17;
	v14 =	vor.u32 v8, v16;
	v36 =	vor.u32 v9, v16;
	v26 =	vor.u32 v9, v23;
	v40 =	vld.idx.msk [tilespmem:v59+s12+$0x0], $0xffff  }
0x3b6: {  	v23 =	vadd.s32 s30, v3;
	v58 =	vor.u32 v9, v15;
	v38 =	vor.u32 v9, v12;
	v30 =	vld.idx.msk [tilespmem:v30+s12+$0x0], $0xffff  }
0x3b7: {  	s25 =	simm.s32 $0x11;
	s24 =	simm.s32 $0x10;
	v63 =	vor.u32 s23, v10;
	v12 =	vor.u32 v8, v12;
	v52 =	vand.u32 $0x7F, v23;
	v54 =	vld.idx.msk [tilespmem:v17+s12+$0x0], $0xffff;
	[tilespmem:v25+s15+$0x0] =	vst.idx.msk $0xffff, v20  }
0x3b8: {  	s28 =	simm.s32 $0x14;
	s29 =	simm.s32 $0x15;
	v28 =	vadd.s32 s25, v3;
	v60 =	vld.idx.msk [tilespmem:v13+s12+$0x0], $0xffff;
	v13 =	vor.u32 v8, v15;
	v15 =	vor.u32 s24, v10;
	[tilespmem:v31+s15+$0x0] =	vst.idx.msk $0xffff, v19  }
0x3b9: {  	s31 =	simm.s32 $0x18;
	s30 =	simm.s32 $0x1D;
	v17 =	vor.u32 v9, v52;
	v20 =	vld.idx.msk [tilespmem:v34+s12+$0x0], $0xffff;
	v25 =	vadd.s32 s28, v3;
	v34 =	vadd.s32 s29, v3;
	s28 =	simm.s32 $0x1B;
	[tilespmem:v27+s15+$0x0] =	vst.idx.msk $0xffff, v24  }
0x3ba: {  	v31 =	vadd.s32 s31, v3;
	s29 =	simm.s32 $0x13;
	s31 =	simm.s32 $0x1E;
	v27 =	vadd.s32 s30, v3;
	[tilespmem:v35+s15+$0x0] =	vst.idx.msk $0xffff, v29;
	v46 =	vadd.s32 s28, v3  }
0x3bb: {  	[tilespmem:v39+s15+$0x0] =	vst.idx.msk $0xffff, v18;
	s30 =	simm.s32 $0x16;
	v24 =	vadd.s32 s29, v3;
	v62 =	vadd.s32 s31, v3;
	v56 =	vand.u32 $0x7F, v25  }
0x3bc: {  	v26 =	vld.idx.msk [tilespmem:v26+s12+$0x0], $0xffff;
	[tilespmem:v41+s15+$0x0] =	vst.idx.msk $0xffff, v30;
	s29 =	simm.s32 $0x19;
	v31 =	vand.u32 $0x7F, v31;
	v30 =	vadd.s32 s30, v3;
	v47 =	vand.u32 $0x7F, v62  }
0x3bd: {  	[tilespmem:v22+s15+$0x0] =	vst.idx.msk $0xffff, v40;
	v29 =	vadd.s32 s29, v3;
	v18 =	vand.u32 $0x7F, v46;
	v62 =	vand.u32 $0x7F, v27  }
0x3be: {  	v19 =	vld.idx.msk [tilespmem:v63+s12+$0x0], $0xffff;
	s28 =	simm.s32 $0x1F;
	v27 =	vor.u32 v9, v31;
	v48 =	vand.u32 $0x7F, v30;
	[tilespmem:v21+s15+$0x0] =	vst.idx.msk $0xffff, v60;
	v21 =	vand.u32 $0x7F, v28  }
0x3bf: {  	v23 =	vld.idx.msk [tilespmem:v58+s12+$0x0], $0xffff;
	[tilespmem:v50+s15+$0x0] =	vst.idx.msk $0xffff, v54;
	v63 =	vor.u32 v9, v47;
	v28 =	vadd.s32 s28, v3;
	v60 =	vand.u32 $0x7F, v61  }
0x3c0: {  	v25 =	vld.idx.msk [tilespmem:v32+s12+$0x0], $0xffff;
	v61 =	vand.u32 $0x7F, v24;
	v40 =	vor.u32 v9, v62;
	v44 =	vor.u32 v8, v47  }
0x3c1: {  	v24 =	vand.u32 $0x7F, v29;
	[tilespmem:v45+s15+$0x0] =	vst.idx.msk $0xffff, v26;
	v47 =	vor.u32 v9, v18;
	v35 =	vor.u32 v9, v21  }
0x3c2: {  	v29 =	vld.idx.msk [tilespmem:v38+s12+$0x0], $0xffff;
	v30 =	vor.u32 v8, v18;
	v55 =	vor.u32 v9, v61;
	[tilespmem:v33+s15+$0x0] =	vst.idx.msk $0xffff, v20  }
0x3c3: {  	v38 =	vor.u32 v9, v56;
	v20 =	vor.u32 v9, v60;
	[tilespmem:v42+s15+$0x0] =	vst.idx.msk $0xffff, v19;
	v19 =	vand.u32 $0x7F, v34  }
0x3c4: {  	v18 =	vor.u32 v8, v49;
	v32 =	vor.u32 v8, v62;
	v37 =	vld.idx.msk [tilespmem:v63+s12+$0x0], $0xffff;
	v63 =	vor.u32 v9, v19  }
0x3c5: {  	v53 =	vand.u32 $0x7F, v28;
	v28 =	vld.idx.msk [tilespmem:v36+s12+$0x0], $0xffff;
	v43 =	vor.u32 v8, v21;
	v36 =	vor.u32 v8, v60  }
0x3c6: {  	s31 =	simm.s32 $0x1C;
	v21 =	vor.u32 v9, v48;
	v42 =	vor.u32 v9, v53;
	v34 =	vor.u32 v8, v61;
	v46 =	vld.idx.msk [tilespmem:v35+s12+$0x0], $0xffff  }
0x3c7: {  	v33 =	vor.u32 v9, v49;
	v22 =	vor.u32 v8, v19;
	v19 =	vadd.s32 s31, v3;
	v39 =	vld.idx.msk [tilespmem:v55+s12+$0x0], $0xffff  }
0x3c8: {  	v16 =	vor.u32 s24, v11;
	[tilespmem:v51+s15+$0x0] =	vst.idx.msk $0xffff, v25;
	v25 =	vor.u32 v8, v53;
	v45 =	vand.u32 $0x7F, v19;
	v35 =	vld.idx.msk [tilespmem:v20+s12+$0x0], $0xffff  }
0x3c9: {  	s23 =	simm.s32 $0x20;
	v19 =	vor.u32 v8, v56;
	v26 =	vor.u32 v9, v45;
	v20 =	vor.u32 v8, v52;
	v41 =	vld.idx.msk [tilespmem:v63+s12+$0x0], $0xffff  }
.LBB2_24:
0x3ca: {  	s24 =	sadd.s32 $0x1, s23;
	s25 =	sadd.s32 $0x2, s23;
	s26 =	sadd.s32 $0x3, s23;
	v48 =	vor.u32 v8, v48;
	v45 =	vor.u32 v8, v45;
	v40 =	vld.idx.msk [tilespmem:v40+s12+$0x0], $0xffff;
	[tilespmem:v44+s15+$0x0] =	vst.idx.msk $0xffff, v37  }
0x3cb: {  	s28 =	sadd.s32 $0x7, s23;
	v37 =	vadd.s32 s24, v3;
	v44 =	vadd.s32 s25, v3;
	s24 =	sadd.s32 $0x4, s23;
	s25 =	sadd.s32 $0x5, s23;
	[tilespmem:v43+s15+$0x0] =	vst.idx.msk $0xffff, v46;
	v46 =	vor.u32 v8, v31;
	v31 =	vld.idx.msk [tilespmem:v47+s12+$0x0], $0xffff  }
0x3cc: {  	s29 =	sadd.s32 $0xF, s23;
	v50 =	vor.u32 v8, v24;
	v43 =	vadd.s32 s24, v3;
	v47 =	vadd.s32 s25, v3;
	s24 =	sadd.s32 $0x8, s23;
	s25 =	sadd.s32 $0x9, s23;
	v49 =	vld.idx.msk [tilespmem:v15+s12+$0x0], $0xffff;
	[tilespmem:v13+s15+$0x0] =	vst.idx.msk $0xffff, v23  }
0x3cd: {  	s30 =	sadd.s32 $0xB, s23;
	v24 =	vor.u32 v9, v24;
	v23 =	vadd.s32 s28, v3;
	s28 =	sadd.s32 $0xA, s23;
	v51 =	vadd.s32 s24, v3;
	s24 =	sadd.s32 $0xC, s23;
	v42 =	vld.idx.msk [tilespmem:v42+s12+$0x0], $0xffff;
	[tilespmem:v14+s15+$0x0] =	vst.idx.msk $0xffff, v28  }
0x3ce: {  	s31 =	sadd.s32 $0x6, s23;
	v15 =	vor.u32 s23, v10;
	v13 =	vmovc v45;
	v52 =	vadd.s32 s28, v3;
	v28 =	vadd.s32 s30, v3;
	s28 =	sadd.s32 $0xD, s23;
	s30 =	sadd.s32 $0xE, s23;
	v14 =	vmovc v50;
	[tilespmem:v36+s15+$0x0] =	vst.idx.msk $0xffff, v35  }
0x3cf: {  	p0 =	slt.u32 s23, $0x70;
	v35 =	vadd.s32 s26, v3;
	v36 =	vadd.s32 s28, v3;
	v45 =	vadd.s32 s30, v3;
	s26 =	smov.u32 s23;
	s23 =	sadd.s32 $0x10, s23;
	[tilespmem:v12+s15+$0x0] =	vst.idx.msk $0xffff, v29;
	v12 =	vmovc v48  }
0x3d0: {  	v50 =	vand.u32 $0x7F, v23;
	v48 =	vor.u32 s26, v11;
	v29 =	vand.u32 $0x7F, v45;
	v38 =	vld.idx.msk [tilespmem:v38+s12+$0x0], $0xffff;
	[tilespmem:v22+s15+$0x0] =	vst.idx.msk $0xffff, v41  }
0x3d1: {  	v41 =	vand.u32 $0x7F, v37;
	v37 =	vor.u32 v9, v29;
	v22 =	vadd.s32 s29, v3;
	[tilespmem:v34+s15+$0x0] =	vst.idx.msk $0xffff, v39;
	v27 =	vld.idx.msk [tilespmem:v27+s12+$0x0], $0xffff  }
0x3d2: {  	v34 =	vor.u32 v9, v41;
	v39 =	vand.u32 $0x7F, v44;
	v44 =	vadd.s32 s25, v3;
	[tilespmem:v30+s15+$0x0] =	vst.idx.msk $0xffff, v31;
	v23 =	vld.idx.msk [tilespmem:v26+s12+$0x0], $0xffff  }
0x3d3: {  	v53 =	vand.u32 $0x7F, v35;
	v54 =	vand.u32 $0x7F, v22;
	v26 =	vor.u32 v9, v39;
	[tilespmem:v16+s15+$0x0] =	vst.idx.msk $0xffff, v49;
	v33 =	vld.idx.msk [tilespmem:v33+s12+$0x0], $0xffff  }
0x3d4: {  	v55 =	vand.u32 $0x7F, v43;
	v30 =	vand.u32 $0x7F, v47;
	v49 =	vor.u32 v9, v53;
	v56 =	vld.idx.msk [tilespmem:v17+s12+$0x0], $0xffff;
	[tilespmem:v32+s15+$0x0] =	vst.idx.msk $0xffff, v40  }
0x3d5: {  	v57 =	vand.u32 $0x7F, v36;
	v17 =	vor.u32 v9, v50;
	v32 =	vand.u32 $0x7F, v28;
	v28 =	vld.idx.msk [tilespmem:v24+s12+$0x0], $0xffff;
	[tilespmem:v25+s15+$0x0] =	vst.idx.msk $0xffff, v42  }
0x3d6: {  	v31 =	vand.u32 $0x7F, v51;
	v22 =	vor.u32 v8, v30;
	v24 =	vand.u32 $0x7F, v44;
	v37 =	vld.idx.msk [tilespmem:v37+s12+$0x0], $0xffff;
	[tilespmem:v19+s15+$0x0] =	vst.idx.msk $0xffff, v38  }
0x3d7: {  	v16 =	vmovc v48;
	v40 =	vor.u32 v9, v57;
	v25 =	vadd.s32 s31, v3;
	v44 =	vor.u32 v8, v29;
	v29 =	vld.idx.msk [tilespmem:v21+s12+$0x0], $0xffff  }
0x3d8: {  	v43 =	vor.u32 v8, v41;
	v41 =	vor.u32 v9, v30;
	v19 =	vadd.s32 s24, v3;
	[tilespmem:v46+s15+$0x0] =	vst.idx.msk $0xffff, v27  }
0x3d9: {  	v47 =	vor.u32 v9, v32;
	v45 =	vand.u32 $0x7F, v19;
	v27 =	vor.u32 v9, v31;
	v46 =	vld.idx.msk [tilespmem:v34+s12+$0x0], $0xffff  }
.Ltmp10:
0x3da: {  	v36 =	vor.u32 v8, v39;
	v42 =	vor.u32 v9, v54;
	v35 =	vld.idx.msk [tilespmem:v26+s12+$0x0], $0xffff;
	v26 =	vor.u32 v9, v45;
	(pc) =	sbr.rel @p0 .LBB2_24-.Ltmp10, $4  }
0x3db: {  	v30 =	vor.u32 v8, v32;
	v48 =	vand.u32 $0x7F, v25;
	v19 =	vor.u32 v8, v55;
	[tilespmem:v20+s15+$0x0] =	vst.idx.msk $0xffff, v56  }
0x3dc: {  	v32 =	vand.u32 $0x7F, v52;
	v25 =	vor.u32 v8, v54;
	v21 =	vor.u32 v9, v48;
	[tilespmem:v18+s15+$0x0] =	vst.idx.msk $0xffff, v33  }
0x3dd: {  	v38 =	vor.u32 v9, v55;
	v34 =	vor.u32 v8, v53;
	v18 =	vor.u32 v8, v32;
	v41 =	vld.idx.msk [tilespmem:v41+s12+$0x0], $0xffff  }
0x3de: {  	v20 =	vor.u32 v8, v50;
	v33 =	vor.u32 v9, v32;
	v32 =	vor.u32 v8, v57;
	v39 =	vld.idx.msk [tilespmem:v49+s12+$0x0], $0xffff  }
0x3df: {  	_ =	sdelay $0x3  }
0x3e0: {  	[tilespmem:v44+s15+$0x0] =	vst.idx.msk $0xffff, v37  }
0x3e1: {  	[tilespmem:v43+s15+$0x0] =	vst.idx.msk $0xffff, v46  }
0x3e2: {  	[tilespmem:v13+s15+$0x0] =	vst.idx.msk $0xffff, v23  }
0x3e3: {  	v10 =	vld.idx.msk [tilespmem:v47+s12+$0x0], $0xffff;
	[tilespmem:v14+s15+$0x0] =	vst.idx.msk $0xffff, v28  }
0x3e4: {  	v11 =	vld.idx.msk [tilespmem:v15+s12+$0x0], $0xffff;
	[tilespmem:v36+s15+$0x0] =	vst.idx.msk $0xffff, v35  }
0x3e5: {  	v53 =	vld.idx.msk [tilespmem:v40+s12+$0x0], $0xffff;
	[tilespmem:v12+s15+$0x0] =	vst.idx.msk $0xffff, v29  }
0x3e6: {  	v54 =	vld.idx.msk [tilespmem:v42+s12+$0x0], $0xffff;
	[tilespmem:v22+s15+$0x0] =	vst.idx.msk $0xffff, v41  }
0x3e7: {  	v55 =	vld.idx.msk [tilespmem:v38+s12+$0x0], $0xffff;
	[tilespmem:v34+s15+$0x0] =	vst.idx.msk $0xffff, v39  }
0x3e8: {  	v9 =	vor.u32 v9, v24;
	v56 =	vor.u32 v8, v31;
	v57 =	vld.idx.msk [tilespmem:v27+s12+$0x0], $0xffff;
	[tilespmem:v30+s15+$0x0] =	vst.idx.msk $0xffff, v10  }
0x3e9: {  	v58 =	vld.idx.msk [tilespmem:v17+s12+$0x0], $0xffff;
	[tilespmem:v16+s15+$0x0] =	vst.idx.msk $0xffff, v11  }
0x3ea: {  	v59 =	vld.idx.msk [tilespmem:v33+s12+$0x0], $0xffff;
	[tilespmem:v32+s15+$0x0] =	vst.idx.msk $0xffff, v53  }
0x3eb: {  	v60 =	vor.u32 v8, v45;
	v61 =	vld.idx.msk [tilespmem:v26+s12+$0x0], $0xffff;
	[tilespmem:v25+s15+$0x0] =	vst.idx.msk $0xffff, v54  }
0x3ec: {  	v62 =	vor.u32 v8, v24;
	v8 =	vor.u32 v8, v48;
	v63 =	vld.idx.msk [tilespmem:v21+s12+$0x0], $0xffff;
	[tilespmem:v19+s15+$0x0] =	vst.idx.msk $0xffff, v55  }
0x3ed: {  	p0 =	slt.u32 s22, $0x6;
	v9 =	vld.idx.msk [tilespmem:v9+s12+$0x0], $0xffff;
	[tilespmem:v56+s15+$0x0] =	vst.idx.msk $0xffff, v57  }
.Ltmp11:
0x3ee: {  	[tilespmem:v20+s15+$0x0] =	vst.idx.msk $0xffff, v58;
	(pc) =	sbr.rel @p0 .LBB2_21-.Ltmp11, $4  }
0x3ef: {  	[tilespmem:v18+s15+$0x0] =	vst.idx.msk $0xffff, v59  }
0x3f0: {  	[tilespmem:v60+s15+$0x0] =	vst.idx.msk $0xffff, v61  }
0x3f1: {  	s23 =	sadd.s32 $0x2, s22;
	[tilespmem:v8+s15+$0x0] =	vst.idx.msk $0xffff, v63  }
0x3f2: {  	s22 =	smov.u32 s23;
	[tilespmem:v62+s15+$0x0] =	vst.idx.msk $0xffff, v9  }
0x3f3: {  	s19 =	sadd.s32 $0x1, s19  }
0x3f4: {  	p0 =	sne.s32 s19, $0x18  }
.Ltmp12:
0x3f5: {  	s20 =	sshll.u32 s20, $0xE;
	(pc) =	sbr.rel @p0 .LBB2_14-.Ltmp12, $4  }
0x3f6: {  	s20 =	sadd.s32 s9, s20  }
0x3f7: {  	s20 =	sshrl.u32 s20, $0x3  }
0x3f8: {  	s20 =	sadd.s32 s4, s20  }
0x3f9: {  	[hbm4b:s20+s5] =	stream.linear.scatter [tilespmem:s15], [sflag:$0x2], $0x4000, $0x38;
	[tilespmem:$0x11A80] =	vst v63  }
0x3fa: {  	s18 =	sadd.s32 $0x1, s18  }
0x3fb: {  	_ =	swait.ge [sflag:s16], $0x4000;
	p0 =	sne.s32 s18, s10  }
.Ltmp13:
0x3fc: {  	[sflag:s16] =	ssyncset.done $0x0;
	(pc) =	sbr.rel @p0 .LBB2_1-.Ltmp13, $4  }
0x3fd: {  	[sflag:s16] =	ssyncadd.s32 $0xFFFFC000  }
0x3fe: {  	_ =	swait.ge [sflag:s17], $0x4000  }
0x3ff: {  	[sflag:s17] =	ssyncset.done $0x0  }
0x400: {  	[sflag:s17] =	ssyncadd.s32 $0xFFFFC000  }
0x401: {  	_ =	sfence.sel $0x180000  }
0x402: {  	[bflag:$0x0] =	sbarrier.arrive $0xFFFF  }
0x403: {  	p0 =	sne.s32 s0, $0x0;
	_ =	strace $0x90000047  }
0x404: {  	s0 =	sadd.s32 @!p0 $0x100000, s2;
	[bflag:$0x2] =	sbarrier.arrive $0xFFFF  }
0x405: {  	[sflag:s0] =	ssyncadd.tile.s32 @!p0 $0x1;
	_ =	shalt  }
.Lfunc_end2:
_tile_overlayer_lowered:
.L_overlay_start_2:
0x406: {  	(tag) =	ssettag $0x2  }
0x407: {  	s0 =	rddreg [dreg:$0x0];
	s2 =	stileid.u32  }
0x408: {  	s1 =	rddreg [dreg:$0x1];
	p0 =	sne.s32 s2, $0x0  }
0x409: {  	s3 =	rddreg [dreg:$0x2];
	[bflag:$0x3] =	sbarrier.arrive $0xFFFF;
	s2 =	simm.s32 @!p0 $0x1C03  }
0x40a: {  	[timem:s3], [sflag:s2] =	dma.local @!p0 [hbm:s0], s1  }
0x40b: {  	s0 =	simm.s32 @!p0 $0x3  }
0x40c: {  	_ =	swait.ge @!p0 [sflag:s0], s1  }
0x40d: {  	s1 =	ssub.s32 @!p0 $0x0, s1;
	[sflag:s0] =	ssyncset.done @!p0 $0x0  }
0x40e: {  	[sflag:s0] =	ssyncadd.s32 @!p0 s1  }
0x40f: {  	[bflag:$0x3] =	sbarrier.arrive $0xFFFF  }
0x410: {  	_ =	shalt  }

</sc_bundles>
